<compile_context>
chip_gen: v7x
topology: tpu7x:2x2x1
jax: 0.10.2.dev20260603
libtpu: 0.0.44.dev20260713+nightly
codegen_flags: <defaults>
</compile_context>

<pallas_src>
import jax
import jax.numpy as jnp
from jax import lax
from jax.experimental import pallas as pl
from jax.experimental.pallas import tpu as pltpu
from jax.experimental.pallas import tpu_sc as plsc

N = 10000
E = 320000
D = 128

NC, NS = 2, 16
NW = NC * NS
NPAD = 10240
EPW = E // NW
K = 40
NCH = EPW // K
KA = 80
NCHA = EPW // KA
ROWS_PT = NPAD // NS
APT = NPAD // NS

_mesh = plsc.VectorSubcoreMesh(
    core_axis_name="c", subcore_axis_name="s", num_cores=NC, num_subcores=NS)


ASLOT = 8


def _hist_body(row_hbm, ones_hbm, zeros_hbm, out_hbm, *scr):
    ridxs = scr[0:ASLOT]
    ones_v = scr[ASLOT]
    deg_s = scr[ASLOT + 1]
    isems = scr[ASLOT + 2:2 * ASLOT + 2]
    ssems = scr[2 * ASLOT + 2:3 * ASLOT + 2]
    c = lax.axis_index("c")
    s = lax.axis_index("s")
    w = c * NS + s

    pltpu.sync_copy(zeros_hbm, deg_s.at[pl.ds(s * (NPAD // NS), NPAD // NS)])
    pltpu.sync_copy(ones_hbm, ones_v)

    def r_src(i):
        return row_hbm.at[pl.ds(w * EPW + i * KA, KA)]

    def issue_idx(i, b):
        pltpu.async_copy(r_src(i), ridxs[b], isems[b])

    def wait_idx(i, b):
        pltpu.make_async_copy(r_src(i), ridxs[b], isems[b]).wait()

    def issue_scatter(i, b):
        pltpu.async_copy(ones_v, deg_s.at[ridxs[b]], ssems[b], add=True)

    def wait_scatter(i, b):
        pltpu.make_async_copy(ones_v, deg_s.at[ridxs[b]], ssems[b]).wait()

    plsc.subcore_barrier()
    for b in range(ASLOT):
        issue_idx(b, b)

    def body(j, _):
        for b in range(ASLOT):
            i = ASLOT * j + b

            @pl.when(i < NCHA)
            def _():
                wait_idx(i, b)
                issue_scatter(i, b)

        for b in range(ASLOT):
            i = ASLOT * j + b

            @pl.when(i + ASLOT < NCHA)
            def _():
                wait_scatter(i, b)
                issue_idx(i + ASLOT, b)

        return 0

    lax.fori_loop(0, (NCHA + ASLOT - 1) // ASLOT, body, 0)
    for i in range(NCHA - ASLOT, NCHA):
        wait_scatter(i, i % ASLOT)
    plsc.subcore_barrier()

    pltpu.sync_copy(deg_s.at[pl.ds(s * (NPAD // NS), NPAD // NS)],
                    out_hbm.at[c, pl.ds(s * (NPAD // NS), NPAD // NS)])


_hist_call = pl.kernel(
    _hist_body,
    out_type=jax.ShapeDtypeStruct((NC, NPAD), jnp.float32),
    mesh=_mesh,
    scratch_types=(
        [pltpu.VMEM((KA,), jnp.int32) for _ in range(ASLOT)]
        + [pltpu.VMEM((KA,), jnp.float32),
           pltpu.VMEM_SHARED((NPAD,), jnp.float32)]
        + [pltpu.SemaphoreType.DMA] * (2 * ASLOT)
    ),
)


def _hist(row):
    ones = jnp.ones((KA,), jnp.float32)
    zeros = jnp.zeros((NPAD // NS,), jnp.float32)
    return _hist_call(row, ones, zeros)


NBUF = 8


def _agg_body(g_hbm, col_hbm, row_hbm, zeros_hbm, out_hbm, acc_s, *scr):
    cidxs = scr[0:NBUF]
    ridxs = scr[NBUF:2 * NBUF]
    bufs = scr[2 * NBUF:3 * NBUF]
    isems = scr[3 * NBUF:4 * NBUF]
    gsems = scr[4 * NBUF:5 * NBUF]
    ssems = scr[5 * NBUF:6 * NBUF]
    c = lax.axis_index("c")
    s = lax.axis_index("s")
    w = c * NS + s

    pltpu.sync_copy(zeros_hbm, acc_s.at[pl.ds(s * APT, APT)])

    def c_src(i):
        return col_hbm.at[pl.ds(w * EPW + i * K, K)]

    def r_src(i):
        return row_hbm.at[pl.ds(w * EPW + i * K, K)]

    def issue_idx(i, b):
        pltpu.async_copy(c_src(i), cidxs[b], isems[b])
        pltpu.async_copy(r_src(i), ridxs[b], isems[b])

    def wait_idx(i, b):
        pltpu.make_async_copy(c_src(i), cidxs[b], isems[b]).wait()
        pltpu.make_async_copy(r_src(i), ridxs[b], isems[b]).wait()

    def issue_gather(i, b):
        pltpu.async_copy(g_hbm.at[cidxs[b]], bufs[b], gsems[b])

    def wait_gather(i, b):
        pltpu.make_async_copy(g_hbm.at[cidxs[b]], bufs[b], gsems[b]).wait()

    def issue_scatter(i, b):
        pltpu.async_copy(bufs[b], acc_s.at[ridxs[b]], ssems[b], add=True)

    def wait_scatter(i, b):
        pltpu.make_async_copy(bufs[b], acc_s.at[ridxs[b]], ssems[b]).wait()

    plsc.subcore_barrier()
    for b in range(NBUF):
        issue_idx(b, b)
    for b in range(NBUF):
        wait_idx(b, b)
        issue_gather(b, b)

    def body(j, _):
        for b in range(NBUF):
            i = NBUF * j + b

            @pl.when(i < NCH)
            def _():
                wait_gather(i, b)
                issue_scatter(i, b)

        for b in range(NBUF):
            i = NBUF * j + b

            @pl.when(i + NBUF < NCH)
            def _():
                wait_scatter(i, b)
                issue_idx(i + NBUF, b)

        for b in range(NBUF):
            i = NBUF * j + b

            @pl.when(i + NBUF < NCH)
            def _():
                wait_idx(i + NBUF, b)
                issue_gather(i + NBUF, b)

        return 0

    lax.fori_loop(0, (NCH + NBUF - 1) // NBUF, body, 0)
    for i in range(NCH - NBUF, NCH):
        wait_scatter(i, i % NBUF)
    plsc.subcore_barrier()

    pltpu.sync_copy(acc_s.at[pl.ds(s * APT, APT)],
                    out_hbm.at[c, pl.ds(s * APT, APT)])


_agg_call = pl.kernel(
    _agg_body,
    out_type=jax.ShapeDtypeStruct((NC, NPAD, D), jnp.float32),
    mesh=_mesh,
    scratch_types=(
        [pltpu.VMEM_SHARED((NPAD, D), jnp.float32)]
        + [pltpu.VMEM((K,), jnp.int32) for _ in range(2 * NBUF)]
        + [pltpu.VMEM((K, D), jnp.float32) for _ in range(NBUF)]
        + [pltpu.SemaphoreType.DMA] * (3 * NBUF)
    ),
)


def _aggregate(g, row, col):
    zeros = jnp.zeros((APT, D), jnp.float32)
    return _agg_call(g, col, row, zeros)


_RB = 2000


def _linear_body(x_ref, w_ref, degp_ref, g_ref, dis_ref):
    deg = degp_ref[0] + degp_ref[1] + 2.0
    dis = lax.rsqrt(deg)
    h = jnp.dot(x_ref[...], w_ref[...], preferred_element_type=jnp.float32)
    g_ref[...] = dis * h
    dis_ref[...] = dis


def _linear(x, weight, deg_part):
    return pl.pallas_call(
        _linear_body,
        grid=(N // _RB,),
        in_specs=[
            pl.BlockSpec((_RB, D), lambda i: (i, 0)),
            pl.BlockSpec((D, D), lambda i: (0, 0)),
            pl.BlockSpec((NC, _RB, 1), lambda i: (0, i, 0)),
        ],
        out_specs=[
            pl.BlockSpec((_RB, D), lambda i: (i, 0)),
            pl.BlockSpec((_RB, 1), lambda i: (i, 0)),
        ],
        out_shape=[
            jax.ShapeDtypeStruct((N, D), jnp.float32),
            jax.ShapeDtypeStruct((N, 1), jnp.float32),
        ],
    )(x, weight, deg_part.reshape(NC, NPAD, 1))


def _finish_body(acc_ref, g_ref, dis_ref, o_ref):
    acc = acc_ref[0] + acc_ref[1]
    o_ref[...] = jnp.maximum(dis_ref[...] * (acc + 2.0 * g_ref[...]), 0.0)


def _finish(acc, g, dis):
    return pl.pallas_call(
        _finish_body,
        grid=(N // _RB,),
        in_specs=[
            pl.BlockSpec((NC, _RB, D), lambda i: (0, i, 0)),
            pl.BlockSpec((_RB, D), lambda i: (i, 0)),
            pl.BlockSpec((_RB, 1), lambda i: (i, 0)),
        ],
        out_specs=pl.BlockSpec((_RB, D), lambda i: (i, 0)),
        out_shape=jax.ShapeDtypeStruct((N, D), jnp.float32),
    )(acc, g, dis)


def kernel(x, edge_index, weight):
    row = edge_index[0]
    col = edge_index[1]
    deg_part = _hist(row)
    g, dis = _linear(x, weight, deg_part)
    acc = _aggregate(g, row, col)
    out = _finish(acc, g, dis)
    return out

# --- scband reference (transcript-rebuilt; emitter-appended) ---
"""Pipeline reference for scband-ustring-62045097558247 (READ-ONLY COPY).

The authoritative reference and input builder live on the scoring server;
editing this copy changes nothing except your own understanding.
"""

import jax, jax.numpy as jnp
import numpy as np

N_NODES = 10000
N_EDGES = 320000
D_IN = 128
D_OUT = 128


def setup_inputs(seed: int = 0) -> dict:
    key = jax.random.key(seed)
    k1, k2, k3 = jax.random.split(key, 3)
    x = jax.random.normal(k1, (N_NODES, D_IN), dtype=jnp.float32)
    edge_index = jax.random.randint(k2, (2, N_EDGES), 0, N_NODES, dtype=jnp.int32)
    # glorot init for GCNConv weight
    limit = float(np.sqrt(6.0 / (D_IN + D_OUT)))
    weight = jax.random.uniform(k3, (D_IN, D_OUT), dtype=jnp.float32, minval=-limit, maxval=limit)
    return {"x": x, "edge_index": edge_index, "weight": weight}


def _gcn_forward(x, weight, edge_index):
    N = x.shape[0]
    # linear transform
    h = x @ weight
    # add self loops; improved=True -> fill_value = 2 for self-loop edge weight
    loop = jnp.arange(N, dtype=edge_index.dtype)
    row = jnp.concatenate([edge_index[0], loop])
    col = jnp.concatenate([edge_index[1], loop])
    ew = jnp.concatenate([
        jnp.ones((edge_index.shape[1],), dtype=h.dtype),
        2.0 * jnp.ones((N,), dtype=h.dtype),
    ])
    # symmetric normalization deg^{-1/2} A deg^{-1/2}
    deg = jax.ops.segment_sum(ew, row, num_segments=N)
    deg_inv_sqrt = jnp.where(deg > 0, jax.lax.rsqrt(jnp.maximum(deg, 1e-12)), 0.0)
    norm = deg_inv_sqrt[row] * ew * deg_inv_sqrt[col]
    # message: norm * x_j (gather source features), aggregate 'add' by target index row
    msg = norm[:, None] * jnp.take(h, col, axis=0)
    out = jax.ops.segment_sum(msg, row, num_segments=N)
    # act=F.relu
    out = jax.nn.relu(out)
    return out


def reference(x, edge_index, weight):
    return _gcn_forward(x, weight, edge_index)

if __name__ == "__main__":
    import jax
    _d = setup_inputs()
    print(jax.jit(kernel)(*tuple(_d.values())))

</pallas_src>

<mosaic_0001>
#map = affine_map<(d0, d1) -> (0, 0)>
#map1 = affine_map<(d0, d1) -> (0)>
#map2 = affine_map<(d0, d1) -> (0, 0, 0)>
module attributes {stable_mosaic.version = 14 : i64} {
  func.func @_agg_body(%arg0: i32, %arg1: i32, %arg2: memref<10000x128xf32, #tpu.memory_space<hbm>>, %arg3: memref<320000xi32, #tpu.memory_space<hbm>>, %arg4: memref<320000xi32, #tpu.memory_space<hbm>>, %arg5: memref<640x128xf32, #tpu.memory_space<hbm>>, %arg6: memref<2x10240x128xf32, #tpu.memory_space<hbm>>, %arg7: memref<10240x128xf32, #tpu.memory_space<vmem_shared>>, %arg8: memref<40xi32, #tpu.memory_space<vmem>>, %arg9: memref<40xi32, #tpu.memory_space<vmem>>, %arg10: memref<40xi32, #tpu.memory_space<vmem>>, %arg11: memref<40xi32, #tpu.memory_space<vmem>>, %arg12: memref<40xi32, #tpu.memory_space<vmem>>, %arg13: memref<40xi32, #tpu.memory_space<vmem>>, %arg14: memref<40xi32, #tpu.memory_space<vmem>>, %arg15: memref<40xi32, #tpu.memory_space<vmem>>, %arg16: memref<40xi32, #tpu.memory_space<vmem>>, %arg17: memref<40xi32, #tpu.memory_space<vmem>>, %arg18: memref<40xi32, #tpu.memory_space<vmem>>, %arg19: memref<40xi32, #tpu.memory_space<vmem>>, %arg20: memref<40xi32, #tpu.memory_space<vmem>>, %arg21: memref<40xi32, #tpu.memory_space<vmem>>, %arg22: memref<40xi32, #tpu.memory_space<vmem>>, %arg23: memref<40xi32, #tpu.memory_space<vmem>>, %arg24: memref<40x128xf32, #tpu.memory_space<vmem>>, %arg25: memref<40x128xf32, #tpu.memory_space<vmem>>, %arg26: memref<40x128xf32, #tpu.memory_space<vmem>>, %arg27: memref<40x128xf32, #tpu.memory_space<vmem>>, %arg28: memref<40x128xf32, #tpu.memory_space<vmem>>, %arg29: memref<40x128xf32, #tpu.memory_space<vmem>>, %arg30: memref<40x128xf32, #tpu.memory_space<vmem>>, %arg31: memref<40x128xf32, #tpu.memory_space<vmem>>, %arg32: memref<!tpu.dma_semaphore, #tpu.memory_space<semaphore_mem>>, %arg33: memref<!tpu.dma_semaphore, #tpu.memory_space<semaphore_mem>>, %arg34: memref<!tpu.dma_semaphore, #tpu.memory_space<semaphore_mem>>, %arg35: memref<!tpu.dma_semaphore, #tpu.memory_space<semaphore_mem>>, %arg36: memref<!tpu.dma_semaphore, #tpu.memory_space<semaphore_mem>>, %arg37: memref<!tpu.dma_semaphore, #tpu.memory_space<semaphore_mem>>, %arg38: memref<!tpu.dma_semaphore, #tpu.memory_space<semaphore_mem>>, %arg39: memref<!tpu.dma_semaphore, #tpu.memory_space<semaphore_mem>>, %arg40: memref<!tpu.dma_semaphore, #tpu.memory_space<semaphore_mem>>, %arg41: memref<!tpu.dma_semaphore, #tpu.memory_space<semaphore_mem>>, %arg42: memref<!tpu.dma_semaphore, #tpu.memory_space<semaphore_mem>>, %arg43: memref<!tpu.dma_semaphore, #tpu.memory_space<semaphore_mem>>, %arg44: memref<!tpu.dma_semaphore, #tpu.memory_space<semaphore_mem>>, %arg45: memref<!tpu.dma_semaphore, #tpu.memory_space<semaphore_mem>>, %arg46: memref<!tpu.dma_semaphore, #tpu.memory_space<semaphore_mem>>, %arg47: memref<!tpu.dma_semaphore, #tpu.memory_space<semaphore_mem>>, %arg48: memref<!tpu.dma_semaphore, #tpu.memory_space<semaphore_mem>>, %arg49: memref<!tpu.dma_semaphore, #tpu.memory_space<semaphore_mem>>, %arg50: memref<!tpu.dma_semaphore, #tpu.memory_space<semaphore_mem>>, %arg51: memref<!tpu.dma_semaphore, #tpu.memory_space<semaphore_mem>>, %arg52: memref<!tpu.dma_semaphore, #tpu.memory_space<semaphore_mem>>, %arg53: memref<!tpu.dma_semaphore, #tpu.memory_space<semaphore_mem>>, %arg54: memref<!tpu.dma_semaphore, #tpu.memory_space<semaphore_mem>>, %arg55: memref<!tpu.dma_semaphore, #tpu.memory_space<semaphore_mem>>) attributes {dimension_semantics = [#tpu.dimension_semantics<core_parallel>, #tpu.dimension_semantics<subcore_parallel>], iteration_bounds = array<i64: 2, 16>, scalar_prefetch = 0 : i64, scratch_operands = 49 : i64, tpu.core_type = #tpu.core_type<sc_vector_subcore>, window_params = [{transform_indices = #map}, {transform_indices = #map1}, {transform_indices = #map1}, {transform_indices = #map}, {transform_indices = #map2}]} {
    %mul3A = arith.constant 16 : i32
    %mul3A_0 = arith.muli %arg0, %mul3A : i32
    %add3A = arith.addi %mul3A_0, %arg1 : i32
    %mul3A_1 = arith.constant 640 : i32
    %mul3A_2 = arith.muli %arg1, %mul3A_1 : i32
    "tpu.region"() ({
      %run_scoped3A = tpu.sem_alloc : memref<!tpu.dma_semaphore, #tpu.memory_space<semaphore_mem>>
      %dma_start3A_252 = arith.constant 0 : i32
      %dma_start3A_253 = tpu.memref_slice %arg7[%mul3A_2, %dma_start3A_252] : memref<10240x128xf32, #tpu.memory_space<vmem_shared>> -> memref<640x128xf32, #tpu.memory_space<vmem_shared>>
      tpu.enqueue_dma source(%arg5 : memref<640x128xf32, #tpu.memory_space<hbm>>) target(%dma_start3A_253 : memref<640x128xf32, #tpu.memory_space<vmem_shared>>) target_semaphore(%run_scoped3A : memref<!tpu.dma_semaphore, #tpu.memory_space<semaphore_mem>>)
      %dma_wait3A_254 = arith.constant 0 : i32
      %dma_wait3A_255 = tpu.memref_slice %arg7[%mul3A_2, %dma_wait3A_254] : memref<10240x128xf32, #tpu.memory_space<vmem_shared>> -> memref<640x128xf32, #tpu.memory_space<vmem_shared>>
      tpu.wait_dma2 semaphore(%run_scoped3A : memref<!tpu.dma_semaphore, #tpu.memory_space<semaphore_mem>>) src(%arg5 : memref<640x128xf32, #tpu.memory_space<hbm>>) dst(%dma_wait3A_255 : memref<640x128xf32, #tpu.memory_space<vmem_shared>>)
      tpu.yield
    }) : () -> ()
    %barrier3A = arith.constant 0 : index
    tpu.barrier barrier_id(%barrier3A)
    %mul3A_3 = arith.constant 10000 : i32
    %mul3A_4 = arith.muli %add3A, %mul3A_3 : i32
    %add3A_5 = arith.constant 0 : i32
    %add3A_6 = arith.addi %mul3A_4, %add3A_5 : i32
    %dma_start3A = tpu.memref_slice %arg3[%add3A_6] : memref<320000xi32, #tpu.memory_space<hbm>> -> memref<40xi32, #tpu.memory_space<hbm>>
    %dma_start3A_7 = tpu.memref_slice %arg3[%add3A_6] : memref<320000xi32, #tpu.memory_space<hbm>> -> memref<40xi32, #tpu.memory_space<hbm>>
    tpu.enqueue_dma source(%dma_start3A_7 : memref<40xi32, #tpu.memory_space<hbm>>) target(%arg8 : memref<40xi32, #tpu.memory_space<vmem>>) target_semaphore(%arg32 : memref<!tpu.dma_semaphore, #tpu.memory_space<semaphore_mem>>)
    %mul3A_8 = arith.constant 10000 : i32
    %mul3A_9 = arith.muli %add3A, %mul3A_8 : i32
    %add3A_10 = arith.constant 0 : i32
    %add3A_11 = arith.addi %mul3A_9, %add3A_10 : i32
    %dma_start3A_12 = tpu.memref_slice %arg4[%add3A_11] : memref<320000xi32, #tpu.memory_space<hbm>> -> memref<40xi32, #tpu.memory_space<hbm>>
    %dma_start3A_13 = tpu.memref_slice %arg4[%add3A_11] : memref<320000xi32, #tpu.memory_space<hbm>> -> memref<40xi32, #tpu.memory_space<hbm>>
    tpu.enqueue_dma source(%dma_start3A_13 : memref<40xi32, #tpu.memory_space<hbm>>) target(%arg16 : memref<40xi32, #tpu.memory_space<vmem>>) target_semaphore(%arg32 : memref<!tpu.dma_semaphore, #tpu.memory_space<semaphore_mem>>)
    %mul3A_14 = arith.constant 10000 : i32
    %mul3A_15 = arith.muli %add3A, %mul3A_14 : i32
    %add3A_16 = arith.constant 40 : i32
    %add3A_17 = arith.addi %mul3A_15, %add3A_16 : i32
    %dma_start3A_18 = tpu.memref_slice %arg3[%add3A_17] : memref<320000xi32, #tpu.memory_space<hbm>> -> memref<40xi32, #tpu.memory_space<hbm>>
    %dma_start3A_19 = tpu.memref_slice %arg3[%add3A_17] : memref<320000xi32, #tpu.memory_space<hbm>> -> memref<40xi32, #tpu.memory_space<hbm>>
    tpu.enqueue_dma source(%dma_start3A_19 : memref<40xi32, #tpu.memory_space<hbm>>) target(%arg9 : memref<40xi32, #tpu.memory_space<vmem>>) target_semaphore(%arg33 : memref<!tpu.dma_semaphore, #tpu.memory_space<semaphore_mem>>)
    %mul3A_20 = arith.constant 10000 : i32
    %mul3A_21 = arith.muli %add3A, %mul3A_20 : i32
    %add3A_22 = arith.constant 40 : i32
    %add3A_23 = arith.addi %mul3A_21, %add3A_22 : i32
    %dma_start3A_24 = tpu.memref_slice %arg4[%add3A_23] : memref<320000xi32, #tpu.memory_space<hbm>> -> memref<40xi32, #tpu.memory_space<hbm>>
    %dma_start3A_25 = tpu.memref_slice %arg4[%add3A_23] : memref<320000xi32, #tpu.memory_space<hbm>> -> memref<40xi32, #tpu.memory_space<hbm>>
    tpu.enqueue_dma source(%dma_start3A_25 : memref<40xi32, #tpu.memory_space<hbm>>) target(%arg17 : memref<40xi32, #tpu.memory_space<vmem>>) target_semaphore(%arg33 : memref<!tpu.dma_semaphore, #tpu.memory_space<semaphore_mem>>)
    %mul3A_26 = arith.constant 10000 : i32
    %mul3A_27 = arith.muli %add3A, %mul3A_26 : i32
    %add3A_28 = arith.constant 80 : i32
    %add3A_29 = arith.addi %mul3A_27, %add3A_28 : i32
    %dma_start3A_30 = tpu.memref_slice %arg3[%add3A_29] : memref<320000xi32, #tpu.memory_space<hbm>> -> memref<40xi32, #tpu.memory_space<hbm>>
    %dma_start3A_31 = tpu.memref_slice %arg3[%add3A_29] : memref<320000xi32, #tpu.memory_space<hbm>> -> memref<40xi32, #tpu.memory_space<hbm>>
    tpu.enqueue_dma source(%dma_start3A_31 : memref<40xi32, #tpu.memory_space<hbm>>) target(%arg10 : memref<40xi32, #tpu.memory_space<vmem>>) target_semaphore(%arg34 : memref<!tpu.dma_semaphore, #tpu.memory_space<semaphore_mem>>)
    %mul3A_32 = arith.constant 10000 : i32
    %mul3A_33 = arith.muli %add3A, %mul3A_32 : i32
    %add3A_34 = arith.constant 80 : i32
    %add3A_35 = arith.addi %mul3A_33, %add3A_34 : i32
    %dma_start3A_36 = tpu.memref_slice %arg4[%add3A_35] : memref<320000xi32, #tpu.memory_space<hbm>> -> memref<40xi32, #tpu.memory_space<hbm>>
    %dma_start3A_37 = tpu.memref_slice %arg4[%add3A_35] : memref<320000xi32, #tpu.memory_space<hbm>> -> memref<40xi32, #tpu.memory_space<hbm>>
    tpu.enqueue_dma source(%dma_start3A_37 : memref<40xi32, #tpu.memory_space<hbm>>) target(%arg18 : memref<40xi32, #tpu.memory_space<vmem>>) target_semaphore(%arg34 : memref<!tpu.dma_semaphore, #tpu.memory_space<semaphore_mem>>)
    %mul3A_38 = arith.constant 10000 : i32
    %mul3A_39 = arith.muli %add3A, %mul3A_38 : i32
    %add3A_40 = arith.constant 120 : i32
    %add3A_41 = arith.addi %mul3A_39, %add3A_40 : i32
    %dma_start3A_42 = tpu.memref_slice %arg3[%add3A_41] : memref<320000xi32, #tpu.memory_space<hbm>> -> memref<40xi32, #tpu.memory_space<hbm>>
    %dma_start3A_43 = tpu.memref_slice %arg3[%add3A_41] : memref<320000xi32, #tpu.memory_space<hbm>> -> memref<40xi32, #tpu.memory_space<hbm>>
    tpu.enqueue_dma source(%dma_start3A_43 : memref<40xi32, #tpu.memory_space<hbm>>) target(%arg11 : memref<40xi32, #tpu.memory_space<vmem>>) target_semaphore(%arg35 : memref<!tpu.dma_semaphore, #tpu.memory_space<semaphore_mem>>)
    %mul3A_44 = arith.constant 10000 : i32
    %mul3A_45 = arith.muli %add3A, %mul3A_44 : i32
    %add3A_46 = arith.constant 120 : i32
    %add3A_47 = arith.addi %mul3A_45, %add3A_46 : i32
    %dma_start3A_48 = tpu.memref_slice %arg4[%add3A_47] : memref<320000xi32, #tpu.memory_space<hbm>> -> memref<40xi32, #tpu.memory_space<hbm>>
    %dma_start3A_49 = tpu.memref_slice %arg4[%add3A_47] : memref<320000xi32, #tpu.memory_space<hbm>> -> memref<40xi32, #tpu.memory_space<hbm>>
    tpu.enqueue_dma source(%dma_start3A_49 : memref<40xi32, #tpu.memory_space<hbm>>) target(%arg19 : memref<40xi32, #tpu.memory_space<vmem>>) target_semaphore(%arg35 : memref<!tpu.dma_semaphore, #tpu.memory_space<semaphore_mem>>)
    %mul3A_50 = arith.constant 10000 : i32
    %mul3A_51 = arith.muli %add3A, %mul3A_50 : i32
    %add3A_52 = arith.constant 160 : i32
    %add3A_53 = arith.addi %mul3A_51, %add3A_52 : i32
    %dma_start3A_54 = tpu.memref_slice %arg3[%add3A_53] : memref<320000xi32, #tpu.memory_space<hbm>> -> memref<40xi32, #tpu.memory_space<hbm>>
    %dma_start3A_55 = tpu.memref_slice %arg3[%add3A_53] : memref<320000xi32, #tpu.memory_space<hbm>> -> memref<40xi32, #tpu.memory_space<hbm>>
    tpu.enqueue_dma source(%dma_start3A_55 : memref<40xi32, #tpu.memory_space<hbm>>) target(%arg12 : memref<40xi32, #tpu.memory_space<vmem>>) target_semaphore(%arg36 : memref<!tpu.dma_semaphore, #tpu.memory_space<semaphore_mem>>)
    %mul3A_56 = arith.constant 10000 : i32
    %mul3A_57 = arith.muli %add3A, %mul3A_56 : i32
    %add3A_58 = arith.constant 160 : i32
    %add3A_59 = arith.addi %mul3A_57, %add3A_58 : i32
    %dma_start3A_60 = tpu.memref_slice %arg4[%add3A_59] : memref<320000xi32, #tpu.memory_space<hbm>> -> memref<40xi32, #tpu.memory_space<hbm>>
    %dma_start3A_61 = tpu.memref_slice %arg4[%add3A_59] : memref<320000xi32, #tpu.memory_space<hbm>> -> memref<40xi32, #tpu.memory_space<hbm>>
    tpu.enqueue_dma source(%dma_start3A_61 : memref<40xi32, #tpu.memory_space<hbm>>) target(%arg20 : memref<40xi32, #tpu.memory_space<vmem>>) target_semaphore(%arg36 : memref<!tpu.dma_semaphore, #tpu.memory_space<semaphore_mem>>)
    %mul3A_62 = arith.constant 10000 : i32
    %mul3A_63 = arith.muli %add3A, %mul3A_62 : i32
    %add3A_64 = arith.constant 200 : i32
    %add3A_65 = arith.addi %mul3A_63, %add3A_64 : i32
    %dma_start3A_66 = tpu.memref_slice %arg3[%add3A_65] : memref<320000xi32, #tpu.memory_space<hbm>> -> memref<40xi32, #tpu.memory_space<hbm>>
    %dma_start3A_67 = tpu.memref_slice %arg3[%add3A_65] : memref<320000xi32, #tpu.memory_space<hbm>> -> memref<40xi32, #tpu.memory_space<hbm>>
    tpu.enqueue_dma source(%dma_start3A_67 : memref<40xi32, #tpu.memory_space<hbm>>) target(%arg13 : memref<40xi32, #tpu.memory_space<vmem>>) target_semaphore(%arg37 : memref<!tpu.dma_semaphore, #tpu.memory_space<semaphore_mem>>)
    %mul3A_68 = arith.constant 10000 : i32
    %mul3A_69 = arith.muli %add3A, %mul3A_68 : i32
    %add3A_70 = arith.constant 200 : i32
    %add3A_71 = arith.addi %mul3A_69, %add3A_70 : i32
    %dma_start3A_72 = tpu.memref_slice %arg4[%add3A_71] : memref<320000xi32, #tpu.memory_space<hbm>> -> memref<40xi32, #tpu.memory_space<hbm>>
    %dma_start3A_73 = tpu.memref_slice %arg4[%add3A_71] : memref<320000xi32, #tpu.memory_space<hbm>> -> memref<40xi32, #tpu.memory_space<hbm>>
    tpu.enqueue_dma source(%dma_start3A_73 : memref<40xi32, #tpu.memory_space<hbm>>) target(%arg21 : memref<40xi32, #tpu.memory_space<vmem>>) target_semaphore(%arg37 : memref<!tpu.dma_semaphore, #tpu.memory_space<semaphore_mem>>)
    %mul3A_74 = arith.constant 10000 : i32
    %mul3A_75 = arith.muli %add3A, %mul3A_74 : i32
    %add3A_76 = arith.constant 240 : i32
    %add3A_77 = arith.addi %mul3A_75, %add3A_76 : i32
    %dma_start3A_78 = tpu.memref_slice %arg3[%add3A_77] : memref<320000xi32, #tpu.memory_space<hbm>> -> memref<40xi32, #tpu.memory_space<hbm>>
    %dma_start3A_79 = tpu.memref_slice %arg3[%add3A_77] : memref<320000xi32, #tpu.memory_space<hbm>> -> memref<40xi32, #tpu.memory_space<hbm>>
    tpu.enqueue_dma source(%dma_start3A_79 : memref<40xi32, #tpu.memory_space<hbm>>) target(%arg14 : memref<40xi32, #tpu.memory_space<vmem>>) target_semaphore(%arg38 : memref<!tpu.dma_semaphore, #tpu.memory_space<semaphore_mem>>)
    %mul3A_80 = arith.constant 10000 : i32
    %mul3A_81 = arith.muli %add3A, %mul3A_80 : i32
    %add3A_82 = arith.constant 240 : i32
    %add3A_83 = arith.addi %mul3A_81, %add3A_82 : i32
    %dma_start3A_84 = tpu.memref_slice %arg4[%add3A_83] : memref<320000xi32, #tpu.memory_space<hbm>> -> memref<40xi32, #tpu.memory_space<hbm>>
    %dma_start3A_85 = tpu.memref_slice %arg4[%add3A_83] : memref<320000xi32, #tpu.memory_space<hbm>> -> memref<40xi32, #tpu.memory_space<hbm>>
    tpu.enqueue_dma source(%dma_start3A_85 : memref<40xi32, #tpu.memory_space<hbm>>) target(%arg22 : memref<40xi32, #tpu.memory_space<vmem>>) target_semaphore(%arg38 : memref<!tpu.dma_semaphore, #tpu.memory_space<semaphore_mem>>)
    %mul3A_86 = arith.constant 10000 : i32
    %mul3A_87 = arith.muli %add3A, %mul3A_86 : i32
    %add3A_88 = arith.constant 280 : i32
    %add3A_89 = arith.addi %mul3A_87, %add3A_88 : i32
    %dma_start3A_90 = tpu.memref_slice %arg3[%add3A_89] : memref<320000xi32, #tpu.memory_space<hbm>> -> memref<40xi32, #tpu.memory_space<hbm>>
    %dma_start3A_91 = tpu.memref_slice %arg3[%add3A_89] : memref<320000xi32, #tpu.memory_space<hbm>> -> memref<40xi32, #tpu.memory_space<hbm>>
    tpu.enqueue_dma source(%dma_start3A_91 : memref<40xi32, #tpu.memory_space<hbm>>) target(%arg15 : memref<40xi32, #tpu.memory_space<vmem>>) target_semaphore(%arg39 : memref<!tpu.dma_semaphore, #tpu.memory_space<semaphore_mem>>)
    %mul3A_92 = arith.constant 10000 : i32
    %mul3A_93 = arith.muli %add3A, %mul3A_92 : i32
    %add3A_94 = arith.constant 280 : i32
    %add3A_95 = arith.addi %mul3A_93, %add3A_94 : i32
    %dma_start3A_96 = tpu.memref_slice %arg4[%add3A_95] : memref<320000xi32, #tpu.memory_space<hbm>> -> memref<40xi32, #tpu.memory_space<hbm>>
    %dma_start3A_97 = tpu.memref_slice %arg4[%add3A_95] : memref<320000xi32, #tpu.memory_space<hbm>> -> memref<40xi32, #tpu.memory_space<hbm>>
    tpu.enqueue_dma source(%dma_start3A_97 : memref<40xi32, #tpu.memory_space<hbm>>) target(%arg23 : memref<40xi32, #tpu.memory_space<vmem>>) target_semaphore(%arg39 : memref<!tpu.dma_semaphore, #tpu.memory_space<semaphore_mem>>)
    %mul3A_98 = arith.constant 10000 : i32
    %mul3A_99 = arith.muli %add3A, %mul3A_98 : i32
    %add3A_100 = arith.constant 0 : i32
    %add3A_101 = arith.addi %mul3A_99, %add3A_100 : i32
    %dma_wait3A = tpu.memref_slice %arg3[%add3A_101] : memref<320000xi32, #tpu.memory_space<hbm>> -> memref<40xi32, #tpu.memory_space<hbm>>
    %dma_wait3A_102 = tpu.memref_slice %arg3[%add3A_101] : memref<320000xi32, #tpu.memory_space<hbm>> -> memref<40xi32, #tpu.memory_space<hbm>>
    tpu.wait_dma2 semaphore(%arg32 : memref<!tpu.dma_semaphore, #tpu.memory_space<semaphore_mem>>) src(%dma_wait3A_102 : memref<40xi32, #tpu.memory_space<hbm>>) dst(%arg8 : memref<40xi32, #tpu.memory_space<vmem>>)
    %mul3A_103 = arith.constant 10000 : i32
    %mul3A_104 = arith.muli %add3A, %mul3A_103 : i32
    %add3A_105 = arith.constant 0 : i32
    %add3A_106 = arith.addi %mul3A_104, %add3A_105 : i32
    %dma_wait3A_107 = tpu.memref_slice %arg4[%add3A_106] : memref<320000xi32, #tpu.memory_space<hbm>> -> memref<40xi32, #tpu.memory_space<hbm>>
    %dma_wait3A_108 = tpu.memref_slice %arg4[%add3A_106] : memref<320000xi32, #tpu.memory_space<hbm>> -> memref<40xi32, #tpu.memory_space<hbm>>
    tpu.wait_dma2 semaphore(%arg32 : memref<!tpu.dma_semaphore, #tpu.memory_space<semaphore_mem>>) src(%dma_wait3A_108 : memref<40xi32, #tpu.memory_space<hbm>>) dst(%arg16 : memref<40xi32, #tpu.memory_space<vmem>>)
    %dma_start3A_109 = arith.constant 0 : i32
    %dma_start3A_110 = arith.constant 0 : i32
    %dma_start3A_111 = tpu.memref_slice %arg2[%dma_start3A_109, %dma_start3A_110] : memref<10000x128xf32, #tpu.memory_space<hbm>> -> memref<10000x128xf32, #tpu.memory_space<hbm>>
    tpu.enqueue_indirect_dma source(%dma_start3A_111 : memref<10000x128xf32, #tpu.memory_space<hbm>>) target(%arg24 : memref<40x128xf32, #tpu.memory_space<vmem>>) offsets(%arg8 : memref<40xi32, #tpu.memory_space<vmem>>) semaphore(%arg40 : memref<!tpu.dma_semaphore, #tpu.memory_space<semaphore_mem>>)
    %mul3A_112 = arith.constant 10000 : i32
    %mul3A_113 = arith.muli %add3A, %mul3A_112 : i32
    %add3A_114 = arith.constant 40 : i32
    %add3A_115 = arith.addi %mul3A_113, %add3A_114 : i32
    %dma_wait3A_116 = tpu.memref_slice %arg3[%add3A_115] : memref<320000xi32, #tpu.memory_space<hbm>> -> memref<40xi32, #tpu.memory_space<hbm>>
    %dma_wait3A_117 = tpu.memref_slice %arg3[%add3A_115] : memref<320000xi32, #tpu.memory_space<hbm>> -> memref<40xi32, #tpu.memory_space<hbm>>
    tpu.wait_dma2 semaphore(%arg33 : memref<!tpu.dma_semaphore, #tpu.memory_space<semaphore_mem>>) src(%dma_wait3A_117 : memref<40xi32, #tpu.memory_space<hbm>>) dst(%arg9 : memref<40xi32, #tpu.memory_space<vmem>>)
    %mul3A_118 = arith.constant 10000 : i32
    %mul3A_119 = arith.muli %add3A, %mul3A_118 : i32
    %add3A_120 = arith.constant 40 : i32
    %add3A_121 = arith.addi %mul3A_119, %add3A_120 : i32
    %dma_wait3A_122 = tpu.memref_slice %arg4[%add3A_121] : memref<320000xi32, #tpu.memory_space<hbm>> -> memref<40xi32, #tpu.memory_space<hbm>>
    %dma_wait3A_123 = tpu.memref_slice %arg4[%add3A_121] : memref<320000xi32, #tpu.memory_space<hbm>> -> memref<40xi32, #tpu.memory_space<hbm>>
    tpu.wait_dma2 semaphore(%arg33 : memref<!tpu.dma_semaphore, #tpu.memory_space<semaphore_mem>>) src(%dma_wait3A_123 : memref<40xi32, #tpu.memory_space<hbm>>) dst(%arg17 : memref<40xi32, #tpu.memory_space<vmem>>)
    %dma_start3A_124 = arith.constant 0 : i32
    %dma_start3A_125 = arith.constant 0 : i32
    %dma_start3A_126 = tpu.memref_slice %arg2[%dma_start3A_124, %dma_start3A_125] : memref<10000x128xf32, #tpu.memory_space<hbm>> -> memref<10000x128xf32, #tpu.memory_space<hbm>>
    tpu.enqueue_indirect_dma source(%dma_start3A_126 : memref<10000x128xf32, #tpu.memory_space<hbm>>) target(%arg25 : memref<40x128xf32, #tpu.memory_space<vmem>>) offsets(%arg9 : memref<40xi32, #tpu.memory_space<vmem>>) semaphore(%arg41 : memref<!tpu.dma_semaphore, #tpu.memory_space<semaphore_mem>>)
    %mul3A_127 = arith.constant 10000 : i32
    %mul3A_128 = arith.muli %add3A, %mul3A_127 : i32
    %add3A_129 = arith.constant 80 : i32
    %add3A_130 = arith.addi %mul3A_128, %add3A_129 : i32
    %dma_wait3A_131 = tpu.memref_slice %arg3[%add3A_130] : memref<320000xi32, #tpu.memory_space<hbm>> -> memref<40xi32, #tpu.memory_space<hbm>>
    %dma_wait3A_132 = tpu.memref_slice %arg3[%add3A_130] : memref<320000xi32, #tpu.memory_space<hbm>> -> memref<40xi32, #tpu.memory_space<hbm>>
    tpu.wait_dma2 semaphore(%arg34 : memref<!tpu.dma_semaphore, #tpu.memory_space<semaphore_mem>>) src(%dma_wait3A_132 : memref<40xi32, #tpu.memory_space<hbm>>) dst(%arg10 : memref<40xi32, #tpu.memory_space<vmem>>)
    %mul3A_133 = arith.constant 10000 : i32
    %mul3A_134 = arith.muli %add3A, %mul3A_133 : i32
    %add3A_135 = arith.constant 80 : i32
    %add3A_136 = arith.addi %mul3A_134, %add3A_135 : i32
    %dma_wait3A_137 = tpu.memref_slice %arg4[%add3A_136] : memref<320000xi32, #tpu.memory_space<hbm>> -> memref<40xi32, #tpu.memory_space<hbm>>
    %dma_wait3A_138 = tpu.memref_slice %arg4[%add3A_136] : memref<320000xi32, #tpu.memory_space<hbm>> -> memref<40xi32, #tpu.memory_space<hbm>>
    tpu.wait_dma2 semaphore(%arg34 : memref<!tpu.dma_semaphore, #tpu.memory_space<semaphore_mem>>) src(%dma_wait3A_138 : memref<40xi32, #tpu.memory_space<hbm>>) dst(%arg18 : memref<40xi32, #tpu.memory_space<vmem>>)
    %dma_start3A_139 = arith.constant 0 : i32
    %dma_start3A_140 = arith.constant 0 : i32
    %dma_start3A_141 = tpu.memref_slice %arg2[%dma_start3A_139, %dma_start3A_140] : memref<10000x128xf32, #tpu.memory_space<hbm>> -> memref<10000x128xf32, #tpu.memory_space<hbm>>
    tpu.enqueue_indirect_dma source(%dma_start3A_141 : memref<10000x128xf32, #tpu.memory_space<hbm>>) target(%arg26 : memref<40x128xf32, #tpu.memory_space<vmem>>) offsets(%arg10 : memref<40xi32, #tpu.memory_space<vmem>>) semaphore(%arg42 : memref<!tpu.dma_semaphore, #tpu.memory_space<semaphore_mem>>)
    %mul3A_142 = arith.constant 10000 : i32
    %mul3A_143 = arith.muli %add3A, %mul3A_142 : i32
    %add3A_144 = arith.constant 120 : i32
    %add3A_145 = arith.addi %mul3A_143, %add3A_144 : i32
    %dma_wait3A_146 = tpu.memref_slice %arg3[%add3A_145] : memref<320000xi32, #tpu.memory_space<hbm>> -> memref<40xi32, #tpu.memory_space<hbm>>
    %dma_wait3A_147 = tpu.memref_slice %arg3[%add3A_145] : memref<320000xi32, #tpu.memory_space<hbm>> -> memref<40xi32, #tpu.memory_space<hbm>>
    tpu.wait_dma2 semaphore(%arg35 : memref<!tpu.dma_semaphore, #tpu.memory_space<semaphore_mem>>) src(%dma_wait3A_147 : memref<40xi32, #tpu.memory_space<hbm>>) dst(%arg11 : memref<40xi32, #tpu.memory_space<vmem>>)
    %mul3A_148 = arith.constant 10000 : i32
    %mul3A_149 = arith.muli %add3A, %mul3A_148 : i32
    %add3A_150 = arith.constant 120 : i32
    %add3A_151 = arith.addi %mul3A_149, %add3A_150 : i32
    %dma_wait3A_152 = tpu.memref_slice %arg4[%add3A_151] : memref<320000xi32, #tpu.memory_space<hbm>> -> memref<40xi32, #tpu.memory_space<hbm>>
    %dma_wait3A_153 = tpu.memref_slice %arg4[%add3A_151] : memref<320000xi32, #tpu.memory_space<hbm>> -> memref<40xi32, #tpu.memory_space<hbm>>
    tpu.wait_dma2 semaphore(%arg35 : memref<!tpu.dma_semaphore, #tpu.memory_space<semaphore_mem>>) src(%dma_wait3A_153 : memref<40xi32, #tpu.memory_space<hbm>>) dst(%arg19 : memref<40xi32, #tpu.memory_space<vmem>>)
    %dma_start3A_154 = arith.constant 0 : i32
    %dma_start3A_155 = arith.constant 0 : i32
    %dma_start3A_156 = tpu.memref_slice %arg2[%dma_start3A_154, %dma_start3A_155] : memref<10000x128xf32, #tpu.memory_space<hbm>> -> memref<10000x128xf32, #tpu.memory_space<hbm>>
    tpu.enqueue_indirect_dma source(%dma_start3A_156 : memref<10000x128xf32, #tpu.memory_space<hbm>>) target(%arg27 : memref<40x128xf32, #tpu.memory_space<vmem>>) offsets(%arg11 : memref<40xi32, #tpu.memory_space<vmem>>) semaphore(%arg43 : memref<!tpu.dma_semaphore, #tpu.memory_space<semaphore_mem>>)
    %mul3A_157 = arith.constant 10000 : i32
    %mul3A_158 = arith.muli %add3A, %mul3A_157 : i32
    %add3A_159 = arith.constant 160 : i32
    %add3A_160 = arith.addi %mul3A_158, %add3A_159 : i32
    %dma_wait3A_161 = tpu.memref_slice %arg3[%add3A_160] : memref<320000xi32, #tpu.memory_space<hbm>> -> memref<40xi32, #tpu.memory_space<hbm>>
    %dma_wait3A_162 = tpu.memref_slice %arg3[%add3A_160] : memref<320000xi32, #tpu.memory_space<hbm>> -> memref<40xi32, #tpu.memory_space<hbm>>
    tpu.wait_dma2 semaphore(%arg36 : memref<!tpu.dma_semaphore, #tpu.memory_space<semaphore_mem>>) src(%dma_wait3A_162 : memref<40xi32, #tpu.memory_space<hbm>>) dst(%arg12 : memref<40xi32, #tpu.memory_space<vmem>>)
    %mul3A_163 = arith.constant 10000 : i32
    %mul3A_164 = arith.muli %add3A, %mul3A_163 : i32
    %add3A_165 = arith.constant 160 : i32
    %add3A_166 = arith.addi %mul3A_164, %add3A_165 : i32
    %dma_wait3A_167 = tpu.memref_slice %arg4[%add3A_166] : memref<320000xi32, #tpu.memory_space<hbm>> -> memref<40xi32, #tpu.memory_space<hbm>>
    %dma_wait3A_168 = tpu.memref_slice %arg4[%add3A_166] : memref<320000xi32, #tpu.memory_space<hbm>> -> memref<40xi32, #tpu.memory_space<hbm>>
    tpu.wait_dma2 semaphore(%arg36 : memref<!tpu.dma_semaphore, #tpu.memory_space<semaphore_mem>>) src(%dma_wait3A_168 : memref<40xi32, #tpu.memory_space<hbm>>) dst(%arg20 : memref<40xi32, #tpu.memory_space<vmem>>)
    %dma_start3A_169 = arith.constant 0 : i32
    %dma_start3A_170 = arith.constant 0 : i32
    %dma_start3A_171 = tpu.memref_slice %arg2[%dma_start3A_169, %dma_start3A_170] : memref<10000x128xf32, #tpu.memory_space<hbm>> -> memref<10000x128xf32, #tpu.memory_space<hbm>>
    tpu.enqueue_indirect_dma source(%dma_start3A_171 : memref<10000x128xf32, #tpu.memory_space<hbm>>) target(%arg28 : memref<40x128xf32, #tpu.memory_space<vmem>>) offsets(%arg12 : memref<40xi32, #tpu.memory_space<vmem>>) semaphore(%arg44 : memref<!tpu.dma_semaphore, #tpu.memory_space<semaphore_mem>>)
    %mul3A_172 = arith.constant 10000 : i32
    %mul3A_173 = arith.muli %add3A, %mul3A_172 : i32
    %add3A_174 = arith.constant 200 : i32
    %add3A_175 = arith.addi %mul3A_173, %add3A_174 : i32
    %dma_wait3A_176 = tpu.memref_slice %arg3[%add3A_175] : memref<320000xi32, #tpu.memory_space<hbm>> -> memref<40xi32, #tpu.memory_space<hbm>>
    %dma_wait3A_177 = tpu.memref_slice %arg3[%add3A_175] : memref<320000xi32, #tpu.memory_space<hbm>> -> memref<40xi32, #tpu.memory_space<hbm>>
    tpu.wait_dma2 semaphore(%arg37 : memref<!tpu.dma_semaphore, #tpu.memory_space<semaphore_mem>>) src(%dma_wait3A_177 : memref<40xi32, #tpu.memory_space<hbm>>) dst(%arg13 : memref<40xi32, #tpu.memory_space<vmem>>)
    %mul3A_178 = arith.constant 10000 : i32
    %mul3A_179 = arith.muli %add3A, %mul3A_178 : i32
    %add3A_180 = arith.constant 200 : i32
    %add3A_181 = arith.addi %mul3A_179, %add3A_180 : i32
    %dma_wait3A_182 = tpu.memref_slice %arg4[%add3A_181] : memref<320000xi32, #tpu.memory_space<hbm>> -> memref<40xi32, #tpu.memory_space<hbm>>
    %dma_wait3A_183 = tpu.memref_slice %arg4[%add3A_181] : memref<320000xi32, #tpu.memory_space<hbm>> -> memref<40xi32, #tpu.memory_space<hbm>>
    tpu.wait_dma2 semaphore(%arg37 : memref<!tpu.dma_semaphore, #tpu.memory_space<semaphore_mem>>) src(%dma_wait3A_183 : memref<40xi32, #tpu.memory_space<hbm>>) dst(%arg21 : memref<40xi32, #tpu.memory_space<vmem>>)
    %dma_start3A_184 = arith.constant 0 : i32
    %dma_start3A_185 = arith.constant 0 : i32
    %dma_start3A_186 = tpu.memref_slice %arg2[%dma_start3A_184, %dma_start3A_185] : memref<10000x128xf32, #tpu.memory_space<hbm>> -> memref<10000x128xf32, #tpu.memory_space<hbm>>
    tpu.enqueue_indirect_dma source(%dma_start3A_186 : memref<10000x128xf32, #tpu.memory_space<hbm>>) target(%arg29 : memref<40x128xf32, #tpu.memory_space<vmem>>) offsets(%arg13 : memref<40xi32, #tpu.memory_space<vmem>>) semaphore(%arg45 : memref<!tpu.dma_semaphore, #tpu.memory_space<semaphore_mem>>)
    %mul3A_187 = arith.constant 10000 : i32
    %mul3A_188 = arith.muli %add3A, %mul3A_187 : i32
    %add3A_189 = arith.constant 240 : i32
    %add3A_190 = arith.addi %mul3A_188, %add3A_189 : i32
    %dma_wait3A_191 = tpu.memref_slice %arg3[%add3A_190] : memref<320000xi32, #tpu.memory_space<hbm>> -> memref<40xi32, #tpu.memory_space<hbm>>
    %dma_wait3A_192 = tpu.memref_slice %arg3[%add3A_190] : memref<320000xi32, #tpu.memory_space<hbm>> -> memref<40xi32, #tpu.memory_space<hbm>>
    tpu.wait_dma2 semaphore(%arg38 : memref<!tpu.dma_semaphore, #tpu.memory_space<semaphore_mem>>) src(%dma_wait3A_192 : memref<40xi32, #tpu.memory_space<hbm>>) dst(%arg14 : memref<40xi32, #tpu.memory_space<vmem>>)
    %mul3A_193 = arith.constant 10000 : i32
    %mul3A_194 = arith.muli %add3A, %mul3A_193 : i32
    %add3A_195 = arith.constant 240 : i32
    %add3A_196 = arith.addi %mul3A_194, %add3A_195 : i32
    %dma_wait3A_197 = tpu.memref_slice %arg4[%add3A_196] : memref<320000xi32, #tpu.memory_space<hbm>> -> memref<40xi32, #tpu.memory_space<hbm>>
    %dma_wait3A_198 = tpu.memref_slice %arg4[%add3A_196] : memref<320000xi32, #tpu.memory_space<hbm>> -> memref<40xi32, #tpu.memory_space<hbm>>
    tpu.wait_dma2 semaphore(%arg38 : memref<!tpu.dma_semaphore, #tpu.memory_space<semaphore_mem>>) src(%dma_wait3A_198 : memref<40xi32, #tpu.memory_space<hbm>>) dst(%arg22 : memref<40xi32, #tpu.memory_space<vmem>>)
    %dma_start3A_199 = arith.constant 0 : i32
    %dma_start3A_200 = arith.constant 0 : i32
    %dma_start3A_201 = tpu.memref_slice %arg2[%dma_start3A_199, %dma_start3A_200] : memref<10000x128xf32, #tpu.memory_space<hbm>> -> memref<10000x128xf32, #tpu.memory_space<hbm>>
    tpu.enqueue_indirect_dma source(%dma_start3A_201 : memref<10000x128xf32, #tpu.memory_space<hbm>>) target(%arg30 : memref<40x128xf32, #tpu.memory_space<vmem>>) offsets(%arg14 : memref<40xi32, #tpu.memory_space<vmem>>) semaphore(%arg46 : memref<!tpu.dma_semaphore, #tpu.memory_space<semaphore_mem>>)
    %mul3A_202 = arith.constant 10000 : i32
    %mul3A_203 = arith.muli %add3A, %mul3A_202 : i32
    %add3A_204 = arith.constant 280 : i32
    %add3A_205 = arith.addi %mul3A_203, %add3A_204 : i32
    %dma_wait3A_206 = tpu.memref_slice %arg3[%add3A_205] : memref<320000xi32, #tpu.memory_space<hbm>> -> memref<40xi32, #tpu.memory_space<hbm>>
    %dma_wait3A_207 = tpu.memref_slice %arg3[%add3A_205] : memref<320000xi32, #tpu.memory_space<hbm>> -> memref<40xi32, #tpu.memory_space<hbm>>
    tpu.wait_dma2 semaphore(%arg39 : memref<!tpu.dma_semaphore, #tpu.memory_space<semaphore_mem>>) src(%dma_wait3A_207 : memref<40xi32, #tpu.memory_space<hbm>>) dst(%arg15 : memref<40xi32, #tpu.memory_space<vmem>>)
    %mul3A_208 = arith.constant 10000 : i32
    %mul3A_209 = arith.muli %add3A, %mul3A_208 : i32
    %add3A_210 = arith.constant 280 : i32
    %add3A_211 = arith.addi %mul3A_209, %add3A_210 : i32
    %dma_wait3A_212 = tpu.memref_slice %arg4[%add3A_211] : memref<320000xi32, #tpu.memory_space<hbm>> -> memref<40xi32, #tpu.memory_space<hbm>>
    %dma_wait3A_213 = tpu.memref_slice %arg4[%add3A_211] : memref<320000xi32, #tpu.memory_space<hbm>> -> memref<40xi32, #tpu.memory_space<hbm>>
    tpu.wait_dma2 semaphore(%arg39 : memref<!tpu.dma_semaphore, #tpu.memory_space<semaphore_mem>>) src(%dma_wait3A_213 : memref<40xi32, #tpu.memory_space<hbm>>) dst(%arg23 : memref<40xi32, #tpu.memory_space<vmem>>)
    %dma_start3A_214 = arith.constant 0 : i32
    %dma_start3A_215 = arith.constant 0 : i32
    %dma_start3A_216 = tpu.memref_slice %arg2[%dma_start3A_214, %dma_start3A_215] : memref<10000x128xf32, #tpu.memory_space<hbm>> -> memref<10000x128xf32, #tpu.memory_space<hbm>>
    tpu.enqueue_indirect_dma source(%dma_start3A_216 : memref<10000x128xf32, #tpu.memory_space<hbm>>) target(%arg31 : memref<40x128xf32, #tpu.memory_space<vmem>>) offsets(%arg15 : memref<40xi32, #tpu.memory_space<vmem>>) semaphore(%arg47 : memref<!tpu.dma_semaphore, #tpu.memory_space<semaphore_mem>>)
    %scan3A = arith.constant 0 : i32
    %scan3A_217 = arith.constant 0 : i32
    %scan3A_218 = arith.constant 32 : i32
    %scan3A_219 = arith.addi %scan3A_217, %scan3A_218 : i32
    %scan3A_220 = arith.constant 1 : i32
    %scan3A_221 = scf.for %scan3A_252 = %scan3A_217 to %scan3A_219 step %scan3A_220 iter_args(%scan3A_253 = %scan3A) -> (i32)  : i32 {
      %mul3A_254 = arith.constant 8 : i32
      %mul3A_255 = arith.muli %mul3A_254, %scan3A_252 : i32
      %add3A_256 = arith.constant 0 : i32
      %add3A_257 = arith.addi %mul3A_255, %add3A_256 : i32
      %lt3A = arith.constant 250 : i32
      %lt3A_258 = arith.cmpi slt, %add3A_257, %lt3A : i32
      %convert_element_type3A = arith.extui %lt3A_258 : i1 to i32
      %cond3A = arith.constant 0 : i32
      %cond3A_259 = arith.cmpi ne, %convert_element_type3A, %cond3A : i32
      scf.if %cond3A_259 {
        %dma_wait3A_500 = arith.constant 0 : i32
        %dma_wait3A_501 = arith.constant 0 : i32
        %dma_wait3A_502 = tpu.memref_slice %arg2[%dma_wait3A_500, %dma_wait3A_501] : memref<10000x128xf32, #tpu.memory_space<hbm>> -> memref<10000x128xf32, #tpu.memory_space<hbm>>
        tpu.wait_indirect_dma semaphore(%arg40 : memref<!tpu.dma_semaphore, #tpu.memory_space<semaphore_mem>>) src(%dma_wait3A_502 : memref<10000x128xf32, #tpu.memory_space<hbm>>) dst(%arg24 : memref<40x128xf32, #tpu.memory_space<vmem>>)
        %dma_start3A_503 = arith.constant 0 : i32
        %dma_start3A_504 = arith.constant 0 : i32
        %dma_start3A_505 = tpu.memref_slice %arg7[%dma_start3A_503, %dma_start3A_504] : memref<10240x128xf32, #tpu.memory_space<vmem_shared>> -> memref<10240x128xf32, #tpu.memory_space<vmem_shared>>
        tpu.enqueue_indirect_dma source(%arg24 : memref<40x128xf32, #tpu.memory_space<vmem>>) target(%dma_start3A_505 : memref<10240x128xf32, #tpu.memory_space<vmem_shared>>) offsets(%arg16 : memref<40xi32, #tpu.memory_space<vmem>>) semaphore(%arg48 : memref<!tpu.dma_semaphore, #tpu.memory_space<semaphore_mem>>) {add = true}
      } else {
      }
      %mul3A_260 = arith.constant 8 : i32
      %mul3A_261 = arith.muli %mul3A_260, %scan3A_252 : i32
      %add3A_262 = arith.constant 1 : i32
      %add3A_263 = arith.addi %mul3A_261, %add3A_262 : i32
      %lt3A_264 = arith.constant 250 : i32
      %lt3A_265 = arith.cmpi slt, %add3A_263, %lt3A_264 : i32
      %convert_element_type3A_266 = arith.extui %lt3A_265 : i1 to i32
      %cond3A_267 = arith.constant 0 : i32
      %cond3A_268 = arith.cmpi ne, %convert_element_type3A_266, %cond3A_267 : i32
      scf.if %cond3A_268 {
        %dma_wait3A_500 = arith.constant 0 : i32
        %dma_wait3A_501 = arith.constant 0 : i32
        %dma_wait3A_502 = tpu.memref_slice %arg2[%dma_wait3A_500, %dma_wait3A_501] : memref<10000x128xf32, #tpu.memory_space<hbm>> -> memref<10000x128xf32, #tpu.memory_space<hbm>>
        tpu.wait_indirect_dma semaphore(%arg41 : memref<!tpu.dma_semaphore, #tpu.memory_space<semaphore_mem>>) src(%dma_wait3A_502 : memref<10000x128xf32, #tpu.memory_space<hbm>>) dst(%arg25 : memref<40x128xf32, #tpu.memory_space<vmem>>)
        %dma_start3A_503 = arith.constant 0 : i32
        %dma_start3A_504 = arith.constant 0 : i32
        %dma_start3A_505 = tpu.memref_slice %arg7[%dma_start3A_503, %dma_start3A_504] : memref<10240x128xf32, #tpu.memory_space<vmem_shared>> -> memref<10240x128xf32, #tpu.memory_space<vmem_shared>>
        tpu.enqueue_indirect_dma source(%arg25 : memref<40x128xf32, #tpu.memory_space<vmem>>) target(%dma_start3A_505 : memref<10240x128xf32, #tpu.memory_space<vmem_shared>>) offsets(%arg17 : memref<40xi32, #tpu.memory_space<vmem>>) semaphore(%arg49 : memref<!tpu.dma_semaphore, #tpu.memory_space<semaphore_mem>>) {add = true}
      } else {
      }
      %mul3A_269 = arith.constant 8 : i32
      %mul3A_270 = arith.muli %mul3A_269, %scan3A_252 : i32
      %add3A_271 = arith.constant 2 : i32
      %add3A_272 = arith.addi %mul3A_270, %add3A_271 : i32
      %lt3A_273 = arith.constant 250 : i32
      %lt3A_274 = arith.cmpi slt, %add3A_272, %lt3A_273 : i32
      %convert_element_type3A_275 = arith.extui %lt3A_274 : i1 to i32
      %cond3A_276 = arith.constant 0 : i32
      %cond3A_277 = arith.cmpi ne, %convert_element_type3A_275, %cond3A_276 : i32
      scf.if %cond3A_277 {
        %dma_wait3A_500 = arith.constant 0 : i32
        %dma_wait3A_501 = arith.constant 0 : i32
        %dma_wait3A_502 = tpu.memref_slice %arg2[%dma_wait3A_500, %dma_wait3A_501] : memref<10000x128xf32, #tpu.memory_space<hbm>> -> memref<10000x128xf32, #tpu.memory_space<hbm>>
        tpu.wait_indirect_dma semaphore(%arg42 : memref<!tpu.dma_semaphore, #tpu.memory_space<semaphore_mem>>) src(%dma_wait3A_502 : memref<10000x128xf32, #tpu.memory_space<hbm>>) dst(%arg26 : memref<40x128xf32, #tpu.memory_space<vmem>>)
        %dma_start3A_503 = arith.constant 0 : i32
        %dma_start3A_504 = arith.constant 0 : i32
        %dma_start3A_505 = tpu.memref_slice %arg7[%dma_start3A_503, %dma_start3A_504] : memref<10240x128xf32, #tpu.memory_space<vmem_shared>> -> memref<10240x128xf32, #tpu.memory_space<vmem_shared>>
        tpu.enqueue_indirect_dma source(%arg26 : memref<40x128xf32, #tpu.memory_space<vmem>>) target(%dma_start3A_505 : memref<10240x128xf32, #tpu.memory_space<vmem_shared>>) offsets(%arg18 : memref<40xi32, #tpu.memory_space<vmem>>) semaphore(%arg50 : memref<!tpu.dma_semaphore, #tpu.memory_space<semaphore_mem>>) {add = true}
      } else {
      }
      %mul3A_278 = arith.constant 8 : i32
      %mul3A_279 = arith.muli %mul3A_278, %scan3A_252 : i32
      %add3A_280 = arith.constant 3 : i32
      %add3A_281 = arith.addi %mul3A_279, %add3A_280 : i32
      %lt3A_282 = arith.constant 250 : i32
      %lt3A_283 = arith.cmpi slt, %add3A_281, %lt3A_282 : i32
      %convert_element_type3A_284 = arith.extui %lt3A_283 : i1 to i32
      %cond3A_285 = arith.constant 0 : i32
      %cond3A_286 = arith.cmpi ne, %convert_element_type3A_284, %cond3A_285 : i32
      scf.if %cond3A_286 {
        %dma_wait3A_500 = arith.constant 0 : i32
        %dma_wait3A_501 = arith.constant 0 : i32
        %dma_wait3A_502 = tpu.memref_slice %arg2[%dma_wait3A_500, %dma_wait3A_501] : memref<10000x128xf32, #tpu.memory_space<hbm>> -> memref<10000x128xf32, #tpu.memory_space<hbm>>
        tpu.wait_indirect_dma semaphore(%arg43 : memref<!tpu.dma_semaphore, #tpu.memory_space<semaphore_mem>>) src(%dma_wait3A_502 : memref<10000x128xf32, #tpu.memory_space<hbm>>) dst(%arg27 : memref<40x128xf32, #tpu.memory_space<vmem>>)
        %dma_start3A_503 = arith.constant 0 : i32
        %dma_start3A_504 = arith.constant 0 : i32
        %dma_start3A_505 = tpu.memref_slice %arg7[%dma_start3A_503, %dma_start3A_504] : memref<10240x128xf32, #tpu.memory_space<vmem_shared>> -> memref<10240x128xf32, #tpu.memory_space<vmem_shared>>
        tpu.enqueue_indirect_dma source(%arg27 : memref<40x128xf32, #tpu.memory_space<vmem>>) target(%dma_start3A_505 : memref<10240x128xf32, #tpu.memory_space<vmem_shared>>) offsets(%arg19 : memref<40xi32, #tpu.memory_space<vmem>>) semaphore(%arg51 : memref<!tpu.dma_semaphore, #tpu.memory_space<semaphore_mem>>) {add = true}
      } else {
      }
      %mul3A_287 = arith.constant 8 : i32
      %mul3A_288 = arith.muli %mul3A_287, %scan3A_252 : i32
      %add3A_289 = arith.constant 4 : i32
      %add3A_290 = arith.addi %mul3A_288, %add3A_289 : i32
      %lt3A_291 = arith.constant 250 : i32
      %lt3A_292 = arith.cmpi slt, %add3A_290, %lt3A_291 : i32
      %convert_element_type3A_293 = arith.extui %lt3A_292 : i1 to i32
      %cond3A_294 = arith.constant 0 : i32
      %cond3A_295 = arith.cmpi ne, %convert_element_type3A_293, %cond3A_294 : i32
      scf.if %cond3A_295 {
        %dma_wait3A_500 = arith.constant 0 : i32
        %dma_wait3A_501 = arith.constant 0 : i32
        %dma_wait3A_502 = tpu.memref_slice %arg2[%dma_wait3A_500, %dma_wait3A_501] : memref<10000x128xf32, #tpu.memory_space<hbm>> -> memref<10000x128xf32, #tpu.memory_space<hbm>>
        tpu.wait_indirect_dma semaphore(%arg44 : memref<!tpu.dma_semaphore, #tpu.memory_space<semaphore_mem>>) src(%dma_wait3A_502 : memref<10000x128xf32, #tpu.memory_space<hbm>>) dst(%arg28 : memref<40x128xf32, #tpu.memory_space<vmem>>)
        %dma_start3A_503 = arith.constant 0 : i32
        %dma_start3A_504 = arith.constant 0 : i32
        %dma_start3A_505 = tpu.memref_slice %arg7[%dma_start3A_503, %dma_start3A_504] : memref<10240x128xf32, #tpu.memory_space<vmem_shared>> -> memref<10240x128xf32, #tpu.memory_space<vmem_shared>>
        tpu.enqueue_indirect_dma source(%arg28 : memref<40x128xf32, #tpu.memory_space<vmem>>) target(%dma_start3A_505 : memref<10240x128xf32, #tpu.memory_space<vmem_shared>>) offsets(%arg20 : memref<40xi32, #tpu.memory_space<vmem>>) semaphore(%arg52 : memref<!tpu.dma_semaphore, #tpu.memory_space<semaphore_mem>>) {add = true}
      } else {
      }
      %mul3A_296 = arith.constant 8 : i32
      %mul3A_297 = arith.muli %mul3A_296, %scan3A_252 : i32
      %add3A_298 = arith.constant 5 : i32
      %add3A_299 = arith.addi %mul3A_297, %add3A_298 : i32
      %lt3A_300 = arith.constant 250 : i32
      %lt3A_301 = arith.cmpi slt, %add3A_299, %lt3A_300 : i32
      %convert_element_type3A_302 = arith.extui %lt3A_301 : i1 to i32
      %cond3A_303 = arith.constant 0 : i32
      %cond3A_304 = arith.cmpi ne, %convert_element_type3A_302, %cond3A_303 : i32
      scf.if %cond3A_304 {
        %dma_wait3A_500 = arith.constant 0 : i32
        %dma_wait3A_501 = arith.constant 0 : i32
        %dma_wait3A_502 = tpu.memref_slice %arg2[%dma_wait3A_500, %dma_wait3A_501] : memref<10000x128xf32, #tpu.memory_space<hbm>> -> memref<10000x128xf32, #tpu.memory_space<hbm>>
        tpu.wait_indirect_dma semaphore(%arg45 : memref<!tpu.dma_semaphore, #tpu.memory_space<semaphore_mem>>) src(%dma_wait3A_502 : memref<10000x128xf32, #tpu.memory_space<hbm>>) dst(%arg29 : memref<40x128xf32, #tpu.memory_space<vmem>>)
        %dma_start3A_503 = arith.constant 0 : i32
        %dma_start3A_504 = arith.constant 0 : i32
        %dma_start3A_505 = tpu.memref_slice %arg7[%dma_start3A_503, %dma_start3A_504] : memref<10240x128xf32, #tpu.memory_space<vmem_shared>> -> memref<10240x128xf32, #tpu.memory_space<vmem_shared>>
        tpu.enqueue_indirect_dma source(%arg29 : memref<40x128xf32, #tpu.memory_space<vmem>>) target(%dma_start3A_505 : memref<10240x128xf32, #tpu.memory_space<vmem_shared>>) offsets(%arg21 : memref<40xi32, #tpu.memory_space<vmem>>) semaphore(%arg53 : memref<!tpu.dma_semaphore, #tpu.memory_space<semaphore_mem>>) {add = true}
      } else {
      }
      %mul3A_305 = arith.constant 8 : i32
      %mul3A_306 = arith.muli %mul3A_305, %scan3A_252 : i32
      %add3A_307 = arith.constant 6 : i32
      %add3A_308 = arith.addi %mul3A_306, %add3A_307 : i32
      %lt3A_309 = arith.constant 250 : i32
      %lt3A_310 = arith.cmpi slt, %add3A_308, %lt3A_309 : i32
      %convert_element_type3A_311 = arith.extui %lt3A_310 : i1 to i32
      %cond3A_312 = arith.constant 0 : i32
      %cond3A_313 = arith.cmpi ne, %convert_element_type3A_311, %cond3A_312 : i32
      scf.if %cond3A_313 {
        %dma_wait3A_500 = arith.constant 0 : i32
        %dma_wait3A_501 = arith.constant 0 : i32
        %dma_wait3A_502 = tpu.memref_slice %arg2[%dma_wait3A_500, %dma_wait3A_501] : memref<10000x128xf32, #tpu.memory_space<hbm>> -> memref<10000x128xf32, #tpu.memory_space<hbm>>
        tpu.wait_indirect_dma semaphore(%arg46 : memref<!tpu.dma_semaphore, #tpu.memory_space<semaphore_mem>>) src(%dma_wait3A_502 : memref<10000x128xf32, #tpu.memory_space<hbm>>) dst(%arg30 : memref<40x128xf32, #tpu.memory_space<vmem>>)
        %dma_start3A_503 = arith.constant 0 : i32
        %dma_start3A_504 = arith.constant 0 : i32
        %dma_start3A_505 = tpu.memref_slice %arg7[%dma_start3A_503, %dma_start3A_504] : memref<10240x128xf32, #tpu.memory_space<vmem_shared>> -> memref<10240x128xf32, #tpu.memory_space<vmem_shared>>
        tpu.enqueue_indirect_dma source(%arg30 : memref<40x128xf32, #tpu.memory_space<vmem>>) target(%dma_start3A_505 : memref<10240x128xf32, #tpu.memory_space<vmem_shared>>) offsets(%arg22 : memref<40xi32, #tpu.memory_space<vmem>>) semaphore(%arg54 : memref<!tpu.dma_semaphore, #tpu.memory_space<semaphore_mem>>) {add = true}
      } else {
      }
      %mul3A_314 = arith.constant 8 : i32
      %mul3A_315 = arith.muli %mul3A_314, %scan3A_252 : i32
      %add3A_316 = arith.constant 7 : i32
      %add3A_317 = arith.addi %mul3A_315, %add3A_316 : i32
      %lt3A_318 = arith.constant 250 : i32
      %lt3A_319 = arith.cmpi slt, %add3A_317, %lt3A_318 : i32
      %convert_element_type3A_320 = arith.extui %lt3A_319 : i1 to i32
      %cond3A_321 = arith.constant 0 : i32
      %cond3A_322 = arith.cmpi ne, %convert_element_type3A_320, %cond3A_321 : i32
      scf.if %cond3A_322 {
        %dma_wait3A_500 = arith.constant 0 : i32
        %dma_wait3A_501 = arith.constant 0 : i32
        %dma_wait3A_502 = tpu.memref_slice %arg2[%dma_wait3A_500, %dma_wait3A_501] : memref<10000x128xf32, #tpu.memory_space<hbm>> -> memref<10000x128xf32, #tpu.memory_space<hbm>>
        tpu.wait_indirect_dma semaphore(%arg47 : memref<!tpu.dma_semaphore, #tpu.memory_space<semaphore_mem>>) src(%dma_wait3A_502 : memref<10000x128xf32, #tpu.memory_space<hbm>>) dst(%arg31 : memref<40x128xf32, #tpu.memory_space<vmem>>)
        %dma_start3A_503 = arith.constant 0 : i32
        %dma_start3A_504 = arith.constant 0 : i32
        %dma_start3A_505 = tpu.memref_slice %arg7[%dma_start3A_503, %dma_start3A_504] : memref<10240x128xf32, #tpu.memory_space<vmem_shared>> -> memref<10240x128xf32, #tpu.memory_space<vmem_shared>>
        tpu.enqueue_indirect_dma source(%arg31 : memref<40x128xf32, #tpu.memory_space<vmem>>) target(%dma_start3A_505 : memref<10240x128xf32, #tpu.memory_space<vmem_shared>>) offsets(%arg23 : memref<40xi32, #tpu.memory_space<vmem>>) semaphore(%arg55 : memref<!tpu.dma_semaphore, #tpu.memory_space<semaphore_mem>>) {add = true}
      } else {
      }
      %mul3A_323 = arith.constant 8 : i32
      %mul3A_324 = arith.muli %mul3A_323, %scan3A_252 : i32
      %add3A_325 = arith.constant 0 : i32
      %add3A_326 = arith.addi %mul3A_324, %add3A_325 : i32
      %add3A_327 = arith.constant 8 : i32
      %add3A_328 = arith.addi %add3A_326, %add3A_327 : i32
      %lt3A_329 = arith.constant 250 : i32
      %lt3A_330 = arith.cmpi slt, %add3A_328, %lt3A_329 : i32
      %convert_element_type3A_331 = arith.extui %lt3A_330 : i1 to i32
      %cond3A_332 = arith.constant 0 : i32
      %cond3A_333 = arith.cmpi ne, %convert_element_type3A_331, %cond3A_332 : i32
      scf.if %cond3A_333 {
        %dma_wait3A_500 = arith.constant 0 : i32
        %dma_wait3A_501 = arith.constant 0 : i32
        %dma_wait3A_502 = tpu.memref_slice %arg7[%dma_wait3A_500, %dma_wait3A_501] : memref<10240x128xf32, #tpu.memory_space<vmem_shared>> -> memref<10240x128xf32, #tpu.memory_space<vmem_shared>>
        tpu.wait_indirect_dma semaphore(%arg48 : memref<!tpu.dma_semaphore, #tpu.memory_space<semaphore_mem>>) src(%arg24 : memref<40x128xf32, #tpu.memory_space<vmem>>) dst(%dma_wait3A_502 : memref<10240x128xf32, #tpu.memory_space<vmem_shared>>)
        %add3A_503 = arith.constant 8 : i32
        %add3A_504 = arith.addi %add3A_326, %add3A_503 : i32
        %mul3A_505 = arith.constant 10000 : i32
        %mul3A_506 = arith.muli %add3A, %mul3A_505 : i32
        %mul3A_507 = arith.constant 40 : i32
        %mul3A_508 = arith.muli %add3A_504, %mul3A_507 : i32
        %add3A_509 = arith.addi %mul3A_506, %mul3A_508 : i32
        %dma_start3A_510 = tpu.memref_slice %arg3[%add3A_509] : memref<320000xi32, #tpu.memory_space<hbm>> -> memref<40xi32, #tpu.memory_space<hbm>>
        %dma_start3A_511 = tpu.memref_slice %arg3[%add3A_509] : memref<320000xi32, #tpu.memory_space<hbm>> -> memref<40xi32, #tpu.memory_space<hbm>>
        tpu.enqueue_dma source(%dma_start3A_511 : memref<40xi32, #tpu.memory_space<hbm>>) target(%arg8 : memref<40xi32, #tpu.memory_space<vmem>>) target_semaphore(%arg32 : memref<!tpu.dma_semaphore, #tpu.memory_space<semaphore_mem>>)
        %mul3A_512 = arith.constant 10000 : i32
        %mul3A_513 = arith.muli %add3A, %mul3A_512 : i32
        %mul3A_514 = arith.constant 40 : i32
        %mul3A_515 = arith.muli %add3A_504, %mul3A_514 : i32
        %add3A_516 = arith.addi %mul3A_513, %mul3A_515 : i32
        %dma_start3A_517 = tpu.memref_slice %arg4[%add3A_516] : memref<320000xi32, #tpu.memory_space<hbm>> -> memref<40xi32, #tpu.memory_space<hbm>>
        %dma_start3A_518 = tpu.memref_slice %arg4[%add3A_516] : memref<320000xi32, #tpu.memory_space<hbm>> -> memref<40xi32, #tpu.memory_space<hbm>>
        tpu.enqueue_dma source(%dma_start3A_518 : memref<40xi32, #tpu.memory_space<hbm>>) target(%arg16 : memref<40xi32, #tpu.memory_space<vmem>>) target_semaphore(%arg32 : memref<!tpu.dma_semaphore, #tpu.memory_space<semaphore_mem>>)
      } else {
      }
      %mul3A_334 = arith.constant 8 : i32
      %mul3A_335 = arith.muli %mul3A_334, %scan3A_252 : i32
      %add3A_336 = arith.constant 1 : i32
      %add3A_337 = arith.addi %mul3A_335, %add3A_336 : i32
      %add3A_338 = arith.constant 8 : i32
      %add3A_339 = arith.addi %add3A_337, %add3A_338 : i32
      %lt3A_340 = arith.constant 250 : i32
      %lt3A_341 = arith.cmpi slt, %add3A_339, %lt3A_340 : i32
      %convert_element_type3A_342 = arith.extui %lt3A_341 : i1 to i32
      %cond3A_343 = arith.constant 0 : i32
      %cond3A_344 = arith.cmpi ne, %convert_element_type3A_342, %cond3A_343 : i32
      scf.if %cond3A_344 {
        %dma_wait3A_500 = arith.constant 0 : i32
        %dma_wait3A_501 = arith.constant 0 : i32
        %dma_wait3A_502 = tpu.memref_slice %arg7[%dma_wait3A_500, %dma_wait3A_501] : memref<10240x128xf32, #tpu.memory_space<vmem_shared>> -> memref<10240x128xf32, #tpu.memory_space<vmem_shared>>
        tpu.wait_indirect_dma semaphore(%arg49 : memref<!tpu.dma_semaphore, #tpu.memory_space<semaphore_mem>>) src(%arg25 : memref<40x128xf32, #tpu.memory_space<vmem>>) dst(%dma_wait3A_502 : memref<10240x128xf32, #tpu.memory_space<vmem_shared>>)
        %add3A_503 = arith.constant 8 : i32
        %add3A_504 = arith.addi %add3A_337, %add3A_503 : i32
        %mul3A_505 = arith.constant 10000 : i32
        %mul3A_506 = arith.muli %add3A, %mul3A_505 : i32
        %mul3A_507 = arith.constant 40 : i32
        %mul3A_508 = arith.muli %add3A_504, %mul3A_507 : i32
        %add3A_509 = arith.addi %mul3A_506, %mul3A_508 : i32
        %dma_start3A_510 = tpu.memref_slice %arg3[%add3A_509] : memref<320000xi32, #tpu.memory_space<hbm>> -> memref<40xi32, #tpu.memory_space<hbm>>
        %dma_start3A_511 = tpu.memref_slice %arg3[%add3A_509] : memref<320000xi32, #tpu.memory_space<hbm>> -> memref<40xi32, #tpu.memory_space<hbm>>
        tpu.enqueue_dma source(%dma_start3A_511 : memref<40xi32, #tpu.memory_space<hbm>>) target(%arg9 : memref<40xi32, #tpu.memory_space<vmem>>) target_semaphore(%arg33 : memref<!tpu.dma_semaphore, #tpu.memory_space<semaphore_mem>>)
        %mul3A_512 = arith.constant 10000 : i32
        %mul3A_513 = arith.muli %add3A, %mul3A_512 : i32
        %mul3A_514 = arith.constant 40 : i32
        %mul3A_515 = arith.muli %add3A_504, %mul3A_514 : i32
        %add3A_516 = arith.addi %mul3A_513, %mul3A_515 : i32
        %dma_start3A_517 = tpu.memref_slice %arg4[%add3A_516] : memref<320000xi32, #tpu.memory_space<hbm>> -> memref<40xi32, #tpu.memory_space<hbm>>
        %dma_start3A_518 = tpu.memref_slice %arg4[%add3A_516] : memref<320000xi32, #tpu.memory_space<hbm>> -> memref<40xi32, #tpu.memory_space<hbm>>
        tpu.enqueue_dma source(%dma_start3A_518 : memref<40xi32, #tpu.memory_space<hbm>>) target(%arg17 : memref<40xi32, #tpu.memory_space<vmem>>) target_semaphore(%arg33 : memref<!tpu.dma_semaphore, #tpu.memory_space<semaphore_mem>>)
      } else {
      }
      %mul3A_345 = arith.constant 8 : i32
      %mul3A_346 = arith.muli %mul3A_345, %scan3A_252 : i32
      %add3A_347 = arith.constant 2 : i32
      %add3A_348 = arith.addi %mul3A_346, %add3A_347 : i32
      %add3A_349 = arith.constant 8 : i32
      %add3A_350 = arith.addi %add3A_348, %add3A_349 : i32
      %lt3A_351 = arith.constant 250 : i32
      %lt3A_352 = arith.cmpi slt, %add3A_350, %lt3A_351 : i32
      %convert_element_type3A_353 = arith.extui %lt3A_352 : i1 to i32
      %cond3A_354 = arith.constant 0 : i32
      %cond3A_355 = arith.cmpi ne, %convert_element_type3A_353, %cond3A_354 : i32
      scf.if %cond3A_355 {
        %dma_wait3A_500 = arith.constant 0 : i32
        %dma_wait3A_501 = arith.constant 0 : i32
        %dma_wait3A_502 = tpu.memref_slice %arg7[%dma_wait3A_500, %dma_wait3A_501] : memref<10240x128xf32, #tpu.memory_space<vmem_shared>> -> memref<10240x128xf32, #tpu.memory_space<vmem_shared>>
        tpu.wait_indirect_dma semaphore(%arg50 : memref<!tpu.dma_semaphore, #tpu.memory_space<semaphore_mem>>) src(%arg26 : memref<40x128xf32, #tpu.memory_space<vmem>>) dst(%dma_wait3A_502 : memref<10240x128xf32, #tpu.memory_space<vmem_shared>>)
        %add3A_503 = arith.constant 8 : i32
        %add3A_504 = arith.addi %add3A_348, %add3A_503 : i32
        %mul3A_505 = arith.constant 10000 : i32
        %mul3A_506 = arith.muli %add3A, %mul3A_505 : i32
        %mul3A_507 = arith.constant 40 : i32
        %mul3A_508 = arith.muli %add3A_504, %mul3A_507 : i32
        %add3A_509 = arith.addi %mul3A_506, %mul3A_508 : i32
        %dma_start3A_510 = tpu.memref_slice %arg3[%add3A_509] : memref<320000xi32, #tpu.memory_space<hbm>> -> memref<40xi32, #tpu.memory_space<hbm>>
        %dma_start3A_511 = tpu.memref_slice %arg3[%add3A_509] : memref<320000xi32, #tpu.memory_space<hbm>> -> memref<40xi32, #tpu.memory_space<hbm>>
        tpu.enqueue_dma source(%dma_start3A_511 : memref<40xi32, #tpu.memory_space<hbm>>) target(%arg10 : memref<40xi32, #tpu.memory_space<vmem>>) target_semaphore(%arg34 : memref<!tpu.dma_semaphore, #tpu.memory_space<semaphore_mem>>)
        %mul3A_512 = arith.constant 10000 : i32
        %mul3A_513 = arith.muli %add3A, %mul3A_512 : i32
        %mul3A_514 = arith.constant 40 : i32
        %mul3A_515 = arith.muli %add3A_504, %mul3A_514 : i32
        %add3A_516 = arith.addi %mul3A_513, %mul3A_515 : i32
        %dma_start3A_517 = tpu.memref_slice %arg4[%add3A_516] : memref<320000xi32, #tpu.memory_space<hbm>> -> memref<40xi32, #tpu.memory_space<hbm>>
        %dma_start3A_518 = tpu.memref_slice %arg4[%add3A_516] : memref<320000xi32, #tpu.memory_space<hbm>> -> memref<40xi32, #tpu.memory_space<hbm>>
        tpu.enqueue_dma source(%dma_start3A_518 : memref<40xi32, #tpu.memory_space<hbm>>) target(%arg18 : memref<40xi32, #tpu.memory_space<vmem>>) target_semaphore(%arg34 : memref<!tpu.dma_semaphore, #tpu.memory_space<semaphore_mem>>)
      } else {
      }
      %mul3A_356 = arith.constant 8 : i32
      %mul3A_357 = arith.muli %mul3A_356, %scan3A_252 : i32
      %add3A_358 = arith.constant 3 : i32
      %add3A_359 = arith.addi %mul3A_357, %add3A_358 : i32
      %add3A_360 = arith.constant 8 : i32
      %add3A_361 = arith.addi %add3A_359, %add3A_360 : i32
      %lt3A_362 = arith.constant 250 : i32
      %lt3A_363 = arith.cmpi slt, %add3A_361, %lt3A_362 : i32
      %convert_element_type3A_364 = arith.extui %lt3A_363 : i1 to i32
      %cond3A_365 = arith.constant 0 : i32
      %cond3A_366 = arith.cmpi ne, %convert_element_type3A_364, %cond3A_365 : i32
      scf.if %cond3A_366 {
        %dma_wait3A_500 = arith.constant 0 : i32
        %dma_wait3A_501 = arith.constant 0 : i32
        %dma_wait3A_502 = tpu.memref_slice %arg7[%dma_wait3A_500, %dma_wait3A_501] : memref<10240x128xf32, #tpu.memory_space<vmem_shared>> -> memref<10240x128xf32, #tpu.memory_space<vmem_shared>>
        tpu.wait_indirect_dma semaphore(%arg51 : memref<!tpu.dma_semaphore, #tpu.memory_space<semaphore_mem>>) src(%arg27 : memref<40x128xf32, #tpu.memory_space<vmem>>) dst(%dma_wait3A_502 : memref<10240x128xf32, #tpu.memory_space<vmem_shared>>)
        %add3A_503 = arith.constant 8 : i32
        %add3A_504 = arith.addi %add3A_359, %add3A_503 : i32
        %mul3A_505 = arith.constant 10000 : i32
        %mul3A_506 = arith.muli %add3A, %mul3A_505 : i32
        %mul3A_507 = arith.constant 40 : i32
        %mul3A_508 = arith.muli %add3A_504, %mul3A_507 : i32
        %add3A_509 = arith.addi %mul3A_506, %mul3A_508 : i32
        %dma_start3A_510 = tpu.memref_slice %arg3[%add3A_509] : memref<320000xi32, #tpu.memory_space<hbm>> -> memref<40xi32, #tpu.memory_space<hbm>>
        %dma_start3A_511 = tpu.memref_slice %arg3[%add3A_509] : memref<320000xi32, #tpu.memory_space<hbm>> -> memref<40xi32, #tpu.memory_space<hbm>>
        tpu.enqueue_dma source(%dma_start3A_511 : memref<40xi32, #tpu.memory_space<hbm>>) target(%arg11 : memref<40xi32, #tpu.memory_space<vmem>>) target_semaphore(%arg35 : memref<!tpu.dma_semaphore, #tpu.memory_space<semaphore_mem>>)
        %mul3A_512 = arith.constant 10000 : i32
        %mul3A_513 = arith.muli %add3A, %mul3A_512 : i32
        %mul3A_514 = arith.constant 40 : i32
        %mul3A_515 = arith.muli %add3A_504, %mul3A_514 : i32
        %add3A_516 = arith.addi %mul3A_513, %mul3A_515 : i32
        %dma_start3A_517 = tpu.memref_slice %arg4[%add3A_516] : memref<320000xi32, #tpu.memory_space<hbm>> -> memref<40xi32, #tpu.memory_space<hbm>>
        %dma_start3A_518 = tpu.memref_slice %arg4[%add3A_516] : memref<320000xi32, #tpu.memory_space<hbm>> -> memref<40xi32, #tpu.memory_space<hbm>>
        tpu.enqueue_dma source(%dma_start3A_518 : memref<40xi32, #tpu.memory_space<hbm>>) target(%arg19 : memref<40xi32, #tpu.memory_space<vmem>>) target_semaphore(%arg35 : memref<!tpu.dma_semaphore, #tpu.memory_space<semaphore_mem>>)
      } else {
      }
      %mul3A_367 = arith.constant 8 : i32
      %mul3A_368 = arith.muli %mul3A_367, %scan3A_252 : i32
      %add3A_369 = arith.constant 4 : i32
      %add3A_370 = arith.addi %mul3A_368, %add3A_369 : i32
      %add3A_371 = arith.constant 8 : i32
      %add3A_372 = arith.addi %add3A_370, %add3A_371 : i32
      %lt3A_373 = arith.constant 250 : i32
      %lt3A_374 = arith.cmpi slt, %add3A_372, %lt3A_373 : i32
      %convert_element_type3A_375 = arith.extui %lt3A_374 : i1 to i32
      %cond3A_376 = arith.constant 0 : i32
      %cond3A_377 = arith.cmpi ne, %convert_element_type3A_375, %cond3A_376 : i32
      scf.if %cond3A_377 {
        %dma_wait3A_500 = arith.constant 0 : i32
        %dma_wait3A_501 = arith.constant 0 : i32
        %dma_wait3A_502 = tpu.memref_slice %arg7[%dma_wait3A_500, %dma_wait3A_501] : memref<10240x128xf32, #tpu.memory_space<vmem_shared>> -> memref<10240x128xf32, #tpu.memory_space<vmem_shared>>
        tpu.wait_indirect_dma semaphore(%arg52 : memref<!tpu.dma_semaphore, #tpu.memory_space<semaphore_mem>>) src(%arg28 : memref<40x128xf32, #tpu.memory_space<vmem>>) dst(%dma_wait3A_502 : memref<10240x128xf32, #tpu.memory_space<vmem_shared>>)
        %add3A_503 = arith.constant 8 : i32
        %add3A_504 = arith.addi %add3A_370, %add3A_503 : i32
        %mul3A_505 = arith.constant 10000 : i32
        %mul3A_506 = arith.muli %add3A, %mul3A_505 : i32
        %mul3A_507 = arith.constant 40 : i32
        %mul3A_508 = arith.muli %add3A_504, %mul3A_507 : i32
        %add3A_509 = arith.addi %mul3A_506, %mul3A_508 : i32
        %dma_start3A_510 = tpu.memref_slice %arg3[%add3A_509] : memref<320000xi32, #tpu.memory_space<hbm>> -> memref<40xi32, #tpu.memory_space<hbm>>
        %dma_start3A_511 = tpu.memref_slice %arg3[%add3A_509] : memref<320000xi32, #tpu.memory_space<hbm>> -> memref<40xi32, #tpu.memory_space<hbm>>
        tpu.enqueue_dma source(%dma_start3A_511 : memref<40xi32, #tpu.memory_space<hbm>>) target(%arg12 : memref<40xi32, #tpu.memory_space<vmem>>) target_semaphore(%arg36 : memref<!tpu.dma_semaphore, #tpu.memory_space<semaphore_mem>>)
        %mul3A_512 = arith.constant 10000 : i32
        %mul3A_513 = arith.muli %add3A, %mul3A_512 : i32
        %mul3A_514 = arith.constant 40 : i32
        %mul3A_515 = arith.muli %add3A_504, %mul3A_514 : i32
        %add3A_516 = arith.addi %mul3A_513, %mul3A_515 : i32
        %dma_start3A_517 = tpu.memref_slice %arg4[%add3A_516] : memref<320000xi32, #tpu.memory_space<hbm>> -> memref<40xi32, #tpu.memory_space<hbm>>
        %dma_start3A_518 = tpu.memref_slice %arg4[%add3A_516] : memref<320000xi32, #tpu.memory_space<hbm>> -> memref<40xi32, #tpu.memory_space<hbm>>
        tpu.enqueue_dma source(%dma_start3A_518 : memref<40xi32, #tpu.memory_space<hbm>>) target(%arg20 : memref<40xi32, #tpu.memory_space<vmem>>) target_semaphore(%arg36 : memref<!tpu.dma_semaphore, #tpu.memory_space<semaphore_mem>>)
      } else {
      }
      %mul3A_378 = arith.constant 8 : i32
      %mul3A_379 = arith.muli %mul3A_378, %scan3A_252 : i32
      %add3A_380 = arith.constant 5 : i32
      %add3A_381 = arith.addi %mul3A_379, %add3A_380 : i32
      %add3A_382 = arith.constant 8 : i32
      %add3A_383 = arith.addi %add3A_381, %add3A_382 : i32
      %lt3A_384 = arith.constant 250 : i32
      %lt3A_385 = arith.cmpi slt, %add3A_383, %lt3A_384 : i32
      %convert_element_type3A_386 = arith.extui %lt3A_385 : i1 to i32
      %cond3A_387 = arith.constant 0 : i32
      %cond3A_388 = arith.cmpi ne, %convert_element_type3A_386, %cond3A_387 : i32
      scf.if %cond3A_388 {
        %dma_wait3A_500 = arith.constant 0 : i32
        %dma_wait3A_501 = arith.constant 0 : i32
        %dma_wait3A_502 = tpu.memref_slice %arg7[%dma_wait3A_500, %dma_wait3A_501] : memref<10240x128xf32, #tpu.memory_space<vmem_shared>> -> memref<10240x128xf32, #tpu.memory_space<vmem_shared>>
        tpu.wait_indirect_dma semaphore(%arg53 : memref<!tpu.dma_semaphore, #tpu.memory_space<semaphore_mem>>) src(%arg29 : memref<40x128xf32, #tpu.memory_space<vmem>>) dst(%dma_wait3A_502 : memref<10240x128xf32, #tpu.memory_space<vmem_shared>>)
        %add3A_503 = arith.constant 8 : i32
        %add3A_504 = arith.addi %add3A_381, %add3A_503 : i32
        %mul3A_505 = arith.constant 10000 : i32
        %mul3A_506 = arith.muli %add3A, %mul3A_505 : i32
        %mul3A_507 = arith.constant 40 : i32
        %mul3A_508 = arith.muli %add3A_504, %mul3A_507 : i32
        %add3A_509 = arith.addi %mul3A_506, %mul3A_508 : i32
        %dma_start3A_510 = tpu.memref_slice %arg3[%add3A_509] : memref<320000xi32, #tpu.memory_space<hbm>> -> memref<40xi32, #tpu.memory_space<hbm>>
        %dma_start3A_511 = tpu.memref_slice %arg3[%add3A_509] : memref<320000xi32, #tpu.memory_space<hbm>> -> memref<40xi32, #tpu.memory_space<hbm>>
        tpu.enqueue_dma source(%dma_start3A_511 : memref<40xi32, #tpu.memory_space<hbm>>) target(%arg13 : memref<40xi32, #tpu.memory_space<vmem>>) target_semaphore(%arg37 : memref<!tpu.dma_semaphore, #tpu.memory_space<semaphore_mem>>)
        %mul3A_512 = arith.constant 10000 : i32
        %mul3A_513 = arith.muli %add3A, %mul3A_512 : i32
        %mul3A_514 = arith.constant 40 : i32
        %mul3A_515 = arith.muli %add3A_504, %mul3A_514 : i32
        %add3A_516 = arith.addi %mul3A_513, %mul3A_515 : i32
        %dma_start3A_517 = tpu.memref_slice %arg4[%add3A_516] : memref<320000xi32, #tpu.memory_space<hbm>> -> memref<40xi32, #tpu.memory_space<hbm>>
        %dma_start3A_518 = tpu.memref_slice %arg4[%add3A_516] : memref<320000xi32, #tpu.memory_space<hbm>> -> memref<40xi32, #tpu.memory_space<hbm>>
        tpu.enqueue_dma source(%dma_start3A_518 : memref<40xi32, #tpu.memory_space<hbm>>) target(%arg21 : memref<40xi32, #tpu.memory_space<vmem>>) target_semaphore(%arg37 : memref<!tpu.dma_semaphore, #tpu.memory_space<semaphore_mem>>)
      } else {
      }
      %mul3A_389 = arith.constant 8 : i32
      %mul3A_390 = arith.muli %mul3A_389, %scan3A_252 : i32
      %add3A_391 = arith.constant 6 : i32
      %add3A_392 = arith.addi %mul3A_390, %add3A_391 : i32
      %add3A_393 = arith.constant 8 : i32
      %add3A_394 = arith.addi %add3A_392, %add3A_393 : i32
      %lt3A_395 = arith.constant 250 : i32
      %lt3A_396 = arith.cmpi slt, %add3A_394, %lt3A_395 : i32
      %convert_element_type3A_397 = arith.extui %lt3A_396 : i1 to i32
      %cond3A_398 = arith.constant 0 : i32
      %cond3A_399 = arith.cmpi ne, %convert_element_type3A_397, %cond3A_398 : i32
      scf.if %cond3A_399 {
        %dma_wait3A_500 = arith.constant 0 : i32
        %dma_wait3A_501 = arith.constant 0 : i32
        %dma_wait3A_502 = tpu.memref_slice %arg7[%dma_wait3A_500, %dma_wait3A_501] : memref<10240x128xf32, #tpu.memory_space<vmem_shared>> -> memref<10240x128xf32, #tpu.memory_space<vmem_shared>>
        tpu.wait_indirect_dma semaphore(%arg54 : memref<!tpu.dma_semaphore, #tpu.memory_space<semaphore_mem>>) src(%arg30 : memref<40x128xf32, #tpu.memory_space<vmem>>) dst(%dma_wait3A_502 : memref<10240x128xf32, #tpu.memory_space<vmem_shared>>)
        %add3A_503 = arith.constant 8 : i32
        %add3A_504 = arith.addi %add3A_392, %add3A_503 : i32
        %mul3A_505 = arith.constant 10000 : i32
        %mul3A_506 = arith.muli %add3A, %mul3A_505 : i32
        %mul3A_507 = arith.constant 40 : i32
        %mul3A_508 = arith.muli %add3A_504, %mul3A_507 : i32
        %add3A_509 = arith.addi %mul3A_506, %mul3A_508 : i32
        %dma_start3A_510 = tpu.memref_slice %arg3[%add3A_509] : memref<320000xi32, #tpu.memory_space<hbm>> -> memref<40xi32, #tpu.memory_space<hbm>>
        %dma_start3A_511 = tpu.memref_slice %arg3[%add3A_509] : memref<320000xi32, #tpu.memory_space<hbm>> -> memref<40xi32, #tpu.memory_space<hbm>>
        tpu.enqueue_dma source(%dma_start3A_511 : memref<40xi32, #tpu.memory_space<hbm>>) target(%arg14 : memref<40xi32, #tpu.memory_space<vmem>>) target_semaphore(%arg38 : memref<!tpu.dma_semaphore, #tpu.memory_space<semaphore_mem>>)
        %mul3A_512 = arith.constant 10000 : i32
        %mul3A_513 = arith.muli %add3A, %mul3A_512 : i32
        %mul3A_514 = arith.constant 40 : i32
        %mul3A_515 = arith.muli %add3A_504, %mul3A_514 : i32
        %add3A_516 = arith.addi %mul3A_513, %mul3A_515 : i32
        %dma_start3A_517 = tpu.memref_slice %arg4[%add3A_516] : memref<320000xi32, #tpu.memory_space<hbm>> -> memref<40xi32, #tpu.memory_space<hbm>>
        %dma_start3A_518 = tpu.memref_slice %arg4[%add3A_516] : memref<320000xi32, #tpu.memory_space<hbm>> -> memref<40xi32, #tpu.memory_space<hbm>>
        tpu.enqueue_dma source(%dma_start3A_518 : memref<40xi32, #tpu.memory_space<hbm>>) target(%arg22 : memref<40xi32, #tpu.memory_space<vmem>>) target_semaphore(%arg38 : memref<!tpu.dma_semaphore, #tpu.memory_space<semaphore_mem>>)
      } else {
      }
      %mul3A_400 = arith.constant 8 : i32
      %mul3A_401 = arith.muli %mul3A_400, %scan3A_252 : i32
      %add3A_402 = arith.constant 7 : i32
      %add3A_403 = arith.addi %mul3A_401, %add3A_402 : i32
      %add3A_404 = arith.constant 8 : i32
      %add3A_405 = arith.addi %add3A_403, %add3A_404 : i32
      %lt3A_406 = arith.constant 250 : i32
      %lt3A_407 = arith.cmpi slt, %add3A_405, %lt3A_406 : i32
      %convert_element_type3A_408 = arith.extui %lt3A_407 : i1 to i32
      %cond3A_409 = arith.constant 0 : i32
      %cond3A_410 = arith.cmpi ne, %convert_element_type3A_408, %cond3A_409 : i32
      scf.if %cond3A_410 {
        %dma_wait3A_500 = arith.constant 0 : i32
        %dma_wait3A_501 = arith.constant 0 : i32
        %dma_wait3A_502 = tpu.memref_slice %arg7[%dma_wait3A_500, %dma_wait3A_501] : memref<10240x128xf32, #tpu.memory_space<vmem_shared>> -> memref<10240x128xf32, #tpu.memory_space<vmem_shared>>
        tpu.wait_indirect_dma semaphore(%arg55 : memref<!tpu.dma_semaphore, #tpu.memory_space<semaphore_mem>>) src(%arg31 : memref<40x128xf32, #tpu.memory_space<vmem>>) dst(%dma_wait3A_502 : memref<10240x128xf32, #tpu.memory_space<vmem_shared>>)
        %add3A_503 = arith.constant 8 : i32
        %add3A_504 = arith.addi %add3A_403, %add3A_503 : i32
        %mul3A_505 = arith.constant 10000 : i32
        %mul3A_506 = arith.muli %add3A, %mul3A_505 : i32
        %mul3A_507 = arith.constant 40 : i32
        %mul3A_508 = arith.muli %add3A_504, %mul3A_507 : i32
        %add3A_509 = arith.addi %mul3A_506, %mul3A_508 : i32
        %dma_start3A_510 = tpu.memref_slice %arg3[%add3A_509] : memref<320000xi32, #tpu.memory_space<hbm>> -> memref<40xi32, #tpu.memory_space<hbm>>
        %dma_start3A_511 = tpu.memref_slice %arg3[%add3A_509] : memref<320000xi32, #tpu.memory_space<hbm>> -> memref<40xi32, #tpu.memory_space<hbm>>
        tpu.enqueue_dma source(%dma_start3A_511 : memref<40xi32, #tpu.memory_space<hbm>>) target(%arg15 : memref<40xi32, #tpu.memory_space<vmem>>) target_semaphore(%arg39 : memref<!tpu.dma_semaphore, #tpu.memory_space<semaphore_mem>>)
        %mul3A_512 = arith.constant 10000 : i32
        %mul3A_513 = arith.muli %add3A, %mul3A_512 : i32
        %mul3A_514 = arith.constant 40 : i32
        %mul3A_515 = arith.muli %add3A_504, %mul3A_514 : i32
        %add3A_516 = arith.addi %mul3A_513, %mul3A_515 : i32
        %dma_start3A_517 = tpu.memref_slice %arg4[%add3A_516] : memref<320000xi32, #tpu.memory_space<hbm>> -> memref<40xi32, #tpu.memory_space<hbm>>
        %dma_start3A_518 = tpu.memref_slice %arg4[%add3A_516] : memref<320000xi32, #tpu.memory_space<hbm>> -> memref<40xi32, #tpu.memory_space<hbm>>
        tpu.enqueue_dma source(%dma_start3A_518 : memref<40xi32, #tpu.memory_space<hbm>>) target(%arg23 : memref<40xi32, #tpu.memory_space<vmem>>) target_semaphore(%arg39 : memref<!tpu.dma_semaphore, #tpu.memory_space<semaphore_mem>>)
      } else {
      }
      %mul3A_411 = arith.constant 8 : i32
      %mul3A_412 = arith.muli %mul3A_411, %scan3A_252 : i32
      %add3A_413 = arith.constant 0 : i32
      %add3A_414 = arith.addi %mul3A_412, %add3A_413 : i32
      %add3A_415 = arith.constant 8 : i32
      %add3A_416 = arith.addi %add3A_414, %add3A_415 : i32
      %lt3A_417 = arith.constant 250 : i32
      %lt3A_418 = arith.cmpi slt, %add3A_416, %lt3A_417 : i32
      %convert_element_type3A_419 = arith.extui %lt3A_418 : i1 to i32
      %cond3A_420 = arith.constant 0 : i32
      %cond3A_421 = arith.cmpi ne, %convert_element_type3A_419, %cond3A_420 : i32
      scf.if %cond3A_421 {
        %add3A_500 = arith.constant 8 : i32
        %add3A_501 = arith.addi %add3A_414, %add3A_500 : i32
        %mul3A_502 = arith.constant 10000 : i32
        %mul3A_503 = arith.muli %add3A, %mul3A_502 : i32
        %mul3A_504 = arith.constant 40 : i32
        %mul3A_505 = arith.muli %add3A_501, %mul3A_504 : i32
        %add3A_506 = arith.addi %mul3A_503, %mul3A_505 : i32
        %dma_wait3A_507 = tpu.memref_slice %arg3[%add3A_506] : memref<320000xi32, #tpu.memory_space<hbm>> -> memref<40xi32, #tpu.memory_space<hbm>>
        %dma_wait3A_508 = tpu.memref_slice %arg3[%add3A_506] : memref<320000xi32, #tpu.memory_space<hbm>> -> memref<40xi32, #tpu.memory_space<hbm>>
        tpu.wait_dma2 semaphore(%arg32 : memref<!tpu.dma_semaphore, #tpu.memory_space<semaphore_mem>>) src(%dma_wait3A_508 : memref<40xi32, #tpu.memory_space<hbm>>) dst(%arg8 : memref<40xi32, #tpu.memory_space<vmem>>)
        %mul3A_509 = arith.constant 10000 : i32
        %mul3A_510 = arith.muli %add3A, %mul3A_509 : i32
        %mul3A_511 = arith.constant 40 : i32
        %mul3A_512 = arith.muli %add3A_501, %mul3A_511 : i32
        %add3A_513 = arith.addi %mul3A_510, %mul3A_512 : i32
        %dma_wait3A_514 = tpu.memref_slice %arg4[%add3A_513] : memref<320000xi32, #tpu.memory_space<hbm>> -> memref<40xi32, #tpu.memory_space<hbm>>
        %dma_wait3A_515 = tpu.memref_slice %arg4[%add3A_513] : memref<320000xi32, #tpu.memory_space<hbm>> -> memref<40xi32, #tpu.memory_space<hbm>>
        tpu.wait_dma2 semaphore(%arg32 : memref<!tpu.dma_semaphore, #tpu.memory_space<semaphore_mem>>) src(%dma_wait3A_515 : memref<40xi32, #tpu.memory_space<hbm>>) dst(%arg16 : memref<40xi32, #tpu.memory_space<vmem>>)
        %add3A_516 = arith.constant 8 : i32
        %add3A_517 = arith.addi %add3A_414, %add3A_516 : i32
        %dma_start3A_518 = arith.constant 0 : i32
        %dma_start3A_519 = arith.constant 0 : i32
        %dma_start3A_520 = tpu.memref_slice %arg2[%dma_start3A_518, %dma_start3A_519] : memref<10000x128xf32, #tpu.memory_space<hbm>> -> memref<10000x128xf32, #tpu.memory_space<hbm>>
        tpu.enqueue_indirect_dma source(%dma_start3A_520 : memref<10000x128xf32, #tpu.memory_space<hbm>>) target(%arg24 : memref<40x128xf32, #tpu.memory_space<vmem>>) offsets(%arg8 : memref<40xi32, #tpu.memory_space<vmem>>) semaphore(%arg40 : memref<!tpu.dma_semaphore, #tpu.memory_space<semaphore_mem>>)
      } else {
      }
      %mul3A_422 = arith.constant 8 : i32
      %mul3A_423 = arith.muli %mul3A_422, %scan3A_252 : i32
      %add3A_424 = arith.constant 1 : i32
      %add3A_425 = arith.addi %mul3A_423, %add3A_424 : i32
      %add3A_426 = arith.constant 8 : i32
      %add3A_427 = arith.addi %add3A_425, %add3A_426 : i32
      %lt3A_428 = arith.constant 250 : i32
      %lt3A_429 = arith.cmpi slt, %add3A_427, %lt3A_428 : i32
      %convert_element_type3A_430 = arith.extui %lt3A_429 : i1 to i32
      %cond3A_431 = arith.constant 0 : i32
      %cond3A_432 = arith.cmpi ne, %convert_element_type3A_430, %cond3A_431 : i32
      scf.if %cond3A_432 {
        %add3A_500 = arith.constant 8 : i32
        %add3A_501 = arith.addi %add3A_425, %add3A_500 : i32
        %mul3A_502 = arith.constant 10000 : i32
        %mul3A_503 = arith.muli %add3A, %mul3A_502 : i32
        %mul3A_504 = arith.constant 40 : i32
        %mul3A_505 = arith.muli %add3A_501, %mul3A_504 : i32
        %add3A_506 = arith.addi %mul3A_503, %mul3A_505 : i32
        %dma_wait3A_507 = tpu.memref_slice %arg3[%add3A_506] : memref<320000xi32, #tpu.memory_space<hbm>> -> memref<40xi32, #tpu.memory_space<hbm>>
        %dma_wait3A_508 = tpu.memref_slice %arg3[%add3A_506] : memref<320000xi32, #tpu.memory_space<hbm>> -> memref<40xi32, #tpu.memory_space<hbm>>
        tpu.wait_dma2 semaphore(%arg33 : memref<!tpu.dma_semaphore, #tpu.memory_space<semaphore_mem>>) src(%dma_wait3A_508 : memref<40xi32, #tpu.memory_space<hbm>>) dst(%arg9 : memref<40xi32, #tpu.memory_space<vmem>>)
        %mul3A_509 = arith.constant 10000 : i32
        %mul3A_510 = arith.muli %add3A, %mul3A_509 : i32
        %mul3A_511 = arith.constant 40 : i32
        %mul3A_512 = arith.muli %add3A_501, %mul3A_511 : i32
        %add3A_513 = arith.addi %mul3A_510, %mul3A_512 : i32
        %dma_wait3A_514 = tpu.memref_slice %arg4[%add3A_513] : memref<320000xi32, #tpu.memory_space<hbm>> -> memref<40xi32, #tpu.memory_space<hbm>>
        %dma_wait3A_515 = tpu.memref_slice %arg4[%add3A_513] : memref<320000xi32, #tpu.memory_space<hbm>> -> memref<40xi32, #tpu.memory_space<hbm>>
        tpu.wait_dma2 semaphore(%arg33 : memref<!tpu.dma_semaphore, #tpu.memory_space<semaphore_mem>>) src(%dma_wait3A_515 : memref<40xi32, #tpu.memory_space<hbm>>) dst(%arg17 : memref<40xi32, #tpu.memory_space<vmem>>)
        %add3A_516 = arith.constant 8 : i32
        %add3A_517 = arith.addi %add3A_425, %add3A_516 : i32
        %dma_start3A_518 = arith.constant 0 : i32
        %dma_start3A_519 = arith.constant 0 : i32
        %dma_start3A_520 = tpu.memref_slice %arg2[%dma_start3A_518, %dma_start3A_519] : memref<10000x128xf32, #tpu.memory_space<hbm>> -> memref<10000x128xf32, #tpu.memory_space<hbm>>
        tpu.enqueue_indirect_dma source(%dma_start3A_520 : memref<10000x128xf32, #tpu.memory_space<hbm>>) target(%arg25 : memref<40x128xf32, #tpu.memory_space<vmem>>) offsets(%arg9 : memref<40xi32, #tpu.memory_space<vmem>>) semaphore(%arg41 : memref<!tpu.dma_semaphore, #tpu.memory_space<semaphore_mem>>)
      } else {
      }
      %mul3A_433 = arith.constant 8 : i32
      %mul3A_434 = arith.muli %mul3A_433, %scan3A_252 : i32
      %add3A_435 = arith.constant 2 : i32
      %add3A_436 = arith.addi %mul3A_434, %add3A_435 : i32
      %add3A_437 = arith.constant 8 : i32
      %add3A_438 = arith.addi %add3A_436, %add3A_437 : i32
      %lt3A_439 = arith.constant 250 : i32
      %lt3A_440 = arith.cmpi slt, %add3A_438, %lt3A_439 : i32
      %convert_element_type3A_441 = arith.extui %lt3A_440 : i1 to i32
      %cond3A_442 = arith.constant 0 : i32
      %cond3A_443 = arith.cmpi ne, %convert_element_type3A_441, %cond3A_442 : i32
      scf.if %cond3A_443 {
        %add3A_500 = arith.constant 8 : i32
        %add3A_501 = arith.addi %add3A_436, %add3A_500 : i32
        %mul3A_502 = arith.constant 10000 : i32
        %mul3A_503 = arith.muli %add3A, %mul3A_502 : i32
        %mul3A_504 = arith.constant 40 : i32
        %mul3A_505 = arith.muli %add3A_501, %mul3A_504 : i32
        %add3A_506 = arith.addi %mul3A_503, %mul3A_505 : i32
        %dma_wait3A_507 = tpu.memref_slice %arg3[%add3A_506] : memref<320000xi32, #tpu.memory_space<hbm>> -> memref<40xi32, #tpu.memory_space<hbm>>
        %dma_wait3A_508 = tpu.memref_slice %arg3[%add3A_506] : memref<320000xi32, #tpu.memory_space<hbm>> -> memref<40xi32, #tpu.memory_space<hbm>>
        tpu.wait_dma2 semaphore(%arg34 : memref<!tpu.dma_semaphore, #tpu.memory_space<semaphore_mem>>) src(%dma_wait3A_508 : memref<40xi32, #tpu.memory_space<hbm>>) dst(%arg10 : memref<40xi32, #tpu.memory_space<vmem>>)
        %mul3A_509 = arith.constant 10000 : i32
        %mul3A_510 = arith.muli %add3A, %mul3A_509 : i32
        %mul3A_511 = arith.constant 40 : i32
        %mul3A_512 = arith.muli %add3A_501, %mul3A_511 : i32
        %add3A_513 = arith.addi %mul3A_510, %mul3A_512 : i32
        %dma_wait3A_514 = tpu.memref_slice %arg4[%add3A_513] : memref<320000xi32, #tpu.memory_space<hbm>> -> memref<40xi32, #tpu.memory_space<hbm>>
        %dma_wait3A_515 = tpu.memref_slice %arg4[%add3A_513] : memref<320000xi32, #tpu.memory_space<hbm>> -> memref<40xi32, #tpu.memory_space<hbm>>
        tpu.wait_dma2 semaphore(%arg34 : memref<!tpu.dma_semaphore, #tpu.memory_space<semaphore_mem>>) src(%dma_wait3A_515 : memref<40xi32, #tpu.memory_space<hbm>>) dst(%arg18 : memref<40xi32, #tpu.memory_space<vmem>>)
        %add3A_516 = arith.constant 8 : i32
        %add3A_517 = arith.addi %add3A_436, %add3A_516 : i32
        %dma_start3A_518 = arith.constant 0 : i32
        %dma_start3A_519 = arith.constant 0 : i32
        %dma_start3A_520 = tpu.memref_slice %arg2[%dma_start3A_518, %dma_start3A_519] : memref<10000x128xf32, #tpu.memory_space<hbm>> -> memref<10000x128xf32, #tpu.memory_space<hbm>>
        tpu.enqueue_indirect_dma source(%dma_start3A_520 : memref<10000x128xf32, #tpu.memory_space<hbm>>) target(%arg26 : memref<40x128xf32, #tpu.memory_space<vmem>>) offsets(%arg10 : memref<40xi32, #tpu.memory_space<vmem>>) semaphore(%arg42 : memref<!tpu.dma_semaphore, #tpu.memory_space<semaphore_mem>>)
      } else {
      }
      %mul3A_444 = arith.constant 8 : i32
      %mul3A_445 = arith.muli %mul3A_444, %scan3A_252 : i32
      %add3A_446 = arith.constant 3 : i32
      %add3A_447 = arith.addi %mul3A_445, %add3A_446 : i32
      %add3A_448 = arith.constant 8 : i32
      %add3A_449 = arith.addi %add3A_447, %add3A_448 : i32
      %lt3A_450 = arith.constant 250 : i32
      %lt3A_451 = arith.cmpi slt, %add3A_449, %lt3A_450 : i32
      %convert_element_type3A_452 = arith.extui %lt3A_451 : i1 to i32
      %cond3A_453 = arith.constant 0 : i32
      %cond3A_454 = arith.cmpi ne, %convert_element_type3A_452, %cond3A_453 : i32
      scf.if %cond3A_454 {
        %add3A_500 = arith.constant 8 : i32
        %add3A_501 = arith.addi %add3A_447, %add3A_500 : i32
        %mul3A_502 = arith.constant 10000 : i32
        %mul3A_503 = arith.muli %add3A, %mul3A_502 : i32
        %mul3A_504 = arith.constant 40 : i32
        %mul3A_505 = arith.muli %add3A_501, %mul3A_504 : i32
        %add3A_506 = arith.addi %mul3A_503, %mul3A_505 : i32
        %dma_wait3A_507 = tpu.memref_slice %arg3[%add3A_506] : memref<320000xi32, #tpu.memory_space<hbm>> -> memref<40xi32, #tpu.memory_space<hbm>>
        %dma_wait3A_508 = tpu.memref_slice %arg3[%add3A_506] : memref<320000xi32, #tpu.memory_space<hbm>> -> memref<40xi32, #tpu.memory_space<hbm>>
        tpu.wait_dma2 semaphore(%arg35 : memref<!tpu.dma_semaphore, #tpu.memory_space<semaphore_mem>>) src(%dma_wait3A_508 : memref<40xi32, #tpu.memory_space<hbm>>) dst(%arg11 : memref<40xi32, #tpu.memory_space<vmem>>)
        %mul3A_509 = arith.constant 10000 : i32
        %mul3A_510 = arith.muli %add3A, %mul3A_509 : i32
        %mul3A_511 = arith.constant 40 : i32
        %mul3A_512 = arith.muli %add3A_501, %mul3A_511 : i32
        %add3A_513 = arith.addi %mul3A_510, %mul3A_512 : i32
        %dma_wait3A_514 = tpu.memref_slice %arg4[%add3A_513] : memref<320000xi32, #tpu.memory_space<hbm>> -> memref<40xi32, #tpu.memory_space<hbm>>
        %dma_wait3A_515 = tpu.memref_slice %arg4[%add3A_513] : memref<320000xi32, #tpu.memory_space<hbm>> -> memref<40xi32, #tpu.memory_space<hbm>>
        tpu.wait_dma2 semaphore(%arg35 : memref<!tpu.dma_semaphore, #tpu.memory_space<semaphore_mem>>) src(%dma_wait3A_515 : memref<40xi32, #tpu.memory_space<hbm>>) dst(%arg19 : memref<40xi32, #tpu.memory_space<vmem>>)
        %add3A_516 = arith.constant 8 : i32
        %add3A_517 = arith.addi %add3A_447, %add3A_516 : i32
        %dma_start3A_518 = arith.constant 0 : i32
        %dma_start3A_519 = arith.constant 0 : i32
        %dma_start3A_520 = tpu.memref_slice %arg2[%dma_start3A_518, %dma_start3A_519] : memref<10000x128xf32, #tpu.memory_space<hbm>> -> memref<10000x128xf32, #tpu.memory_space<hbm>>
        tpu.enqueue_indirect_dma source(%dma_start3A_520 : memref<10000x128xf32, #tpu.memory_space<hbm>>) target(%arg27 : memref<40x128xf32, #tpu.memory_space<vmem>>) offsets(%arg11 : memref<40xi32, #tpu.memory_space<vmem>>) semaphore(%arg43 : memref<!tpu.dma_semaphore, #tpu.memory_space<semaphore_mem>>)
      } else {
      }
      %mul3A_455 = arith.constant 8 : i32
      %mul3A_456 = arith.muli %mul3A_455, %scan3A_252 : i32
      %add3A_457 = arith.constant 4 : i32
      %add3A_458 = arith.addi %mul3A_456, %add3A_457 : i32
      %add3A_459 = arith.constant 8 : i32
      %add3A_460 = arith.addi %add3A_458, %add3A_459 : i32
      %lt3A_461 = arith.constant 250 : i32
      %lt3A_462 = arith.cmpi slt, %add3A_460, %lt3A_461 : i32
      %convert_element_type3A_463 = arith.extui %lt3A_462 : i1 to i32
      %cond3A_464 = arith.constant 0 : i32
      %cond3A_465 = arith.cmpi ne, %convert_element_type3A_463, %cond3A_464 : i32
      scf.if %cond3A_465 {
        %add3A_500 = arith.constant 8 : i32
        %add3A_501 = arith.addi %add3A_458, %add3A_500 : i32
        %mul3A_502 = arith.constant 10000 : i32
        %mul3A_503 = arith.muli %add3A, %mul3A_502 : i32
        %mul3A_504 = arith.constant 40 : i32
        %mul3A_505 = arith.muli %add3A_501, %mul3A_504 : i32
        %add3A_506 = arith.addi %mul3A_503, %mul3A_505 : i32
        %dma_wait3A_507 = tpu.memref_slice %arg3[%add3A_506] : memref<320000xi32, #tpu.memory_space<hbm>> -> memref<40xi32, #tpu.memory_space<hbm>>
        %dma_wait3A_508 = tpu.memref_slice %arg3[%add3A_506] : memref<320000xi32, #tpu.memory_space<hbm>> -> memref<40xi32, #tpu.memory_space<hbm>>
        tpu.wait_dma2 semaphore(%arg36 : memref<!tpu.dma_semaphore, #tpu.memory_space<semaphore_mem>>) src(%dma_wait3A_508 : memref<40xi32, #tpu.memory_space<hbm>>) dst(%arg12 : memref<40xi32, #tpu.memory_space<vmem>>)
        %mul3A_509 = arith.constant 10000 : i32
        %mul3A_510 = arith.muli %add3A, %mul3A_509 : i32
        %mul3A_511 = arith.constant 40 : i32
        %mul3A_512 = arith.muli %add3A_501, %mul3A_511 : i32
        %add3A_513 = arith.addi %mul3A_510, %mul3A_512 : i32
        %dma_wait3A_514 = tpu.memref_slice %arg4[%add3A_513] : memref<320000xi32, #tpu.memory_space<hbm>> -> memref<40xi32, #tpu.memory_space<hbm>>
        %dma_wait3A_515 = tpu.memref_slice %arg4[%add3A_513] : memref<320000xi32, #tpu.memory_space<hbm>> -> memref<40xi32, #tpu.memory_space<hbm>>
        tpu.wait_dma2 semaphore(%arg36 : memref<!tpu.dma_semaphore, #tpu.memory_space<semaphore_mem>>) src(%dma_wait3A_515 : memref<40xi32, #tpu.memory_space<hbm>>) dst(%arg20 : memref<40xi32, #tpu.memory_space<vmem>>)
        %add3A_516 = arith.constant 8 : i32
        %add3A_517 = arith.addi %add3A_458, %add3A_516 : i32
        %dma_start3A_518 = arith.constant 0 : i32
        %dma_start3A_519 = arith.constant 0 : i32
        %dma_start3A_520 = tpu.memref_slice %arg2[%dma_start3A_518, %dma_start3A_519] : memref<10000x128xf32, #tpu.memory_space<hbm>> -> memref<10000x128xf32, #tpu.memory_space<hbm>>
        tpu.enqueue_indirect_dma source(%dma_start3A_520 : memref<10000x128xf32, #tpu.memory_space<hbm>>) target(%arg28 : memref<40x128xf32, #tpu.memory_space<vmem>>) offsets(%arg12 : memref<40xi32, #tpu.memory_space<vmem>>) semaphore(%arg44 : memref<!tpu.dma_semaphore, #tpu.memory_space<semaphore_mem>>)
      } else {
      }
      %mul3A_466 = arith.constant 8 : i32
      %mul3A_467 = arith.muli %mul3A_466, %scan3A_252 : i32
      %add3A_468 = arith.constant 5 : i32
      %add3A_469 = arith.addi %mul3A_467, %add3A_468 : i32
      %add3A_470 = arith.constant 8 : i32
      %add3A_471 = arith.addi %add3A_469, %add3A_470 : i32
      %lt3A_472 = arith.constant 250 : i32
      %lt3A_473 = arith.cmpi slt, %add3A_471, %lt3A_472 : i32
      %convert_element_type3A_474 = arith.extui %lt3A_473 : i1 to i32
      %cond3A_475 = arith.constant 0 : i32
      %cond3A_476 = arith.cmpi ne, %convert_element_type3A_474, %cond3A_475 : i32
      scf.if %cond3A_476 {
        %add3A_500 = arith.constant 8 : i32
        %add3A_501 = arith.addi %add3A_469, %add3A_500 : i32
        %mul3A_502 = arith.constant 10000 : i32
        %mul3A_503 = arith.muli %add3A, %mul3A_502 : i32
        %mul3A_504 = arith.constant 40 : i32
        %mul3A_505 = arith.muli %add3A_501, %mul3A_504 : i32
        %add3A_506 = arith.addi %mul3A_503, %mul3A_505 : i32
        %dma_wait3A_507 = tpu.memref_slice %arg3[%add3A_506] : memref<320000xi32, #tpu.memory_space<hbm>> -> memref<40xi32, #tpu.memory_space<hbm>>
        %dma_wait3A_508 = tpu.memref_slice %arg3[%add3A_506] : memref<320000xi32, #tpu.memory_space<hbm>> -> memref<40xi32, #tpu.memory_space<hbm>>
        tpu.wait_dma2 semaphore(%arg37 : memref<!tpu.dma_semaphore, #tpu.memory_space<semaphore_mem>>) src(%dma_wait3A_508 : memref<40xi32, #tpu.memory_space<hbm>>) dst(%arg13 : memref<40xi32, #tpu.memory_space<vmem>>)
        %mul3A_509 = arith.constant 10000 : i32
        %mul3A_510 = arith.muli %add3A, %mul3A_509 : i32
        %mul3A_511 = arith.constant 40 : i32
        %mul3A_512 = arith.muli %add3A_501, %mul3A_511 : i32
        %add3A_513 = arith.addi %mul3A_510, %mul3A_512 : i32
        %dma_wait3A_514 = tpu.memref_slice %arg4[%add3A_513] : memref<320000xi32, #tpu.memory_space<hbm>> -> memref<40xi32, #tpu.memory_space<hbm>>
        %dma_wait3A_515 = tpu.memref_slice %arg4[%add3A_513] : memref<320000xi32, #tpu.memory_space<hbm>> -> memref<40xi32, #tpu.memory_space<hbm>>
        tpu.wait_dma2 semaphore(%arg37 : memref<!tpu.dma_semaphore, #tpu.memory_space<semaphore_mem>>) src(%dma_wait3A_515 : memref<40xi32, #tpu.memory_space<hbm>>) dst(%arg21 : memref<40xi32, #tpu.memory_space<vmem>>)
        %add3A_516 = arith.constant 8 : i32
        %add3A_517 = arith.addi %add3A_469, %add3A_516 : i32
        %dma_start3A_518 = arith.constant 0 : i32
        %dma_start3A_519 = arith.constant 0 : i32
        %dma_start3A_520 = tpu.memref_slice %arg2[%dma_start3A_518, %dma_start3A_519] : memref<10000x128xf32, #tpu.memory_space<hbm>> -> memref<10000x128xf32, #tpu.memory_space<hbm>>
        tpu.enqueue_indirect_dma source(%dma_start3A_520 : memref<10000x128xf32, #tpu.memory_space<hbm>>) target(%arg29 : memref<40x128xf32, #tpu.memory_space<vmem>>) offsets(%arg13 : memref<40xi32, #tpu.memory_space<vmem>>) semaphore(%arg45 : memref<!tpu.dma_semaphore, #tpu.memory_space<semaphore_mem>>)
      } else {
      }
      %mul3A_477 = arith.constant 8 : i32
      %mul3A_478 = arith.muli %mul3A_477, %scan3A_252 : i32
      %add3A_479 = arith.constant 6 : i32
      %add3A_480 = arith.addi %mul3A_478, %add3A_479 : i32
      %add3A_481 = arith.constant 8 : i32
      %add3A_482 = arith.addi %add3A_480, %add3A_481 : i32
      %lt3A_483 = arith.constant 250 : i32
      %lt3A_484 = arith.cmpi slt, %add3A_482, %lt3A_483 : i32
      %convert_element_type3A_485 = arith.extui %lt3A_484 : i1 to i32
      %cond3A_486 = arith.constant 0 : i32
      %cond3A_487 = arith.cmpi ne, %convert_element_type3A_485, %cond3A_486 : i32
      scf.if %cond3A_487 {
        %add3A_500 = arith.constant 8 : i32
        %add3A_501 = arith.addi %add3A_480, %add3A_500 : i32
        %mul3A_502 = arith.constant 10000 : i32
        %mul3A_503 = arith.muli %add3A, %mul3A_502 : i32
        %mul3A_504 = arith.constant 40 : i32
        %mul3A_505 = arith.muli %add3A_501, %mul3A_504 : i32
        %add3A_506 = arith.addi %mul3A_503, %mul3A_505 : i32
        %dma_wait3A_507 = tpu.memref_slice %arg3[%add3A_506] : memref<320000xi32, #tpu.memory_space<hbm>> -> memref<40xi32, #tpu.memory_space<hbm>>
        %dma_wait3A_508 = tpu.memref_slice %arg3[%add3A_506] : memref<320000xi32, #tpu.memory_space<hbm>> -> memref<40xi32, #tpu.memory_space<hbm>>
        tpu.wait_dma2 semaphore(%arg38 : memref<!tpu.dma_semaphore, #tpu.memory_space<semaphore_mem>>) src(%dma_wait3A_508 : memref<40xi32, #tpu.memory_space<hbm>>) dst(%arg14 : memref<40xi32, #tpu.memory_space<vmem>>)
        %mul3A_509 = arith.constant 10000 : i32
        %mul3A_510 = arith.muli %add3A, %mul3A_509 : i32
        %mul3A_511 = arith.constant 40 : i32
        %mul3A_512 = arith.muli %add3A_501, %mul3A_511 : i32
        %add3A_513 = arith.addi %mul3A_510, %mul3A_512 : i32
        %dma_wait3A_514 = tpu.memref_slice %arg4[%add3A_513] : memref<320000xi32, #tpu.memory_space<hbm>> -> memref<40xi32, #tpu.memory_space<hbm>>
        %dma_wait3A_515 = tpu.memref_slice %arg4[%add3A_513] : memref<320000xi32, #tpu.memory_space<hbm>> -> memref<40xi32, #tpu.memory_space<hbm>>
        tpu.wait_dma2 semaphore(%arg38 : memref<!tpu.dma_semaphore, #tpu.memory_space<semaphore_mem>>) src(%dma_wait3A_515 : memref<40xi32, #tpu.memory_space<hbm>>) dst(%arg22 : memref<40xi32, #tpu.memory_space<vmem>>)
        %add3A_516 = arith.constant 8 : i32
        %add3A_517 = arith.addi %add3A_480, %add3A_516 : i32
        %dma_start3A_518 = arith.constant 0 : i32
        %dma_start3A_519 = arith.constant 0 : i32
        %dma_start3A_520 = tpu.memref_slice %arg2[%dma_start3A_518, %dma_start3A_519] : memref<10000x128xf32, #tpu.memory_space<hbm>> -> memref<10000x128xf32, #tpu.memory_space<hbm>>
        tpu.enqueue_indirect_dma source(%dma_start3A_520 : memref<10000x128xf32, #tpu.memory_space<hbm>>) target(%arg30 : memref<40x128xf32, #tpu.memory_space<vmem>>) offsets(%arg14 : memref<40xi32, #tpu.memory_space<vmem>>) semaphore(%arg46 : memref<!tpu.dma_semaphore, #tpu.memory_space<semaphore_mem>>)
      } else {
      }
      %mul3A_488 = arith.constant 8 : i32
      %mul3A_489 = arith.muli %mul3A_488, %scan3A_252 : i32
      %add3A_490 = arith.constant 7 : i32
      %add3A_491 = arith.addi %mul3A_489, %add3A_490 : i32
      %add3A_492 = arith.constant 8 : i32
      %add3A_493 = arith.addi %add3A_491, %add3A_492 : i32
      %lt3A_494 = arith.constant 250 : i32
      %lt3A_495 = arith.cmpi slt, %add3A_493, %lt3A_494 : i32
      %convert_element_type3A_496 = arith.extui %lt3A_495 : i1 to i32
      %cond3A_497 = arith.constant 0 : i32
      %cond3A_498 = arith.cmpi ne, %convert_element_type3A_496, %cond3A_497 : i32
      scf.if %cond3A_498 {
        %add3A_500 = arith.constant 8 : i32
        %add3A_501 = arith.addi %add3A_491, %add3A_500 : i32
        %mul3A_502 = arith.constant 10000 : i32
        %mul3A_503 = arith.muli %add3A, %mul3A_502 : i32
        %mul3A_504 = arith.constant 40 : i32
        %mul3A_505 = arith.muli %add3A_501, %mul3A_504 : i32
        %add3A_506 = arith.addi %mul3A_503, %mul3A_505 : i32
        %dma_wait3A_507 = tpu.memref_slice %arg3[%add3A_506] : memref<320000xi32, #tpu.memory_space<hbm>> -> memref<40xi32, #tpu.memory_space<hbm>>
        %dma_wait3A_508 = tpu.memref_slice %arg3[%add3A_506] : memref<320000xi32, #tpu.memory_space<hbm>> -> memref<40xi32, #tpu.memory_space<hbm>>
        tpu.wait_dma2 semaphore(%arg39 : memref<!tpu.dma_semaphore, #tpu.memory_space<semaphore_mem>>) src(%dma_wait3A_508 : memref<40xi32, #tpu.memory_space<hbm>>) dst(%arg15 : memref<40xi32, #tpu.memory_space<vmem>>)
        %mul3A_509 = arith.constant 10000 : i32
        %mul3A_510 = arith.muli %add3A, %mul3A_509 : i32
        %mul3A_511 = arith.constant 40 : i32
        %mul3A_512 = arith.muli %add3A_501, %mul3A_511 : i32
        %add3A_513 = arith.addi %mul3A_510, %mul3A_512 : i32
        %dma_wait3A_514 = tpu.memref_slice %arg4[%add3A_513] : memref<320000xi32, #tpu.memory_space<hbm>> -> memref<40xi32, #tpu.memory_space<hbm>>
        %dma_wait3A_515 = tpu.memref_slice %arg4[%add3A_513] : memref<320000xi32, #tpu.memory_space<hbm>> -> memref<40xi32, #tpu.memory_space<hbm>>
        tpu.wait_dma2 semaphore(%arg39 : memref<!tpu.dma_semaphore, #tpu.memory_space<semaphore_mem>>) src(%dma_wait3A_515 : memref<40xi32, #tpu.memory_space<hbm>>) dst(%arg23 : memref<40xi32, #tpu.memory_space<vmem>>)
        %add3A_516 = arith.constant 8 : i32
        %add3A_517 = arith.addi %add3A_491, %add3A_516 : i32
        %dma_start3A_518 = arith.constant 0 : i32
        %dma_start3A_519 = arith.constant 0 : i32
        %dma_start3A_520 = tpu.memref_slice %arg2[%dma_start3A_518, %dma_start3A_519] : memref<10000x128xf32, #tpu.memory_space<hbm>> -> memref<10000x128xf32, #tpu.memory_space<hbm>>
        tpu.enqueue_indirect_dma source(%dma_start3A_520 : memref<10000x128xf32, #tpu.memory_space<hbm>>) target(%arg31 : memref<40x128xf32, #tpu.memory_space<vmem>>) offsets(%arg15 : memref<40xi32, #tpu.memory_space<vmem>>) semaphore(%arg47 : memref<!tpu.dma_semaphore, #tpu.memory_space<semaphore_mem>>)
      } else {
      }
      %scan3A_499 = arith.constant 0 : i32
      scf.yield %scan3A_499 : i32
    }
    %scan3A_222 = arith.constant 32 : i32
    %dma_wait3A_223 = arith.constant 0 : i32
    %dma_wait3A_224 = arith.constant 0 : i32
    %dma_wait3A_225 = tpu.memref_slice %arg7[%dma_wait3A_223, %dma_wait3A_224] : memref<10240x128xf32, #tpu.memory_space<vmem_shared>> -> memref<10240x128xf32, #tpu.memory_space<vmem_shared>>
    tpu.wait_indirect_dma semaphore(%arg50 : memref<!tpu.dma_semaphore, #tpu.memory_space<semaphore_mem>>) src(%arg26 : memref<40x128xf32, #tpu.memory_space<vmem>>) dst(%dma_wait3A_225 : memref<10240x128xf32, #tpu.memory_space<vmem_shared>>)
    %dma_wait3A_226 = arith.constant 0 : i32
    %dma_wait3A_227 = arith.constant 0 : i32
    %dma_wait3A_228 = tpu.memref_slice %arg7[%dma_wait3A_226, %dma_wait3A_227] : memref<10240x128xf32, #tpu.memory_space<vmem_shared>> -> memref<10240x128xf32, #tpu.memory_space<vmem_shared>>
    tpu.wait_indirect_dma semaphore(%arg51 : memref<!tpu.dma_semaphore, #tpu.memory_space<semaphore_mem>>) src(%arg27 : memref<40x128xf32, #tpu.memory_space<vmem>>) dst(%dma_wait3A_228 : memref<10240x128xf32, #tpu.memory_space<vmem_shared>>)
    %dma_wait3A_229 = arith.constant 0 : i32
    %dma_wait3A_230 = arith.constant 0 : i32
    %dma_wait3A_231 = tpu.memref_slice %arg7[%dma_wait3A_229, %dma_wait3A_230] : memref<10240x128xf32, #tpu.memory_space<vmem_shared>> -> memref<10240x128xf32, #tpu.memory_space<vmem_shared>>
    tpu.wait_indirect_dma semaphore(%arg52 : memref<!tpu.dma_semaphore, #tpu.memory_space<semaphore_mem>>) src(%arg28 : memref<40x128xf32, #tpu.memory_space<vmem>>) dst(%dma_wait3A_231 : memref<10240x128xf32, #tpu.memory_space<vmem_shared>>)
    %dma_wait3A_232 = arith.constant 0 : i32
    %dma_wait3A_233 = arith.constant 0 : i32
    %dma_wait3A_234 = tpu.memref_slice %arg7[%dma_wait3A_232, %dma_wait3A_233] : memref<10240x128xf32, #tpu.memory_space<vmem_shared>> -> memref<10240x128xf32, #tpu.memory_space<vmem_shared>>
    tpu.wait_indirect_dma semaphore(%arg53 : memref<!tpu.dma_semaphore, #tpu.memory_space<semaphore_mem>>) src(%arg29 : memref<40x128xf32, #tpu.memory_space<vmem>>) dst(%dma_wait3A_234 : memref<10240x128xf32, #tpu.memory_space<vmem_shared>>)
    %dma_wait3A_235 = arith.constant 0 : i32
    %dma_wait3A_236 = arith.constant 0 : i32
    %dma_wait3A_237 = tpu.memref_slice %arg7[%dma_wait3A_235, %dma_wait3A_236] : memref<10240x128xf32, #tpu.memory_space<vmem_shared>> -> memref<10240x128xf32, #tpu.memory_space<vmem_shared>>
    tpu.wait_indirect_dma semaphore(%arg54 : memref<!tpu.dma_semaphore, #tpu.memory_space<semaphore_mem>>) src(%arg30 : memref<40x128xf32, #tpu.memory_space<vmem>>) dst(%dma_wait3A_237 : memref<10240x128xf32, #tpu.memory_space<vmem_shared>>)
    %dma_wait3A_238 = arith.constant 0 : i32
    %dma_wait3A_239 = arith.constant 0 : i32
    %dma_wait3A_240 = tpu.memref_slice %arg7[%dma_wait3A_238, %dma_wait3A_239] : memref<10240x128xf32, #tpu.memory_space<vmem_shared>> -> memref<10240x128xf32, #tpu.memory_space<vmem_shared>>
    tpu.wait_indirect_dma semaphore(%arg55 : memref<!tpu.dma_semaphore, #tpu.memory_space<semaphore_mem>>) src(%arg31 : memref<40x128xf32, #tpu.memory_space<vmem>>) dst(%dma_wait3A_240 : memref<10240x128xf32, #tpu.memory_space<vmem_shared>>)
    %dma_wait3A_241 = arith.constant 0 : i32
    %dma_wait3A_242 = arith.constant 0 : i32
    %dma_wait3A_243 = tpu.memref_slice %arg7[%dma_wait3A_241, %dma_wait3A_242] : memref<10240x128xf32, #tpu.memory_space<vmem_shared>> -> memref<10240x128xf32, #tpu.memory_space<vmem_shared>>
    tpu.wait_indirect_dma semaphore(%arg48 : memref<!tpu.dma_semaphore, #tpu.memory_space<semaphore_mem>>) src(%arg24 : memref<40x128xf32, #tpu.memory_space<vmem>>) dst(%dma_wait3A_243 : memref<10240x128xf32, #tpu.memory_space<vmem_shared>>)
    %dma_wait3A_244 = arith.constant 0 : i32
    %dma_wait3A_245 = arith.constant 0 : i32
    %dma_wait3A_246 = tpu.memref_slice %arg7[%dma_wait3A_244, %dma_wait3A_245] : memref<10240x128xf32, #tpu.memory_space<vmem_shared>> -> memref<10240x128xf32, #tpu.memory_space<vmem_shared>>
    tpu.wait_indirect_dma semaphore(%arg49 : memref<!tpu.dma_semaphore, #tpu.memory_space<semaphore_mem>>) src(%arg25 : memref<40x128xf32, #tpu.memory_space<vmem>>) dst(%dma_wait3A_246 : memref<10240x128xf32, #tpu.memory_space<vmem_shared>>)
    %barrier3A_247 = arith.constant 0 : index
    tpu.barrier barrier_id(%barrier3A_247)
    %mul3A_248 = arith.constant 640 : i32
    %mul3A_249 = arith.muli %arg1, %mul3A_248 : i32
    %mul3A_250 = arith.constant 640 : i32
    %mul3A_251 = arith.muli %arg1, %mul3A_250 : i32
    "tpu.region"() ({
      %run_scoped3A = tpu.sem_alloc : memref<!tpu.dma_semaphore, #tpu.memory_space<semaphore_mem>>
      %dma_start3A_252 = arith.constant 0 : i32
      %dma_start3A_253 = tpu.memref_slice %arg6[%arg0, %mul3A_251, %dma_start3A_252] : memref<2x10240x128xf32, #tpu.memory_space<hbm>> -> memref<1x640x128xf32, #tpu.memory_space<hbm>>
      %dma_start3A_254 = tpu.memref_squeeze %dma_start3A_253 : memref<1x640x128xf32, #tpu.memory_space<hbm>> -> memref<640x128xf32, #tpu.memory_space<hbm>>
      %dma_start3A_255 = arith.constant 0 : i32
      %dma_start3A_256 = tpu.memref_slice %arg7[%mul3A_249, %dma_start3A_255] : memref<10240x128xf32, #tpu.memory_space<vmem_shared>> -> memref<640x128xf32, #tpu.memory_space<vmem_shared>>
      tpu.enqueue_dma source(%dma_start3A_256 : memref<640x128xf32, #tpu.memory_space<vmem_shared>>) target(%dma_start3A_254 : memref<640x128xf32, #tpu.memory_space<hbm>>) target_semaphore(%run_scoped3A : memref<!tpu.dma_semaphore, #tpu.memory_space<semaphore_mem>>)
      %dma_wait3A_257 = arith.constant 0 : i32
      %dma_wait3A_258 = tpu.memref_slice %arg6[%arg0, %mul3A_251, %dma_wait3A_257] : memref<2x10240x128xf32, #tpu.memory_space<hbm>> -> memref<1x640x128xf32, #tpu.memory_space<hbm>>
      %dma_wait3A_259 = tpu.memref_squeeze %dma_wait3A_258 : memref<1x640x128xf32, #tpu.memory_space<hbm>> -> memref<640x128xf32, #tpu.memory_space<hbm>>
      %dma_wait3A_260 = arith.constant 0 : i32
      %dma_wait3A_261 = tpu.memref_slice %arg7[%mul3A_249, %dma_wait3A_260] : memref<10240x128xf32, #tpu.memory_space<vmem_shared>> -> memref<640x128xf32, #tpu.memory_space<vmem_shared>>
      tpu.wait_dma2 semaphore(%run_scoped3A : memref<!tpu.dma_semaphore, #tpu.memory_space<semaphore_mem>>) src(%dma_wait3A_261 : memref<640x128xf32, #tpu.memory_space<vmem_shared>>) dst(%dma_wait3A_259 : memref<640x128xf32, #tpu.memory_space<hbm>>)
      tpu.yield
    }) : () -> ()
    return
  }
}

#map = affine_map<(d0, d1) -> (0)>
#map1 = affine_map<(d0, d1) -> (0, 0)>
module attributes {stable_mosaic.version = 14 : i64} {
  func.func @_hist_body(%arg0: i32, %arg1: i32, %arg2: memref<320000xi32, #tpu.memory_space<hbm>>, %arg3: memref<80xf32, #tpu.memory_space<hbm>>, %arg4: memref<640xf32, #tpu.memory_space<hbm>>, %arg5: memref<2x10240xf32, #tpu.memory_space<hbm>>, %arg6: memref<80xi32, #tpu.memory_space<vmem>>, %arg7: memref<80xi32, #tpu.memory_space<vmem>>, %arg8: memref<80xi32, #tpu.memory_space<vmem>>, %arg9: memref<80xi32, #tpu.memory_space<vmem>>, %arg10: memref<80xi32, #tpu.memory_space<vmem>>, %arg11: memref<80xi32, #tpu.memory_space<vmem>>, %arg12: memref<80xi32, #tpu.memory_space<vmem>>, %arg13: memref<80xi32, #tpu.memory_space<vmem>>, %arg14: memref<80xf32, #tpu.memory_space<vmem>>, %arg15: memref<10240xf32, #tpu.memory_space<vmem_shared>>, %arg16: memref<!tpu.dma_semaphore, #tpu.memory_space<semaphore_mem>>, %arg17: memref<!tpu.dma_semaphore, #tpu.memory_space<semaphore_mem>>, %arg18: memref<!tpu.dma_semaphore, #tpu.memory_space<semaphore_mem>>, %arg19: memref<!tpu.dma_semaphore, #tpu.memory_space<semaphore_mem>>, %arg20: memref<!tpu.dma_semaphore, #tpu.memory_space<semaphore_mem>>, %arg21: memref<!tpu.dma_semaphore, #tpu.memory_space<semaphore_mem>>, %arg22: memref<!tpu.dma_semaphore, #tpu.memory_space<semaphore_mem>>, %arg23: memref<!tpu.dma_semaphore, #tpu.memory_space<semaphore_mem>>, %arg24: memref<!tpu.dma_semaphore, #tpu.memory_space<semaphore_mem>>, %arg25: memref<!tpu.dma_semaphore, #tpu.memory_space<semaphore_mem>>, %arg26: memref<!tpu.dma_semaphore, #tpu.memory_space<semaphore_mem>>, %arg27: memref<!tpu.dma_semaphore, #tpu.memory_space<semaphore_mem>>, %arg28: memref<!tpu.dma_semaphore, #tpu.memory_space<semaphore_mem>>, %arg29: memref<!tpu.dma_semaphore, #tpu.memory_space<semaphore_mem>>, %arg30: memref<!tpu.dma_semaphore, #tpu.memory_space<semaphore_mem>>, %arg31: memref<!tpu.dma_semaphore, #tpu.memory_space<semaphore_mem>>) attributes {dimension_semantics = [#tpu.dimension_semantics<core_parallel>, #tpu.dimension_semantics<subcore_parallel>], iteration_bounds = array<i64: 2, 16>, scalar_prefetch = 0 : i64, scratch_operands = 26 : i64, tpu.core_type = #tpu.core_type<sc_vector_subcore>, window_params = [{transform_indices = #map}, {transform_indices = #map}, {transform_indices = #map}, {transform_indices = #map1}]} {
    %mul3A = arith.constant 16 : i32
    %mul3A_0 = arith.muli %arg0, %mul3A : i32
    %add3A = arith.addi %mul3A_0, %arg1 : i32
    %mul3A_1 = arith.constant 640 : i32
    %mul3A_2 = arith.muli %arg1, %mul3A_1 : i32
    "tpu.region"() ({
      %run_scoped3A = tpu.sem_alloc : memref<!tpu.dma_semaphore, #tpu.memory_space<semaphore_mem>>
      %dma_start3A_76 = tpu.memref_slice %arg15[%mul3A_2] : memref<10240xf32, #tpu.memory_space<vmem_shared>> -> memref<640xf32, #tpu.memory_space<vmem_shared>>
      tpu.enqueue_dma source(%arg4 : memref<640xf32, #tpu.memory_space<hbm>>) target(%dma_start3A_76 : memref<640xf32, #tpu.memory_space<vmem_shared>>) target_semaphore(%run_scoped3A : memref<!tpu.dma_semaphore, #tpu.memory_space<semaphore_mem>>)
      %dma_wait3A_77 = tpu.memref_slice %arg15[%mul3A_2] : memref<10240xf32, #tpu.memory_space<vmem_shared>> -> memref<640xf32, #tpu.memory_space<vmem_shared>>
      tpu.wait_dma2 semaphore(%run_scoped3A : memref<!tpu.dma_semaphore, #tpu.memory_space<semaphore_mem>>) src(%arg4 : memref<640xf32, #tpu.memory_space<hbm>>) dst(%dma_wait3A_77 : memref<640xf32, #tpu.memory_space<vmem_shared>>)
      tpu.yield
    }) : () -> ()
    "tpu.region"() ({
      %run_scoped3A = tpu.sem_alloc : memref<!tpu.dma_semaphore, #tpu.memory_space<semaphore_mem>>
      tpu.enqueue_dma source(%arg3 : memref<80xf32, #tpu.memory_space<hbm>>) target(%arg14 : memref<80xf32, #tpu.memory_space<vmem>>) target_semaphore(%run_scoped3A : memref<!tpu.dma_semaphore, #tpu.memory_space<semaphore_mem>>)
      tpu.wait_dma2 semaphore(%run_scoped3A : memref<!tpu.dma_semaphore, #tpu.memory_space<semaphore_mem>>) src(%arg3 : memref<80xf32, #tpu.memory_space<hbm>>) dst(%arg14 : memref<80xf32, #tpu.memory_space<vmem>>)
      tpu.yield
    }) : () -> ()
    %barrier3A = arith.constant 0 : index
    tpu.barrier barrier_id(%barrier3A)
    %mul3A_3 = arith.constant 10000 : i32
    %mul3A_4 = arith.muli %add3A, %mul3A_3 : i32
    %add3A_5 = arith.constant 0 : i32
    %add3A_6 = arith.addi %mul3A_4, %add3A_5 : i32
    %dma_start3A = tpu.memref_slice %arg2[%add3A_6] : memref<320000xi32, #tpu.memory_space<hbm>> -> memref<80xi32, #tpu.memory_space<hbm>>
    %dma_start3A_7 = tpu.memref_slice %arg2[%add3A_6] : memref<320000xi32, #tpu.memory_space<hbm>> -> memref<80xi32, #tpu.memory_space<hbm>>
    tpu.enqueue_dma source(%dma_start3A_7 : memref<80xi32, #tpu.memory_space<hbm>>) target(%arg6 : memref<80xi32, #tpu.memory_space<vmem>>) target_semaphore(%arg16 : memref<!tpu.dma_semaphore, #tpu.memory_space<semaphore_mem>>)
    %mul3A_8 = arith.constant 10000 : i32
    %mul3A_9 = arith.muli %add3A, %mul3A_8 : i32
    %add3A_10 = arith.constant 80 : i32
    %add3A_11 = arith.addi %mul3A_9, %add3A_10 : i32
    %dma_start3A_12 = tpu.memref_slice %arg2[%add3A_11] : memref<320000xi32, #tpu.memory_space<hbm>> -> memref<80xi32, #tpu.memory_space<hbm>>
    %dma_start3A_13 = tpu.memref_slice %arg2[%add3A_11] : memref<320000xi32, #tpu.memory_space<hbm>> -> memref<80xi32, #tpu.memory_space<hbm>>
    tpu.enqueue_dma source(%dma_start3A_13 : memref<80xi32, #tpu.memory_space<hbm>>) target(%arg7 : memref<80xi32, #tpu.memory_space<vmem>>) target_semaphore(%arg17 : memref<!tpu.dma_semaphore, #tpu.memory_space<semaphore_mem>>)
    %mul3A_14 = arith.constant 10000 : i32
    %mul3A_15 = arith.muli %add3A, %mul3A_14 : i32
    %add3A_16 = arith.constant 160 : i32
    %add3A_17 = arith.addi %mul3A_15, %add3A_16 : i32
    %dma_start3A_18 = tpu.memref_slice %arg2[%add3A_17] : memref<320000xi32, #tpu.memory_space<hbm>> -> memref<80xi32, #tpu.memory_space<hbm>>
    %dma_start3A_19 = tpu.memref_slice %arg2[%add3A_17] : memref<320000xi32, #tpu.memory_space<hbm>> -> memref<80xi32, #tpu.memory_space<hbm>>
    tpu.enqueue_dma source(%dma_start3A_19 : memref<80xi32, #tpu.memory_space<hbm>>) target(%arg8 : memref<80xi32, #tpu.memory_space<vmem>>) target_semaphore(%arg18 : memref<!tpu.dma_semaphore, #tpu.memory_space<semaphore_mem>>)
    %mul3A_20 = arith.constant 10000 : i32
    %mul3A_21 = arith.muli %add3A, %mul3A_20 : i32
    %add3A_22 = arith.constant 240 : i32
    %add3A_23 = arith.addi %mul3A_21, %add3A_22 : i32
    %dma_start3A_24 = tpu.memref_slice %arg2[%add3A_23] : memref<320000xi32, #tpu.memory_space<hbm>> -> memref<80xi32, #tpu.memory_space<hbm>>
    %dma_start3A_25 = tpu.memref_slice %arg2[%add3A_23] : memref<320000xi32, #tpu.memory_space<hbm>> -> memref<80xi32, #tpu.memory_space<hbm>>
    tpu.enqueue_dma source(%dma_start3A_25 : memref<80xi32, #tpu.memory_space<hbm>>) target(%arg9 : memref<80xi32, #tpu.memory_space<vmem>>) target_semaphore(%arg19 : memref<!tpu.dma_semaphore, #tpu.memory_space<semaphore_mem>>)
    %mul3A_26 = arith.constant 10000 : i32
    %mul3A_27 = arith.muli %add3A, %mul3A_26 : i32
    %add3A_28 = arith.constant 320 : i32
    %add3A_29 = arith.addi %mul3A_27, %add3A_28 : i32
    %dma_start3A_30 = tpu.memref_slice %arg2[%add3A_29] : memref<320000xi32, #tpu.memory_space<hbm>> -> memref<80xi32, #tpu.memory_space<hbm>>
    %dma_start3A_31 = tpu.memref_slice %arg2[%add3A_29] : memref<320000xi32, #tpu.memory_space<hbm>> -> memref<80xi32, #tpu.memory_space<hbm>>
    tpu.enqueue_dma source(%dma_start3A_31 : memref<80xi32, #tpu.memory_space<hbm>>) target(%arg10 : memref<80xi32, #tpu.memory_space<vmem>>) target_semaphore(%arg20 : memref<!tpu.dma_semaphore, #tpu.memory_space<semaphore_mem>>)
    %mul3A_32 = arith.constant 10000 : i32
    %mul3A_33 = arith.muli %add3A, %mul3A_32 : i32
    %add3A_34 = arith.constant 400 : i32
    %add3A_35 = arith.addi %mul3A_33, %add3A_34 : i32
    %dma_start3A_36 = tpu.memref_slice %arg2[%add3A_35] : memref<320000xi32, #tpu.memory_space<hbm>> -> memref<80xi32, #tpu.memory_space<hbm>>
    %dma_start3A_37 = tpu.memref_slice %arg2[%add3A_35] : memref<320000xi32, #tpu.memory_space<hbm>> -> memref<80xi32, #tpu.memory_space<hbm>>
    tpu.enqueue_dma source(%dma_start3A_37 : memref<80xi32, #tpu.memory_space<hbm>>) target(%arg11 : memref<80xi32, #tpu.memory_space<vmem>>) target_semaphore(%arg21 : memref<!tpu.dma_semaphore, #tpu.memory_space<semaphore_mem>>)
    %mul3A_38 = arith.constant 10000 : i32
    %mul3A_39 = arith.muli %add3A, %mul3A_38 : i32
    %add3A_40 = arith.constant 480 : i32
    %add3A_41 = arith.addi %mul3A_39, %add3A_40 : i32
    %dma_start3A_42 = tpu.memref_slice %arg2[%add3A_41] : memref<320000xi32, #tpu.memory_space<hbm>> -> memref<80xi32, #tpu.memory_space<hbm>>
    %dma_start3A_43 = tpu.memref_slice %arg2[%add3A_41] : memref<320000xi32, #tpu.memory_space<hbm>> -> memref<80xi32, #tpu.memory_space<hbm>>
    tpu.enqueue_dma source(%dma_start3A_43 : memref<80xi32, #tpu.memory_space<hbm>>) target(%arg12 : memref<80xi32, #tpu.memory_space<vmem>>) target_semaphore(%arg22 : memref<!tpu.dma_semaphore, #tpu.memory_space<semaphore_mem>>)
    %mul3A_44 = arith.constant 10000 : i32
    %mul3A_45 = arith.muli %add3A, %mul3A_44 : i32
    %add3A_46 = arith.constant 560 : i32
    %add3A_47 = arith.addi %mul3A_45, %add3A_46 : i32
    %dma_start3A_48 = tpu.memref_slice %arg2[%add3A_47] : memref<320000xi32, #tpu.memory_space<hbm>> -> memref<80xi32, #tpu.memory_space<hbm>>
    %dma_start3A_49 = tpu.memref_slice %arg2[%add3A_47] : memref<320000xi32, #tpu.memory_space<hbm>> -> memref<80xi32, #tpu.memory_space<hbm>>
    tpu.enqueue_dma source(%dma_start3A_49 : memref<80xi32, #tpu.memory_space<hbm>>) target(%arg13 : memref<80xi32, #tpu.memory_space<vmem>>) target_semaphore(%arg23 : memref<!tpu.dma_semaphore, #tpu.memory_space<semaphore_mem>>)
    %scan3A = arith.constant 0 : i32
    %scan3A_50 = arith.constant 0 : i32
    %scan3A_51 = arith.constant 16 : i32
    %scan3A_52 = arith.addi %scan3A_50, %scan3A_51 : i32
    %scan3A_53 = arith.constant 1 : i32
    %scan3A_54 = scf.for %scan3A_76 = %scan3A_50 to %scan3A_52 step %scan3A_53 iter_args(%scan3A_77 = %scan3A) -> (i32)  : i32 {
      %mul3A_78 = arith.constant 8 : i32
      %mul3A_79 = arith.muli %mul3A_78, %scan3A_76 : i32
      %add3A_80 = arith.constant 0 : i32
      %add3A_81 = arith.addi %mul3A_79, %add3A_80 : i32
      %lt3A = arith.constant 125 : i32
      %lt3A_82 = arith.cmpi slt, %add3A_81, %lt3A : i32
      %convert_element_type3A = arith.extui %lt3A_82 : i1 to i32
      %cond3A = arith.constant 0 : i32
      %cond3A_83 = arith.cmpi ne, %convert_element_type3A, %cond3A : i32
      scf.if %cond3A_83 {
        %mul3A_236 = arith.constant 10000 : i32
        %mul3A_237 = arith.muli %add3A, %mul3A_236 : i32
        %mul3A_238 = arith.constant 80 : i32
        %mul3A_239 = arith.muli %add3A_81, %mul3A_238 : i32
        %add3A_240 = arith.addi %mul3A_237, %mul3A_239 : i32
        %dma_wait3A_241 = tpu.memref_slice %arg2[%add3A_240] : memref<320000xi32, #tpu.memory_space<hbm>> -> memref<80xi32, #tpu.memory_space<hbm>>
        %dma_wait3A_242 = tpu.memref_slice %arg2[%add3A_240] : memref<320000xi32, #tpu.memory_space<hbm>> -> memref<80xi32, #tpu.memory_space<hbm>>
        tpu.wait_dma2 semaphore(%arg16 : memref<!tpu.dma_semaphore, #tpu.memory_space<semaphore_mem>>) src(%dma_wait3A_242 : memref<80xi32, #tpu.memory_space<hbm>>) dst(%arg6 : memref<80xi32, #tpu.memory_space<vmem>>)
        %dma_start3A_243 = arith.constant 0 : i32
        %dma_start3A_244 = tpu.memref_slice %arg15[%dma_start3A_243] : memref<10240xf32, #tpu.memory_space<vmem_shared>> -> memref<10240xf32, #tpu.memory_space<vmem_shared>>
        tpu.enqueue_indirect_dma source(%arg14 : memref<80xf32, #tpu.memory_space<vmem>>) target(%dma_start3A_244 : memref<10240xf32, #tpu.memory_space<vmem_shared>>) offsets(%arg6 : memref<80xi32, #tpu.memory_space<vmem>>) semaphore(%arg24 : memref<!tpu.dma_semaphore, #tpu.memory_space<semaphore_mem>>) {add = true}
      } else {
      }
      %mul3A_84 = arith.constant 8 : i32
      %mul3A_85 = arith.muli %mul3A_84, %scan3A_76 : i32
      %add3A_86 = arith.constant 1 : i32
      %add3A_87 = arith.addi %mul3A_85, %add3A_86 : i32
      %lt3A_88 = arith.constant 125 : i32
      %lt3A_89 = arith.cmpi slt, %add3A_87, %lt3A_88 : i32
      %convert_element_type3A_90 = arith.extui %lt3A_89 : i1 to i32
      %cond3A_91 = arith.constant 0 : i32
      %cond3A_92 = arith.cmpi ne, %convert_element_type3A_90, %cond3A_91 : i32
      scf.if %cond3A_92 {
        %mul3A_236 = arith.constant 10000 : i32
        %mul3A_237 = arith.muli %add3A, %mul3A_236 : i32
        %mul3A_238 = arith.constant 80 : i32
        %mul3A_239 = arith.muli %add3A_87, %mul3A_238 : i32
        %add3A_240 = arith.addi %mul3A_237, %mul3A_239 : i32
        %dma_wait3A_241 = tpu.memref_slice %arg2[%add3A_240] : memref<320000xi32, #tpu.memory_space<hbm>> -> memref<80xi32, #tpu.memory_space<hbm>>
        %dma_wait3A_242 = tpu.memref_slice %arg2[%add3A_240] : memref<320000xi32, #tpu.memory_space<hbm>> -> memref<80xi32, #tpu.memory_space<hbm>>
        tpu.wait_dma2 semaphore(%arg17 : memref<!tpu.dma_semaphore, #tpu.memory_space<semaphore_mem>>) src(%dma_wait3A_242 : memref<80xi32, #tpu.memory_space<hbm>>) dst(%arg7 : memref<80xi32, #tpu.memory_space<vmem>>)
        %dma_start3A_243 = arith.constant 0 : i32
        %dma_start3A_244 = tpu.memref_slice %arg15[%dma_start3A_243] : memref<10240xf32, #tpu.memory_space<vmem_shared>> -> memref<10240xf32, #tpu.memory_space<vmem_shared>>
        tpu.enqueue_indirect_dma source(%arg14 : memref<80xf32, #tpu.memory_space<vmem>>) target(%dma_start3A_244 : memref<10240xf32, #tpu.memory_space<vmem_shared>>) offsets(%arg7 : memref<80xi32, #tpu.memory_space<vmem>>) semaphore(%arg25 : memref<!tpu.dma_semaphore, #tpu.memory_space<semaphore_mem>>) {add = true}
      } else {
      }
      %mul3A_93 = arith.constant 8 : i32
      %mul3A_94 = arith.muli %mul3A_93, %scan3A_76 : i32
      %add3A_95 = arith.constant 2 : i32
      %add3A_96 = arith.addi %mul3A_94, %add3A_95 : i32
      %lt3A_97 = arith.constant 125 : i32
      %lt3A_98 = arith.cmpi slt, %add3A_96, %lt3A_97 : i32
      %convert_element_type3A_99 = arith.extui %lt3A_98 : i1 to i32
      %cond3A_100 = arith.constant 0 : i32
      %cond3A_101 = arith.cmpi ne, %convert_element_type3A_99, %cond3A_100 : i32
      scf.if %cond3A_101 {
        %mul3A_236 = arith.constant 10000 : i32
        %mul3A_237 = arith.muli %add3A, %mul3A_236 : i32
        %mul3A_238 = arith.constant 80 : i32
        %mul3A_239 = arith.muli %add3A_96, %mul3A_238 : i32
        %add3A_240 = arith.addi %mul3A_237, %mul3A_239 : i32
        %dma_wait3A_241 = tpu.memref_slice %arg2[%add3A_240] : memref<320000xi32, #tpu.memory_space<hbm>> -> memref<80xi32, #tpu.memory_space<hbm>>
        %dma_wait3A_242 = tpu.memref_slice %arg2[%add3A_240] : memref<320000xi32, #tpu.memory_space<hbm>> -> memref<80xi32, #tpu.memory_space<hbm>>
        tpu.wait_dma2 semaphore(%arg18 : memref<!tpu.dma_semaphore, #tpu.memory_space<semaphore_mem>>) src(%dma_wait3A_242 : memref<80xi32, #tpu.memory_space<hbm>>) dst(%arg8 : memref<80xi32, #tpu.memory_space<vmem>>)
        %dma_start3A_243 = arith.constant 0 : i32
        %dma_start3A_244 = tpu.memref_slice %arg15[%dma_start3A_243] : memref<10240xf32, #tpu.memory_space<vmem_shared>> -> memref<10240xf32, #tpu.memory_space<vmem_shared>>
        tpu.enqueue_indirect_dma source(%arg14 : memref<80xf32, #tpu.memory_space<vmem>>) target(%dma_start3A_244 : memref<10240xf32, #tpu.memory_space<vmem_shared>>) offsets(%arg8 : memref<80xi32, #tpu.memory_space<vmem>>) semaphore(%arg26 : memref<!tpu.dma_semaphore, #tpu.memory_space<semaphore_mem>>) {add = true}
      } else {
      }
      %mul3A_102 = arith.constant 8 : i32
      %mul3A_103 = arith.muli %mul3A_102, %scan3A_76 : i32
      %add3A_104 = arith.constant 3 : i32
      %add3A_105 = arith.addi %mul3A_103, %add3A_104 : i32
      %lt3A_106 = arith.constant 125 : i32
      %lt3A_107 = arith.cmpi slt, %add3A_105, %lt3A_106 : i32
      %convert_element_type3A_108 = arith.extui %lt3A_107 : i1 to i32
      %cond3A_109 = arith.constant 0 : i32
      %cond3A_110 = arith.cmpi ne, %convert_element_type3A_108, %cond3A_109 : i32
      scf.if %cond3A_110 {
        %mul3A_236 = arith.constant 10000 : i32
        %mul3A_237 = arith.muli %add3A, %mul3A_236 : i32
        %mul3A_238 = arith.constant 80 : i32
        %mul3A_239 = arith.muli %add3A_105, %mul3A_238 : i32
        %add3A_240 = arith.addi %mul3A_237, %mul3A_239 : i32
        %dma_wait3A_241 = tpu.memref_slice %arg2[%add3A_240] : memref<320000xi32, #tpu.memory_space<hbm>> -> memref<80xi32, #tpu.memory_space<hbm>>
        %dma_wait3A_242 = tpu.memref_slice %arg2[%add3A_240] : memref<320000xi32, #tpu.memory_space<hbm>> -> memref<80xi32, #tpu.memory_space<hbm>>
        tpu.wait_dma2 semaphore(%arg19 : memref<!tpu.dma_semaphore, #tpu.memory_space<semaphore_mem>>) src(%dma_wait3A_242 : memref<80xi32, #tpu.memory_space<hbm>>) dst(%arg9 : memref<80xi32, #tpu.memory_space<vmem>>)
        %dma_start3A_243 = arith.constant 0 : i32
        %dma_start3A_244 = tpu.memref_slice %arg15[%dma_start3A_243] : memref<10240xf32, #tpu.memory_space<vmem_shared>> -> memref<10240xf32, #tpu.memory_space<vmem_shared>>
        tpu.enqueue_indirect_dma source(%arg14 : memref<80xf32, #tpu.memory_space<vmem>>) target(%dma_start3A_244 : memref<10240xf32, #tpu.memory_space<vmem_shared>>) offsets(%arg9 : memref<80xi32, #tpu.memory_space<vmem>>) semaphore(%arg27 : memref<!tpu.dma_semaphore, #tpu.memory_space<semaphore_mem>>) {add = true}
      } else {
      }
      %mul3A_111 = arith.constant 8 : i32
      %mul3A_112 = arith.muli %mul3A_111, %scan3A_76 : i32
      %add3A_113 = arith.constant 4 : i32
      %add3A_114 = arith.addi %mul3A_112, %add3A_113 : i32
      %lt3A_115 = arith.constant 125 : i32
      %lt3A_116 = arith.cmpi slt, %add3A_114, %lt3A_115 : i32
      %convert_element_type3A_117 = arith.extui %lt3A_116 : i1 to i32
      %cond3A_118 = arith.constant 0 : i32
      %cond3A_119 = arith.cmpi ne, %convert_element_type3A_117, %cond3A_118 : i32
      scf.if %cond3A_119 {
        %mul3A_236 = arith.constant 10000 : i32
        %mul3A_237 = arith.muli %add3A, %mul3A_236 : i32
        %mul3A_238 = arith.constant 80 : i32
        %mul3A_239 = arith.muli %add3A_114, %mul3A_238 : i32
        %add3A_240 = arith.addi %mul3A_237, %mul3A_239 : i32
        %dma_wait3A_241 = tpu.memref_slice %arg2[%add3A_240] : memref<320000xi32, #tpu.memory_space<hbm>> -> memref<80xi32, #tpu.memory_space<hbm>>
        %dma_wait3A_242 = tpu.memref_slice %arg2[%add3A_240] : memref<320000xi32, #tpu.memory_space<hbm>> -> memref<80xi32, #tpu.memory_space<hbm>>
        tpu.wait_dma2 semaphore(%arg20 : memref<!tpu.dma_semaphore, #tpu.memory_space<semaphore_mem>>) src(%dma_wait3A_242 : memref<80xi32, #tpu.memory_space<hbm>>) dst(%arg10 : memref<80xi32, #tpu.memory_space<vmem>>)
        %dma_start3A_243 = arith.constant 0 : i32
        %dma_start3A_244 = tpu.memref_slice %arg15[%dma_start3A_243] : memref<10240xf32, #tpu.memory_space<vmem_shared>> -> memref<10240xf32, #tpu.memory_space<vmem_shared>>
        tpu.enqueue_indirect_dma source(%arg14 : memref<80xf32, #tpu.memory_space<vmem>>) target(%dma_start3A_244 : memref<10240xf32, #tpu.memory_space<vmem_shared>>) offsets(%arg10 : memref<80xi32, #tpu.memory_space<vmem>>) semaphore(%arg28 : memref<!tpu.dma_semaphore, #tpu.memory_space<semaphore_mem>>) {add = true}
      } else {
      }
      %mul3A_120 = arith.constant 8 : i32
      %mul3A_121 = arith.muli %mul3A_120, %scan3A_76 : i32
      %add3A_122 = arith.constant 5 : i32
      %add3A_123 = arith.addi %mul3A_121, %add3A_122 : i32
      %lt3A_124 = arith.constant 125 : i32
      %lt3A_125 = arith.cmpi slt, %add3A_123, %lt3A_124 : i32
      %convert_element_type3A_126 = arith.extui %lt3A_125 : i1 to i32
      %cond3A_127 = arith.constant 0 : i32
      %cond3A_128 = arith.cmpi ne, %convert_element_type3A_126, %cond3A_127 : i32
      scf.if %cond3A_128 {
        %mul3A_236 = arith.constant 10000 : i32
        %mul3A_237 = arith.muli %add3A, %mul3A_236 : i32
        %mul3A_238 = arith.constant 80 : i32
        %mul3A_239 = arith.muli %add3A_123, %mul3A_238 : i32
        %add3A_240 = arith.addi %mul3A_237, %mul3A_239 : i32
        %dma_wait3A_241 = tpu.memref_slice %arg2[%add3A_240] : memref<320000xi32, #tpu.memory_space<hbm>> -> memref<80xi32, #tpu.memory_space<hbm>>
        %dma_wait3A_242 = tpu.memref_slice %arg2[%add3A_240] : memref<320000xi32, #tpu.memory_space<hbm>> -> memref<80xi32, #tpu.memory_space<hbm>>
        tpu.wait_dma2 semaphore(%arg21 : memref<!tpu.dma_semaphore, #tpu.memory_space<semaphore_mem>>) src(%dma_wait3A_242 : memref<80xi32, #tpu.memory_space<hbm>>) dst(%arg11 : memref<80xi32, #tpu.memory_space<vmem>>)
        %dma_start3A_243 = arith.constant 0 : i32
        %dma_start3A_244 = tpu.memref_slice %arg15[%dma_start3A_243] : memref<10240xf32, #tpu.memory_space<vmem_shared>> -> memref<10240xf32, #tpu.memory_space<vmem_shared>>
        tpu.enqueue_indirect_dma source(%arg14 : memref<80xf32, #tpu.memory_space<vmem>>) target(%dma_start3A_244 : memref<10240xf32, #tpu.memory_space<vmem_shared>>) offsets(%arg11 : memref<80xi32, #tpu.memory_space<vmem>>) semaphore(%arg29 : memref<!tpu.dma_semaphore, #tpu.memory_space<semaphore_mem>>) {add = true}
      } else {
      }
      %mul3A_129 = arith.constant 8 : i32
      %mul3A_130 = arith.muli %mul3A_129, %scan3A_76 : i32
      %add3A_131 = arith.constant 6 : i32
      %add3A_132 = arith.addi %mul3A_130, %add3A_131 : i32
      %lt3A_133 = arith.constant 125 : i32
      %lt3A_134 = arith.cmpi slt, %add3A_132, %lt3A_133 : i32
      %convert_element_type3A_135 = arith.extui %lt3A_134 : i1 to i32
      %cond3A_136 = arith.constant 0 : i32
      %cond3A_137 = arith.cmpi ne, %convert_element_type3A_135, %cond3A_136 : i32
      scf.if %cond3A_137 {
        %mul3A_236 = arith.constant 10000 : i32
        %mul3A_237 = arith.muli %add3A, %mul3A_236 : i32
        %mul3A_238 = arith.constant 80 : i32
        %mul3A_239 = arith.muli %add3A_132, %mul3A_238 : i32
        %add3A_240 = arith.addi %mul3A_237, %mul3A_239 : i32
        %dma_wait3A_241 = tpu.memref_slice %arg2[%add3A_240] : memref<320000xi32, #tpu.memory_space<hbm>> -> memref<80xi32, #tpu.memory_space<hbm>>
        %dma_wait3A_242 = tpu.memref_slice %arg2[%add3A_240] : memref<320000xi32, #tpu.memory_space<hbm>> -> memref<80xi32, #tpu.memory_space<hbm>>
        tpu.wait_dma2 semaphore(%arg22 : memref<!tpu.dma_semaphore, #tpu.memory_space<semaphore_mem>>) src(%dma_wait3A_242 : memref<80xi32, #tpu.memory_space<hbm>>) dst(%arg12 : memref<80xi32, #tpu.memory_space<vmem>>)
        %dma_start3A_243 = arith.constant 0 : i32
        %dma_start3A_244 = tpu.memref_slice %arg15[%dma_start3A_243] : memref<10240xf32, #tpu.memory_space<vmem_shared>> -> memref<10240xf32, #tpu.memory_space<vmem_shared>>
        tpu.enqueue_indirect_dma source(%arg14 : memref<80xf32, #tpu.memory_space<vmem>>) target(%dma_start3A_244 : memref<10240xf32, #tpu.memory_space<vmem_shared>>) offsets(%arg12 : memref<80xi32, #tpu.memory_space<vmem>>) semaphore(%arg30 : memref<!tpu.dma_semaphore, #tpu.memory_space<semaphore_mem>>) {add = true}
      } else {
      }
      %mul3A_138 = arith.constant 8 : i32
      %mul3A_139 = arith.muli %mul3A_138, %scan3A_76 : i32
      %add3A_140 = arith.constant 7 : i32
      %add3A_141 = arith.addi %mul3A_139, %add3A_140 : i32
      %lt3A_142 = arith.constant 125 : i32
      %lt3A_143 = arith.cmpi slt, %add3A_141, %lt3A_142 : i32
      %convert_element_type3A_144 = arith.extui %lt3A_143 : i1 to i32
      %cond3A_145 = arith.constant 0 : i32
      %cond3A_146 = arith.cmpi ne, %convert_element_type3A_144, %cond3A_145 : i32
      scf.if %cond3A_146 {
        %mul3A_236 = arith.constant 10000 : i32
        %mul3A_237 = arith.muli %add3A, %mul3A_236 : i32
        %mul3A_238 = arith.constant 80 : i32
        %mul3A_239 = arith.muli %add3A_141, %mul3A_238 : i32
        %add3A_240 = arith.addi %mul3A_237, %mul3A_239 : i32
        %dma_wait3A_241 = tpu.memref_slice %arg2[%add3A_240] : memref<320000xi32, #tpu.memory_space<hbm>> -> memref<80xi32, #tpu.memory_space<hbm>>
        %dma_wait3A_242 = tpu.memref_slice %arg2[%add3A_240] : memref<320000xi32, #tpu.memory_space<hbm>> -> memref<80xi32, #tpu.memory_space<hbm>>
        tpu.wait_dma2 semaphore(%arg23 : memref<!tpu.dma_semaphore, #tpu.memory_space<semaphore_mem>>) src(%dma_wait3A_242 : memref<80xi32, #tpu.memory_space<hbm>>) dst(%arg13 : memref<80xi32, #tpu.memory_space<vmem>>)
        %dma_start3A_243 = arith.constant 0 : i32
        %dma_start3A_244 = tpu.memref_slice %arg15[%dma_start3A_243] : memref<10240xf32, #tpu.memory_space<vmem_shared>> -> memref<10240xf32, #tpu.memory_space<vmem_shared>>
        tpu.enqueue_indirect_dma source(%arg14 : memref<80xf32, #tpu.memory_space<vmem>>) target(%dma_start3A_244 : memref<10240xf32, #tpu.memory_space<vmem_shared>>) offsets(%arg13 : memref<80xi32, #tpu.memory_space<vmem>>) semaphore(%arg31 : memref<!tpu.dma_semaphore, #tpu.memory_space<semaphore_mem>>) {add = true}
      } else {
      }
      %mul3A_147 = arith.constant 8 : i32
      %mul3A_148 = arith.muli %mul3A_147, %scan3A_76 : i32
      %add3A_149 = arith.constant 0 : i32
      %add3A_150 = arith.addi %mul3A_148, %add3A_149 : i32
      %add3A_151 = arith.constant 8 : i32
      %add3A_152 = arith.addi %add3A_150, %add3A_151 : i32
      %lt3A_153 = arith.constant 125 : i32
      %lt3A_154 = arith.cmpi slt, %add3A_152, %lt3A_153 : i32
      %convert_element_type3A_155 = arith.extui %lt3A_154 : i1 to i32
      %cond3A_156 = arith.constant 0 : i32
      %cond3A_157 = arith.cmpi ne, %convert_element_type3A_155, %cond3A_156 : i32
      scf.if %cond3A_157 {
        %dma_wait3A_236 = arith.constant 0 : i32
        %dma_wait3A_237 = tpu.memref_slice %arg15[%dma_wait3A_236] : memref<10240xf32, #tpu.memory_space<vmem_shared>> -> memref<10240xf32, #tpu.memory_space<vmem_shared>>
        tpu.wait_indirect_dma semaphore(%arg24 : memref<!tpu.dma_semaphore, #tpu.memory_space<semaphore_mem>>) src(%arg14 : memref<80xf32, #tpu.memory_space<vmem>>) dst(%dma_wait3A_237 : memref<10240xf32, #tpu.memory_space<vmem_shared>>)
        %add3A_238 = arith.constant 8 : i32
        %add3A_239 = arith.addi %add3A_150, %add3A_238 : i32
        %mul3A_240 = arith.constant 10000 : i32
        %mul3A_241 = arith.muli %add3A, %mul3A_240 : i32
        %mul3A_242 = arith.constant 80 : i32
        %mul3A_243 = arith.muli %add3A_239, %mul3A_242 : i32
        %add3A_244 = arith.addi %mul3A_241, %mul3A_243 : i32
        %dma_start3A_245 = tpu.memref_slice %arg2[%add3A_244] : memref<320000xi32, #tpu.memory_space<hbm>> -> memref<80xi32, #tpu.memory_space<hbm>>
        %dma_start3A_246 = tpu.memref_slice %arg2[%add3A_244] : memref<320000xi32, #tpu.memory_space<hbm>> -> memref<80xi32, #tpu.memory_space<hbm>>
        tpu.enqueue_dma source(%dma_start3A_246 : memref<80xi32, #tpu.memory_space<hbm>>) target(%arg6 : memref<80xi32, #tpu.memory_space<vmem>>) target_semaphore(%arg16 : memref<!tpu.dma_semaphore, #tpu.memory_space<semaphore_mem>>)
      } else {
      }
      %mul3A_158 = arith.constant 8 : i32
      %mul3A_159 = arith.muli %mul3A_158, %scan3A_76 : i32
      %add3A_160 = arith.constant 1 : i32
      %add3A_161 = arith.addi %mul3A_159, %add3A_160 : i32
      %add3A_162 = arith.constant 8 : i32
      %add3A_163 = arith.addi %add3A_161, %add3A_162 : i32
      %lt3A_164 = arith.constant 125 : i32
      %lt3A_165 = arith.cmpi slt, %add3A_163, %lt3A_164 : i32
      %convert_element_type3A_166 = arith.extui %lt3A_165 : i1 to i32
      %cond3A_167 = arith.constant 0 : i32
      %cond3A_168 = arith.cmpi ne, %convert_element_type3A_166, %cond3A_167 : i32
      scf.if %cond3A_168 {
        %dma_wait3A_236 = arith.constant 0 : i32
        %dma_wait3A_237 = tpu.memref_slice %arg15[%dma_wait3A_236] : memref<10240xf32, #tpu.memory_space<vmem_shared>> -> memref<10240xf32, #tpu.memory_space<vmem_shared>>
        tpu.wait_indirect_dma semaphore(%arg25 : memref<!tpu.dma_semaphore, #tpu.memory_space<semaphore_mem>>) src(%arg14 : memref<80xf32, #tpu.memory_space<vmem>>) dst(%dma_wait3A_237 : memref<10240xf32, #tpu.memory_space<vmem_shared>>)
        %add3A_238 = arith.constant 8 : i32
        %add3A_239 = arith.addi %add3A_161, %add3A_238 : i32
        %mul3A_240 = arith.constant 10000 : i32
        %mul3A_241 = arith.muli %add3A, %mul3A_240 : i32
        %mul3A_242 = arith.constant 80 : i32
        %mul3A_243 = arith.muli %add3A_239, %mul3A_242 : i32
        %add3A_244 = arith.addi %mul3A_241, %mul3A_243 : i32
        %dma_start3A_245 = tpu.memref_slice %arg2[%add3A_244] : memref<320000xi32, #tpu.memory_space<hbm>> -> memref<80xi32, #tpu.memory_space<hbm>>
        %dma_start3A_246 = tpu.memref_slice %arg2[%add3A_244] : memref<320000xi32, #tpu.memory_space<hbm>> -> memref<80xi32, #tpu.memory_space<hbm>>
        tpu.enqueue_dma source(%dma_start3A_246 : memref<80xi32, #tpu.memory_space<hbm>>) target(%arg7 : memref<80xi32, #tpu.memory_space<vmem>>) target_semaphore(%arg17 : memref<!tpu.dma_semaphore, #tpu.memory_space<semaphore_mem>>)
      } else {
      }
      %mul3A_169 = arith.constant 8 : i32
      %mul3A_170 = arith.muli %mul3A_169, %scan3A_76 : i32
      %add3A_171 = arith.constant 2 : i32
      %add3A_172 = arith.addi %mul3A_170, %add3A_171 : i32
      %add3A_173 = arith.constant 8 : i32
      %add3A_174 = arith.addi %add3A_172, %add3A_173 : i32
      %lt3A_175 = arith.constant 125 : i32
      %lt3A_176 = arith.cmpi slt, %add3A_174, %lt3A_175 : i32
      %convert_element_type3A_177 = arith.extui %lt3A_176 : i1 to i32
      %cond3A_178 = arith.constant 0 : i32
      %cond3A_179 = arith.cmpi ne, %convert_element_type3A_177, %cond3A_178 : i32
      scf.if %cond3A_179 {
        %dma_wait3A_236 = arith.constant 0 : i32
        %dma_wait3A_237 = tpu.memref_slice %arg15[%dma_wait3A_236] : memref<10240xf32, #tpu.memory_space<vmem_shared>> -> memref<10240xf32, #tpu.memory_space<vmem_shared>>
        tpu.wait_indirect_dma semaphore(%arg26 : memref<!tpu.dma_semaphore, #tpu.memory_space<semaphore_mem>>) src(%arg14 : memref<80xf32, #tpu.memory_space<vmem>>) dst(%dma_wait3A_237 : memref<10240xf32, #tpu.memory_space<vmem_shared>>)
        %add3A_238 = arith.constant 8 : i32
        %add3A_239 = arith.addi %add3A_172, %add3A_238 : i32
        %mul3A_240 = arith.constant 10000 : i32
        %mul3A_241 = arith.muli %add3A, %mul3A_240 : i32
        %mul3A_242 = arith.constant 80 : i32
        %mul3A_243 = arith.muli %add3A_239, %mul3A_242 : i32
        %add3A_244 = arith.addi %mul3A_241, %mul3A_243 : i32
        %dma_start3A_245 = tpu.memref_slice %arg2[%add3A_244] : memref<320000xi32, #tpu.memory_space<hbm>> -> memref<80xi32, #tpu.memory_space<hbm>>
        %dma_start3A_246 = tpu.memref_slice %arg2[%add3A_244] : memref<320000xi32, #tpu.memory_space<hbm>> -> memref<80xi32, #tpu.memory_space<hbm>>
        tpu.enqueue_dma source(%dma_start3A_246 : memref<80xi32, #tpu.memory_space<hbm>>) target(%arg8 : memref<80xi32, #tpu.memory_space<vmem>>) target_semaphore(%arg18 : memref<!tpu.dma_semaphore, #tpu.memory_space<semaphore_mem>>)
      } else {
      }
      %mul3A_180 = arith.constant 8 : i32
      %mul3A_181 = arith.muli %mul3A_180, %scan3A_76 : i32
      %add3A_182 = arith.constant 3 : i32
      %add3A_183 = arith.addi %mul3A_181, %add3A_182 : i32
      %add3A_184 = arith.constant 8 : i32
      %add3A_185 = arith.addi %add3A_183, %add3A_184 : i32
      %lt3A_186 = arith.constant 125 : i32
      %lt3A_187 = arith.cmpi slt, %add3A_185, %lt3A_186 : i32
      %convert_element_type3A_188 = arith.extui %lt3A_187 : i1 to i32
      %cond3A_189 = arith.constant 0 : i32
      %cond3A_190 = arith.cmpi ne, %convert_element_type3A_188, %cond3A_189 : i32
      scf.if %cond3A_190 {
        %dma_wait3A_236 = arith.constant 0 : i32
        %dma_wait3A_237 = tpu.memref_slice %arg15[%dma_wait3A_236] : memref<10240xf32, #tpu.memory_space<vmem_shared>> -> memref<10240xf32, #tpu.memory_space<vmem_shared>>
        tpu.wait_indirect_dma semaphore(%arg27 : memref<!tpu.dma_semaphore, #tpu.memory_space<semaphore_mem>>) src(%arg14 : memref<80xf32, #tpu.memory_space<vmem>>) dst(%dma_wait3A_237 : memref<10240xf32, #tpu.memory_space<vmem_shared>>)
        %add3A_238 = arith.constant 8 : i32
        %add3A_239 = arith.addi %add3A_183, %add3A_238 : i32
        %mul3A_240 = arith.constant 10000 : i32
        %mul3A_241 = arith.muli %add3A, %mul3A_240 : i32
        %mul3A_242 = arith.constant 80 : i32
        %mul3A_243 = arith.muli %add3A_239, %mul3A_242 : i32
        %add3A_244 = arith.addi %mul3A_241, %mul3A_243 : i32
        %dma_start3A_245 = tpu.memref_slice %arg2[%add3A_244] : memref<320000xi32, #tpu.memory_space<hbm>> -> memref<80xi32, #tpu.memory_space<hbm>>
        %dma_start3A_246 = tpu.memref_slice %arg2[%add3A_244] : memref<320000xi32, #tpu.memory_space<hbm>> -> memref<80xi32, #tpu.memory_space<hbm>>
        tpu.enqueue_dma source(%dma_start3A_246 : memref<80xi32, #tpu.memory_space<hbm>>) target(%arg9 : memref<80xi32, #tpu.memory_space<vmem>>) target_semaphore(%arg19 : memref<!tpu.dma_semaphore, #tpu.memory_space<semaphore_mem>>)
      } else {
      }
      %mul3A_191 = arith.constant 8 : i32
      %mul3A_192 = arith.muli %mul3A_191, %scan3A_76 : i32
      %add3A_193 = arith.constant 4 : i32
      %add3A_194 = arith.addi %mul3A_192, %add3A_193 : i32
      %add3A_195 = arith.constant 8 : i32
      %add3A_196 = arith.addi %add3A_194, %add3A_195 : i32
      %lt3A_197 = arith.constant 125 : i32
      %lt3A_198 = arith.cmpi slt, %add3A_196, %lt3A_197 : i32
      %convert_element_type3A_199 = arith.extui %lt3A_198 : i1 to i32
      %cond3A_200 = arith.constant 0 : i32
      %cond3A_201 = arith.cmpi ne, %convert_element_type3A_199, %cond3A_200 : i32
      scf.if %cond3A_201 {
        %dma_wait3A_236 = arith.constant 0 : i32
        %dma_wait3A_237 = tpu.memref_slice %arg15[%dma_wait3A_236] : memref<10240xf32, #tpu.memory_space<vmem_shared>> -> memref<10240xf32, #tpu.memory_space<vmem_shared>>
        tpu.wait_indirect_dma semaphore(%arg28 : memref<!tpu.dma_semaphore, #tpu.memory_space<semaphore_mem>>) src(%arg14 : memref<80xf32, #tpu.memory_space<vmem>>) dst(%dma_wait3A_237 : memref<10240xf32, #tpu.memory_space<vmem_shared>>)
        %add3A_238 = arith.constant 8 : i32
        %add3A_239 = arith.addi %add3A_194, %add3A_238 : i32
        %mul3A_240 = arith.constant 10000 : i32
        %mul3A_241 = arith.muli %add3A, %mul3A_240 : i32
        %mul3A_242 = arith.constant 80 : i32
        %mul3A_243 = arith.muli %add3A_239, %mul3A_242 : i32
        %add3A_244 = arith.addi %mul3A_241, %mul3A_243 : i32
        %dma_start3A_245 = tpu.memref_slice %arg2[%add3A_244] : memref<320000xi32, #tpu.memory_space<hbm>> -> memref<80xi32, #tpu.memory_space<hbm>>
        %dma_start3A_246 = tpu.memref_slice %arg2[%add3A_244] : memref<320000xi32, #tpu.memory_space<hbm>> -> memref<80xi32, #tpu.memory_space<hbm>>
        tpu.enqueue_dma source(%dma_start3A_246 : memref<80xi32, #tpu.memory_space<hbm>>) target(%arg10 : memref<80xi32, #tpu.memory_space<vmem>>) target_semaphore(%arg20 : memref<!tpu.dma_semaphore, #tpu.memory_space<semaphore_mem>>)
      } else {
      }
      %mul3A_202 = arith.constant 8 : i32
      %mul3A_203 = arith.muli %mul3A_202, %scan3A_76 : i32
      %add3A_204 = arith.constant 5 : i32
      %add3A_205 = arith.addi %mul3A_203, %add3A_204 : i32
      %add3A_206 = arith.constant 8 : i32
      %add3A_207 = arith.addi %add3A_205, %add3A_206 : i32
      %lt3A_208 = arith.constant 125 : i32
      %lt3A_209 = arith.cmpi slt, %add3A_207, %lt3A_208 : i32
      %convert_element_type3A_210 = arith.extui %lt3A_209 : i1 to i32
      %cond3A_211 = arith.constant 0 : i32
      %cond3A_212 = arith.cmpi ne, %convert_element_type3A_210, %cond3A_211 : i32
      scf.if %cond3A_212 {
        %dma_wait3A_236 = arith.constant 0 : i32
        %dma_wait3A_237 = tpu.memref_slice %arg15[%dma_wait3A_236] : memref<10240xf32, #tpu.memory_space<vmem_shared>> -> memref<10240xf32, #tpu.memory_space<vmem_shared>>
        tpu.wait_indirect_dma semaphore(%arg29 : memref<!tpu.dma_semaphore, #tpu.memory_space<semaphore_mem>>) src(%arg14 : memref<80xf32, #tpu.memory_space<vmem>>) dst(%dma_wait3A_237 : memref<10240xf32, #tpu.memory_space<vmem_shared>>)
        %add3A_238 = arith.constant 8 : i32
        %add3A_239 = arith.addi %add3A_205, %add3A_238 : i32
        %mul3A_240 = arith.constant 10000 : i32
        %mul3A_241 = arith.muli %add3A, %mul3A_240 : i32
        %mul3A_242 = arith.constant 80 : i32
        %mul3A_243 = arith.muli %add3A_239, %mul3A_242 : i32
        %add3A_244 = arith.addi %mul3A_241, %mul3A_243 : i32
        %dma_start3A_245 = tpu.memref_slice %arg2[%add3A_244] : memref<320000xi32, #tpu.memory_space<hbm>> -> memref<80xi32, #tpu.memory_space<hbm>>
        %dma_start3A_246 = tpu.memref_slice %arg2[%add3A_244] : memref<320000xi32, #tpu.memory_space<hbm>> -> memref<80xi32, #tpu.memory_space<hbm>>
        tpu.enqueue_dma source(%dma_start3A_246 : memref<80xi32, #tpu.memory_space<hbm>>) target(%arg11 : memref<80xi32, #tpu.memory_space<vmem>>) target_semaphore(%arg21 : memref<!tpu.dma_semaphore, #tpu.memory_space<semaphore_mem>>)
      } else {
      }
      %mul3A_213 = arith.constant 8 : i32
      %mul3A_214 = arith.muli %mul3A_213, %scan3A_76 : i32
      %add3A_215 = arith.constant 6 : i32
      %add3A_216 = arith.addi %mul3A_214, %add3A_215 : i32
      %add3A_217 = arith.constant 8 : i32
      %add3A_218 = arith.addi %add3A_216, %add3A_217 : i32
      %lt3A_219 = arith.constant 125 : i32
      %lt3A_220 = arith.cmpi slt, %add3A_218, %lt3A_219 : i32
      %convert_element_type3A_221 = arith.extui %lt3A_220 : i1 to i32
      %cond3A_222 = arith.constant 0 : i32
      %cond3A_223 = arith.cmpi ne, %convert_element_type3A_221, %cond3A_222 : i32
      scf.if %cond3A_223 {
        %dma_wait3A_236 = arith.constant 0 : i32
        %dma_wait3A_237 = tpu.memref_slice %arg15[%dma_wait3A_236] : memref<10240xf32, #tpu.memory_space<vmem_shared>> -> memref<10240xf32, #tpu.memory_space<vmem_shared>>
        tpu.wait_indirect_dma semaphore(%arg30 : memref<!tpu.dma_semaphore, #tpu.memory_space<semaphore_mem>>) src(%arg14 : memref<80xf32, #tpu.memory_space<vmem>>) dst(%dma_wait3A_237 : memref<10240xf32, #tpu.memory_space<vmem_shared>>)
        %add3A_238 = arith.constant 8 : i32
        %add3A_239 = arith.addi %add3A_216, %add3A_238 : i32
        %mul3A_240 = arith.constant 10000 : i32
        %mul3A_241 = arith.muli %add3A, %mul3A_240 : i32
        %mul3A_242 = arith.constant 80 : i32
        %mul3A_243 = arith.muli %add3A_239, %mul3A_242 : i32
        %add3A_244 = arith.addi %mul3A_241, %mul3A_243 : i32
        %dma_start3A_245 = tpu.memref_slice %arg2[%add3A_244] : memref<320000xi32, #tpu.memory_space<hbm>> -> memref<80xi32, #tpu.memory_space<hbm>>
        %dma_start3A_246 = tpu.memref_slice %arg2[%add3A_244] : memref<320000xi32, #tpu.memory_space<hbm>> -> memref<80xi32, #tpu.memory_space<hbm>>
        tpu.enqueue_dma source(%dma_start3A_246 : memref<80xi32, #tpu.memory_space<hbm>>) target(%arg12 : memref<80xi32, #tpu.memory_space<vmem>>) target_semaphore(%arg22 : memref<!tpu.dma_semaphore, #tpu.memory_space<semaphore_mem>>)
      } else {
      }
      %mul3A_224 = arith.constant 8 : i32
      %mul3A_225 = arith.muli %mul3A_224, %scan3A_76 : i32
      %add3A_226 = arith.constant 7 : i32
      %add3A_227 = arith.addi %mul3A_225, %add3A_226 : i32
      %add3A_228 = arith.constant 8 : i32
      %add3A_229 = arith.addi %add3A_227, %add3A_228 : i32
      %lt3A_230 = arith.constant 125 : i32
      %lt3A_231 = arith.cmpi slt, %add3A_229, %lt3A_230 : i32
      %convert_element_type3A_232 = arith.extui %lt3A_231 : i1 to i32
      %cond3A_233 = arith.constant 0 : i32
      %cond3A_234 = arith.cmpi ne, %convert_element_type3A_232, %cond3A_233 : i32
      scf.if %cond3A_234 {
        %dma_wait3A_236 = arith.constant 0 : i32
        %dma_wait3A_237 = tpu.memref_slice %arg15[%dma_wait3A_236] : memref<10240xf32, #tpu.memory_space<vmem_shared>> -> memref<10240xf32, #tpu.memory_space<vmem_shared>>
        tpu.wait_indirect_dma semaphore(%arg31 : memref<!tpu.dma_semaphore, #tpu.memory_space<semaphore_mem>>) src(%arg14 : memref<80xf32, #tpu.memory_space<vmem>>) dst(%dma_wait3A_237 : memref<10240xf32, #tpu.memory_space<vmem_shared>>)
        %add3A_238 = arith.constant 8 : i32
        %add3A_239 = arith.addi %add3A_227, %add3A_238 : i32
        %mul3A_240 = arith.constant 10000 : i32
        %mul3A_241 = arith.muli %add3A, %mul3A_240 : i32
        %mul3A_242 = arith.constant 80 : i32
        %mul3A_243 = arith.muli %add3A_239, %mul3A_242 : i32
        %add3A_244 = arith.addi %mul3A_241, %mul3A_243 : i32
        %dma_start3A_245 = tpu.memref_slice %arg2[%add3A_244] : memref<320000xi32, #tpu.memory_space<hbm>> -> memref<80xi32, #tpu.memory_space<hbm>>
        %dma_start3A_246 = tpu.memref_slice %arg2[%add3A_244] : memref<320000xi32, #tpu.memory_space<hbm>> -> memref<80xi32, #tpu.memory_space<hbm>>
        tpu.enqueue_dma source(%dma_start3A_246 : memref<80xi32, #tpu.memory_space<hbm>>) target(%arg13 : memref<80xi32, #tpu.memory_space<vmem>>) target_semaphore(%arg23 : memref<!tpu.dma_semaphore, #tpu.memory_space<semaphore_mem>>)
      } else {
      }
      %scan3A_235 = arith.constant 0 : i32
      scf.yield %scan3A_235 : i32
    }
    %scan3A_55 = arith.constant 16 : i32
    %dma_wait3A = arith.constant 0 : i32
    %dma_wait3A_56 = tpu.memref_slice %arg15[%dma_wait3A] : memref<10240xf32, #tpu.memory_space<vmem_shared>> -> memref<10240xf32, #tpu.memory_space<vmem_shared>>
    tpu.wait_indirect_dma semaphore(%arg29 : memref<!tpu.dma_semaphore, #tpu.memory_space<semaphore_mem>>) src(%arg14 : memref<80xf32, #tpu.memory_space<vmem>>) dst(%dma_wait3A_56 : memref<10240xf32, #tpu.memory_space<vmem_shared>>)
    %dma_wait3A_57 = arith.constant 0 : i32
    %dma_wait3A_58 = tpu.memref_slice %arg15[%dma_wait3A_57] : memref<10240xf32, #tpu.memory_space<vmem_shared>> -> memref<10240xf32, #tpu.memory_space<vmem_shared>>
    tpu.wait_indirect_dma semaphore(%arg30 : memref<!tpu.dma_semaphore, #tpu.memory_space<semaphore_mem>>) src(%arg14 : memref<80xf32, #tpu.memory_space<vmem>>) dst(%dma_wait3A_58 : memref<10240xf32, #tpu.memory_space<vmem_shared>>)
    %dma_wait3A_59 = arith.constant 0 : i32
    %dma_wait3A_60 = tpu.memref_slice %arg15[%dma_wait3A_59] : memref<10240xf32, #tpu.memory_space<vmem_shared>> -> memref<10240xf32, #tpu.memory_space<vmem_shared>>
    tpu.wait_indirect_dma semaphore(%arg31 : memref<!tpu.dma_semaphore, #tpu.memory_space<semaphore_mem>>) src(%arg14 : memref<80xf32, #tpu.memory_space<vmem>>) dst(%dma_wait3A_60 : memref<10240xf32, #tpu.memory_space<vmem_shared>>)
    %dma_wait3A_61 = arith.constant 0 : i32
    %dma_wait3A_62 = tpu.memref_slice %arg15[%dma_wait3A_61] : memref<10240xf32, #tpu.memory_space<vmem_shared>> -> memref<10240xf32, #tpu.memory_space<vmem_shared>>
    tpu.wait_indirect_dma semaphore(%arg24 : memref<!tpu.dma_semaphore, #tpu.memory_space<semaphore_mem>>) src(%arg14 : memref<80xf32, #tpu.memory_space<vmem>>) dst(%dma_wait3A_62 : memref<10240xf32, #tpu.memory_space<vmem_shared>>)
    %dma_wait3A_63 = arith.constant 0 : i32
    %dma_wait3A_64 = tpu.memref_slice %arg15[%dma_wait3A_63] : memref<10240xf32, #tpu.memory_space<vmem_shared>> -> memref<10240xf32, #tpu.memory_space<vmem_shared>>
    tpu.wait_indirect_dma semaphore(%arg25 : memref<!tpu.dma_semaphore, #tpu.memory_space<semaphore_mem>>) src(%arg14 : memref<80xf32, #tpu.memory_space<vmem>>) dst(%dma_wait3A_64 : memref<10240xf32, #tpu.memory_space<vmem_shared>>)
    %dma_wait3A_65 = arith.constant 0 : i32
    %dma_wait3A_66 = tpu.memref_slice %arg15[%dma_wait3A_65] : memref<10240xf32, #tpu.memory_space<vmem_shared>> -> memref<10240xf32, #tpu.memory_space<vmem_shared>>
    tpu.wait_indirect_dma semaphore(%arg26 : memref<!tpu.dma_semaphore, #tpu.memory_space<semaphore_mem>>) src(%arg14 : memref<80xf32, #tpu.memory_space<vmem>>) dst(%dma_wait3A_66 : memref<10240xf32, #tpu.memory_space<vmem_shared>>)
    %dma_wait3A_67 = arith.constant 0 : i32
    %dma_wait3A_68 = tpu.memref_slice %arg15[%dma_wait3A_67] : memref<10240xf32, #tpu.memory_space<vmem_shared>> -> memref<10240xf32, #tpu.memory_space<vmem_shared>>
    tpu.wait_indirect_dma semaphore(%arg27 : memref<!tpu.dma_semaphore, #tpu.memory_space<semaphore_mem>>) src(%arg14 : memref<80xf32, #tpu.memory_space<vmem>>) dst(%dma_wait3A_68 : memref<10240xf32, #tpu.memory_space<vmem_shared>>)
    %dma_wait3A_69 = arith.constant 0 : i32
    %dma_wait3A_70 = tpu.memref_slice %arg15[%dma_wait3A_69] : memref<10240xf32, #tpu.memory_space<vmem_shared>> -> memref<10240xf32, #tpu.memory_space<vmem_shared>>
    tpu.wait_indirect_dma semaphore(%arg28 : memref<!tpu.dma_semaphore, #tpu.memory_space<semaphore_mem>>) src(%arg14 : memref<80xf32, #tpu.memory_space<vmem>>) dst(%dma_wait3A_70 : memref<10240xf32, #tpu.memory_space<vmem_shared>>)
    %barrier3A_71 = arith.constant 0 : index
    tpu.barrier barrier_id(%barrier3A_71)
    %mul3A_72 = arith.constant 640 : i32
    %mul3A_73 = arith.muli %arg1, %mul3A_72 : i32
    %mul3A_74 = arith.constant 640 : i32
    %mul3A_75 = arith.muli %arg1, %mul3A_74 : i32
    "tpu.region"() ({
      %run_scoped3A = tpu.sem_alloc : memref<!tpu.dma_semaphore, #tpu.memory_space<semaphore_mem>>
      %dma_start3A_76 = tpu.memref_slice %arg5[%arg0, %mul3A_75] : memref<2x10240xf32, #tpu.memory_space<hbm>> -> memref<1x640xf32, #tpu.memory_space<hbm>>
      %dma_start3A_77 = tpu.memref_squeeze %dma_start3A_76 : memref<1x640xf32, #tpu.memory_space<hbm>> -> memref<640xf32, #tpu.memory_space<hbm>>
      %dma_start3A_78 = tpu.memref_slice %arg15[%mul3A_73] : memref<10240xf32, #tpu.memory_space<vmem_shared>> -> memref<640xf32, #tpu.memory_space<vmem_shared>>
      tpu.enqueue_dma source(%dma_start3A_78 : memref<640xf32, #tpu.memory_space<vmem_shared>>) target(%dma_start3A_77 : memref<640xf32, #tpu.memory_space<hbm>>) target_semaphore(%run_scoped3A : memref<!tpu.dma_semaphore, #tpu.memory_space<semaphore_mem>>)
      %dma_wait3A_79 = tpu.memref_slice %arg5[%arg0, %mul3A_75] : memref<2x10240xf32, #tpu.memory_space<hbm>> -> memref<1x640xf32, #tpu.memory_space<hbm>>
      %dma_wait3A_80 = tpu.memref_squeeze %dma_wait3A_79 : memref<1x640xf32, #tpu.memory_space<hbm>> -> memref<640xf32, #tpu.memory_space<hbm>>
      %dma_wait3A_81 = tpu.memref_slice %arg15[%mul3A_73] : memref<10240xf32, #tpu.memory_space<vmem_shared>> -> memref<640xf32, #tpu.memory_space<vmem_shared>>
      tpu.wait_dma2 semaphore(%run_scoped3A : memref<!tpu.dma_semaphore, #tpu.memory_space<semaphore_mem>>) src(%dma_wait3A_81 : memref<640xf32, #tpu.memory_space<vmem_shared>>) dst(%dma_wait3A_80 : memref<640xf32, #tpu.memory_space<hbm>>)
      tpu.yield
    }) : () -> ()
    return
  }
}

module attributes {stable_mosaic.version = 14 : i64} {
  func.func @_linear_body(%arg0: i32, %arg1: memref<2000x128xf32, #tpu.memory_space<vmem>>, %arg2: memref<128x128xf32, #tpu.memory_space<vmem>>, %arg3: memref<2x2000x1xf32, #tpu.memory_space<vmem>>, %arg4: memref<2000x128xf32, #tpu.memory_space<vmem>>, %arg5: memref<2000x1xf32, #tpu.memory_space<vmem>>) attributes {dimension_semantics = [#tpu.dimension_semantics<arbitrary>], iteration_bounds = array<i64: 5>, scalar_prefetch = 0 : i64, scratch_operands = 0 : i64, tpu.core_type = #tpu.core_type<tc>, window_params = [{transform_indices = @transform_0, window_bounds = array<i64: 2000, 128>}, {pipeline_mode = #tpu.pipeline_mode<synchronous>, transform_indices = @transform_1, window_bounds = array<i64: 128, 128>}, {transform_indices = @transform_2, window_bounds = array<i64: 2, 2000, 1>}, {transform_indices = @transform_3, window_bounds = array<i64: 2000, 128>}, {transform_indices = @transform_4, window_bounds = array<i64: 2000, 1>}]} {
    %get3A = arith.constant 0 : index
    %get3A_0 = arith.constant 0 : index
    %get3A_1 = arith.constant 0 : index
    %get3A_2 = vector.load %arg3[%get3A, %get3A_0, %get3A_1] : memref<2x2000x1xf32, #tpu.memory_space<vmem>>, vector<1x2000x1xf32>
    %get3A_3 = vector.shape_cast %get3A_2 : vector<1x2000x1xf32> to vector<2000x1xf32>
    %get3A_4 = arith.constant 1 : index
    %get3A_5 = arith.constant 0 : index
    %get3A_6 = arith.constant 0 : index
    %get3A_7 = vector.load %arg3[%get3A_4, %get3A_5, %get3A_6] : memref<2x2000x1xf32, #tpu.memory_space<vmem>>, vector<1x2000x1xf32>
    %get3A_8 = vector.shape_cast %get3A_7 : vector<1x2000x1xf32> to vector<2000x1xf32>
    %add3A = arith.addf %get3A_3, %get3A_8 : vector<2000x1xf32>
    %add3A_9 = arith.constant 2.000000e+00 : f32
    %add3A_10 = vector.broadcast %add3A_9 : f32 to vector<2000x1xf32>
    %add3A_11 = arith.addf %add3A, %add3A_10 : vector<2000x1xf32>
    %rsqrt3A = math.rsqrt %add3A_11 : vector<2000x1xf32>
    %get3A_12 = arith.constant 0 : index
    %get3A_13 = arith.constant 0 : index
    %get3A_14 = vector.load %arg1[%get3A_12, %get3A_13] : memref<2000x128xf32, #tpu.memory_space<vmem>>, vector<2000x128xf32>
    %get3A_15 = arith.constant 0 : index
    %get3A_16 = arith.constant 0 : index
    %get3A_17 = vector.load %arg2[%get3A_15, %get3A_16] : memref<128x128xf32, #tpu.memory_space<vmem>>, vector<128x128xf32>
    %dot_general3A = arith.constant dense<0.000000e+00> : vector<2000x128xf32>
    %dot_general3A_18 = tpu.matmul %get3A_14, %get3A_17, %dot_general3A {dimension_numbers = #tpu.dot_dimension_numbers<[1], [0], [0], [1], [0, 0, 1, 1], [], []>, transpose_lhs_hint = false} : vector<2000x128xf32>, vector<128x128xf32>, vector<2000x128xf32> -> vector<2000x128xf32>
    %mul3A = vector.broadcast %rsqrt3A : vector<2000x1xf32> to vector<2000x128xf32>
    %mul3A_19 = arith.mulf %mul3A, %dot_general3A_18 : vector<2000x128xf32>
    %swap3A = arith.constant 0 : index
    %swap3A_20 = arith.constant 0 : index
    %swap3A_21 = vector.load %arg4[%swap3A, %swap3A_20] : memref<2000x128xf32, #tpu.memory_space<vmem>>, vector<2000x128xf32>
    tpu.vector_store %arg4[%swap3A, %swap3A_20], %mul3A_19 {strides = array<i32>} : memref<2000x128xf32, #tpu.memory_space<vmem>>, vector<2000x128xf32>,
    %swap3A_22 = arith.constant 0 : index
    %swap3A_23 = arith.constant 0 : index
    %swap3A_24 = vector.load %arg5[%swap3A_22, %swap3A_23] : memref<2000x1xf32, #tpu.memory_space<vmem>>, vector<2000x1xf32>
    tpu.vector_store %arg5[%swap3A_22, %swap3A_23], %rsqrt3A {strides = array<i32>} : memref<2000x1xf32, #tpu.memory_space<vmem>>, vector<2000x1xf32>,
    return
  }
  func.func @transform_0(%arg0: i32) -> (i32, i32) {
    %c0_i32 = arith.constant 0 : i32
    %c0_i32_0 = arith.constant 0 : i32
    return %arg0, %c0_i32 : i32, i32
  }
  func.func @transform_1(%arg0: i32) -> (i32, i32) {
    %c0_i32 = arith.constant 0 : i32
    %c0_i32_0 = arith.constant 0 : i32
    %c0_i32_1 = arith.constant 0 : i32
    return %c0_i32, %c0_i32_0 : i32, i32
  }
  func.func @transform_2(%arg0: i32) -> (i32, i32, i32) {
    %c0_i32 = arith.constant 0 : i32
    %c0_i32_0 = arith.constant 0 : i32
    %c0_i32_1 = arith.constant 0 : i32
    return %c0_i32, %arg0, %c0_i32_0 : i32, i32, i32
  }
  func.func @transform_3(%arg0: i32) -> (i32, i32) {
    %c0_i32 = arith.constant 0 : i32
    %c0_i32_0 = arith.constant 0 : i32
    return %arg0, %c0_i32 : i32, i32
  }
  func.func @transform_4(%arg0: i32) -> (i32, i32) {
    %c0_i32 = arith.constant 0 : i32
    %c0_i32_0 = arith.constant 0 : i32
    return %arg0, %c0_i32 : i32, i32
  }
}

module attributes {stable_mosaic.version = 14 : i64} {
  func.func @_finish_body(%arg0: i32, %arg1: memref<2x2000x128xf32, #tpu.memory_space<vmem>>, %arg2: memref<2000x128xf32, #tpu.memory_space<vmem>>, %arg3: memref<2000x1xf32, #tpu.memory_space<vmem>>, %arg4: memref<2000x128xf32, #tpu.memory_space<vmem>>) attributes {dimension_semantics = [#tpu.dimension_semantics<arbitrary>], iteration_bounds = array<i64: 5>, scalar_prefetch = 0 : i64, scratch_operands = 0 : i64, tpu.core_type = #tpu.core_type<tc>, window_params = [{transform_indices = @transform_0, window_bounds = array<i64: 2, 2000, 128>}, {transform_indices = @transform_1, window_bounds = array<i64: 2000, 128>}, {transform_indices = @transform_2, window_bounds = array<i64: 2000, 1>}, {transform_indices = @transform_3, window_bounds = array<i64: 2000, 128>}]} {
    %get3A = arith.constant 0 : index
    %get3A_0 = arith.constant 0 : index
    %get3A_1 = arith.constant 0 : index
    %get3A_2 = vector.load %arg1[%get3A, %get3A_0, %get3A_1] : memref<2x2000x128xf32, #tpu.memory_space<vmem>>, vector<1x2000x128xf32>
    %get3A_3 = vector.shape_cast %get3A_2 : vector<1x2000x128xf32> to vector<2000x128xf32>
    %get3A_4 = arith.constant 1 : index
    %get3A_5 = arith.constant 0 : index
    %get3A_6 = arith.constant 0 : index
    %get3A_7 = vector.load %arg1[%get3A_4, %get3A_5, %get3A_6] : memref<2x2000x128xf32, #tpu.memory_space<vmem>>, vector<1x2000x128xf32>
    %get3A_8 = vector.shape_cast %get3A_7 : vector<1x2000x128xf32> to vector<2000x128xf32>
    %add3A = arith.addf %get3A_3, %get3A_8 : vector<2000x128xf32>
    %get3A_9 = arith.constant 0 : index
    %get3A_10 = arith.constant 0 : index
    %get3A_11 = vector.load %arg3[%get3A_9, %get3A_10] : memref<2000x1xf32, #tpu.memory_space<vmem>>, vector<2000x1xf32>
    %get3A_12 = arith.constant 0 : index
    %get3A_13 = arith.constant 0 : index
    %get3A_14 = vector.load %arg2[%get3A_12, %get3A_13] : memref<2000x128xf32, #tpu.memory_space<vmem>>, vector<2000x128xf32>
    %mul3A = arith.constant 2.000000e+00 : f32
    %mul3A_15 = vector.broadcast %mul3A : f32 to vector<2000x128xf32>
    %mul3A_16 = arith.mulf %mul3A_15, %get3A_14 : vector<2000x128xf32>
    %add3A_17 = arith.addf %add3A, %mul3A_16 : vector<2000x128xf32>
    %mul3A_18 = vector.broadcast %get3A_11 : vector<2000x1xf32> to vector<2000x128xf32>
    %mul3A_19 = arith.mulf %mul3A_18, %add3A_17 : vector<2000x128xf32>
    %max3A = arith.constant 0.000000e+00 : f32
    %max3A_20 = vector.broadcast %max3A : f32 to vector<2000x128xf32>
    %max3A_21 = arith.maximumf %mul3A_19, %max3A_20 : vector<2000x128xf32>
    %swap3A = arith.constant 0 : index
    %swap3A_22 = arith.constant 0 : index
    %swap3A_23 = vector.load %arg4[%swap3A, %swap3A_22] : memref<2000x128xf32, #tpu.memory_space<vmem>>, vector<2000x128xf32>
    tpu.vector_store %arg4[%swap3A, %swap3A_22], %max3A_21 {strides = array<i32>} : memref<2000x128xf32, #tpu.memory_space<vmem>>, vector<2000x128xf32>,
    return
  }
  func.func @transform_0(%arg0: i32) -> (i32, i32, i32) {
    %c0_i32 = arith.constant 0 : i32
    %c0_i32_0 = arith.constant 0 : i32
    %c0_i32_1 = arith.constant 0 : i32
    return %c0_i32, %arg0, %c0_i32_0 : i32, i32, i32
  }
  func.func @transform_1(%arg0: i32) -> (i32, i32) {
    %c0_i32 = arith.constant 0 : i32
    %c0_i32_0 = arith.constant 0 : i32
    return %arg0, %c0_i32 : i32, i32
  }
  func.func @transform_2(%arg0: i32) -> (i32, i32) {
    %c0_i32 = arith.constant 0 : i32
    %c0_i32_0 = arith.constant 0 : i32
    return %arg0, %c0_i32 : i32, i32
  }
  func.func @transform_3(%arg0: i32) -> (i32, i32) {
    %c0_i32 = arith.constant 0 : i32
    %c0_i32_0 = arith.constant 0 : i32
    return %arg0, %c0_i32 : i32, i32
  }
}

</mosaic_0001>

<sc_bundles>
// kernel: kernel.6.cloned.1.call-start
scs
__scs_entry_jumppad:
0x0: {  	(pc) =	sbr.rel $0x88, $3  }
0x1: {  	(tag) =	ssettag $0x0;
	lr =	simm.s32 $0x1  }
0x2: {  	[smem:$0x3F9E] =	sst lr;
	_ =	strace $0xD0000000  }
0x3: {  	_ = 	snop  }
0x4: {  	_ = 	snop  }
0x5: {  	_ = 	snop  }
0x6: {  	_ = 	snop  }
0x7: {  	_ = 	snop  }
__scs_overlays_trampoline_lowered:
0x8: {  	[smem:$0x3FAD] =	sst s0  }
0x9: {  	[smem:$0x3FAE] =	sst s1  }
0xa: {  	[smem:$0x3FAF] =	sst s2  }
0xb: {  	[smem:$0x3FB0] =	sst s3  }
0xc: {  	[smem:$0x3FB1] =	sst s4  }
0xd: {  	[smem:$0x3FB2] =	sst s5  }
0xe: {  	[smem:$0x3FB3] =	sst s6  }
0xf: {  	[smem:$0x3FB4] =	sst s7  }
0x10: {  	[smem:$0x3FB5] =	sst s8  }
0x11: {  	[smem:$0x3FB6] =	sst s9;
	s0 =	simm.s32 @!p0 $0x0  }
0x12: {  	s1 =	sld [smem:$0x3F9C];
	s0 =	simm.s32 @p0 $0x1  }
0x13: {  	[smem:$0x3FB7] =	sst s0;
	s0 =	simm.s32 @!p1 $0x0  }
0x14: {  	s2 =	sld [smem:$0x3F9B];
	s0 =	simm.s32 @p1 $0x1  }
0x15: {  	[smem:$0x3FB8] =	sst s0;
	s0 =	simm.s32 @!p2 $0x0  }
0x16: {  	s3 =	sld [smem:$0x3FDB];
	s0 =	simm.s32 @p2 $0x1  }
0x17: {  	s4 =	simm.s32 $0x1BF5;
	[smem:$0x3FBA] =	sst s0  }
0x18: {  	s0 =	sld [smem:$0x3F9D];
	_ =	swait.ge [sflag:s4], $0x0  }
0x19: {  	s7 =	sld [smem:$0x3F9E]  }
0x1a: {  	s8 =	sadd.s32 $0xFFFFE003, lr  }
0x1b: {  	s9 =	sadd.s32 $0xFFFFFEF7, lr;
	s5 =	simm.s32 $0xFFFFFFFF;
	p2 =	slt.u32 s8, $0xFFFFF086  }
0x1c: {  	p1 =	slt.u32 s9, $0xF7A;
	s5 =	simm.s32 @!p2 $0x0  }
0x1d: {  	s5 =	simm.s32 @p1 $0x1;
	p0 =	seq.s32 s7, s2  }
0x1e: {  	s7 =	smul.u32 @!p0 $0xF7A, s2;
	p2 =	seq.s32 @!p0 s5, $0x0  }
0x1f: {  	s9 =	smul.u32 $0xF7A, s1;
	s8 =	simm.s32 @!p0 $0x1BF5;
	p2 =	por !p2, p0  }
0x20: {  	[sflag:s8] =	ssyncset.s32 @!p0 $0xFFFFF086;
	s6 =	sadd.s32 @!p0 s3, s7;
	s7 =	simm.s32 @!p0 $0x108  }
0x21: {  	s3 =	sadd.s32 s3, s9;
	s6 =	sadd.s32 @!p0 $0x88, s6;
	s7 =	simm.s32 @p2 $0x1082  }
0x22: {  	[simem:s7], [sflag:s8] =	dma.local @!p0 [hbm:s6], $0xF7A  }
0x23: {  	s9 =	sor.u32 $0xD0000000, s2;
	s6 =	simm.s32 $0x108;
	_ =	swait.ge @!p0 [sflag:s8], $0x0  }
0x24: {  	s3 =	sadd.s32 $0x88, s3;
	s6 =	simm.s32 @!p1 $0x1082;
	[sflag:s4] =	ssyncset.s32 $0xFFFFF086  }
0x25: {  	[simem:s6], [sflag:s4] =	dma.local [hbm:s3], $0xF7A  }
0x26: {  	[smem:$0x3F9E] =	sst s1;
	(tag) =	ssettag s2;
	_ =	strace s9  }
0x27: {  	s1 =	sld [smem:$0x3FAE]  }
0x28: {  	s2 =	sld [smem:$0x3FAF]  }
0x29: {  	s4 =	sld [smem:$0x3FB1]  }
0x2a: {  	p0 =	seq.s32 s5, $0x0;
	s5 =	sld [smem:$0x3FB2]  }
0x2b: {  	s6 =	sld [smem:$0x3FB3]  }
0x2c: {  	s7 =	sld [smem:$0x3FB4]  }
0x2d: {  	s3 =	simm.s32 $0x108;
	s8 =	sld [smem:$0x3FB5]  }
0x2e: {  	s3 =	simm.s32 @!p0 $0x1082;
	s9 =	sld [smem:$0x3FB6]  }
0x2f: {  	lr =	sadd.s32 s0, s3;
	s0 =	sld [smem:$0x3FAD]  }
0x30: {  	s3 =	sld [smem:$0x3FB0]  }
0x31: {  	[smem:$0x3FB9] =	sst s10  }
0x32: {  	s10 =	sld [smem:$0x3FB7];
	_ =	sdelay $0x3  }
0x33: {  	p0 =	seq.s32 s10, $0x1;
	s10 =	sld [smem:$0x3FB9];
	_ =	sdelay $0x3  }
0x34: {  	[smem:$0x3FB9] =	sst s10  }
0x35: {  	s10 =	sld [smem:$0x3FB8];
	_ =	sdelay $0x3  }
0x36: {  	p1 =	seq.s32 s10, $0x1;
	s10 =	sld [smem:$0x3FB9];
	_ =	sdelay $0x3  }
0x37: {  	[smem:$0x3FB9] =	sst s10  }
0x38: {  	s10 =	sld [smem:$0x3FBA]  }
0x39: {  	_ = 	snop;
	(pc) =	sbr.ind lr, $3  }
0x3a: {  	_ = 	snop  }
0x3b: {  	_ = 	snop  }
0x3c: {  	p2 =	seq.s32 s10, $0x1;
	s10 =	sld [smem:$0x3FB9]  }
0x3d: {  	_ =	shalt  }
0x3e: {  	_ =	shalt  }
0x3f: {  	_ =	shalt  }
0x40: {  	_ =	shalt  }
0x41: {  	_ =	shalt  }
0x42: {  	_ =	shalt  }
0x43: {  	_ =	shalt  }
0x44: {  	_ =	shalt  }
0x45: {  	_ =	shalt  }
0x46: {  	_ =	shalt  }
0x47: {  	_ =	shalt  }
0x48: {  	_ =	shalt  }
0x49: {  	_ =	shalt  }
0x4a: {  	_ =	shalt  }
0x4b: {  	_ =	shalt  }
0x4c: {  	_ =	shalt  }
0x4d: {  	_ =	shalt  }
0x4e: {  	_ =	shalt  }
0x4f: {  	_ =	shalt  }
0x50: {  	_ =	shalt  }
0x51: {  	_ =	shalt  }
0x52: {  	_ =	shalt  }
0x53: {  	_ =	shalt  }
0x54: {  	_ =	shalt  }
0x55: {  	_ =	shalt  }
0x56: {  	_ =	shalt  }
0x57: {  	_ =	shalt  }
0x58: {  	_ =	shalt  }
0x59: {  	_ =	shalt  }
0x5a: {  	_ =	shalt  }
0x5b: {  	_ =	shalt  }
0x5c: {  	_ =	shalt  }
0x5d: {  	_ =	shalt  }
0x5e: {  	_ =	shalt  }
0x5f: {  	_ =	shalt  }
0x60: {  	_ =	shalt  }
0x61: {  	_ =	shalt  }
0x62: {  	_ =	shalt  }
0x63: {  	_ =	shalt  }
0x64: {  	_ =	shalt  }
0x65: {  	_ =	shalt  }
0x66: {  	_ =	shalt  }
0x67: {  	_ =	shalt  }
0x68: {  	_ =	shalt  }
0x69: {  	_ =	shalt  }
0x6a: {  	_ =	shalt  }
0x6b: {  	_ =	shalt  }
0x6c: {  	_ =	shalt  }
0x6d: {  	_ =	shalt  }
0x6e: {  	_ =	shalt  }
0x6f: {  	_ =	shalt  }
0x70: {  	_ =	shalt  }
0x71: {  	_ =	shalt  }
0x72: {  	_ =	shalt  }
0x73: {  	_ =	shalt  }
0x74: {  	_ =	shalt  }
0x75: {  	_ =	shalt  }
0x76: {  	_ =	shalt  }
0x77: {  	_ =	shalt  }
0x78: {  	_ =	shalt  }
0x79: {  	_ =	shalt  }
0x7a: {  	_ =	shalt  }
0x7b: {  	_ =	shalt  }
0x7c: {  	_ =	shalt  }
0x7d: {  	_ =	shalt  }
0x7e: {  	_ =	shalt  }
0x7f: {  	_ =	shalt  }
0x80: {  	_ =	shalt  }
0x81: {  	_ =	shalt  }
0x82: {  	_ =	shalt  }
0x83: {  	_ =	shalt  }
0x84: {  	_ =	shalt  }
0x85: {  	_ =	shalt  }
0x86: {  	_ =	shalt  }
0x87: {  	_ =	shalt  }
.Lfunc_end0:
.L_simem_size_0:
called_computation_lowered:
.L_overlay_start_0:
0x88: {  	s2 =	sld [smem:$0x3FD9]  }
0x89: {  	s3 =	sld [smem:$0x3FFE];
	_ =	sdelay $0x1  }
0x8a: {  	s1 =	srdreg.scid  }
0x8b: {  	s0 =	sand.u32 $0x1, s1  }
0x8c: {  	s17 =	sshll.u32 s0, $0xA;
	s2 =	sadd.s32 s3, s2  }
0x8d: {  	s2 =	sadd.s32 s2, s17  }
0x8e: {  	[smem:$0x3FC5] =	sst s2  }
0x8f: {  	_ = 	snop  }
0x90: {  	s2 =	sld [smem:$0x3FD0];
	(tm) =	ssettm $0x1  }
0x91: {  	s18 =	sld [smem:$0x3FFB];
	_ =	sdelay $0x3  }
0x92: {  	_ =	strace s18  }
0x93: {  	s3 =	sld [smem:$0x3FFC];
	_ =	sdelay $0x3  }
0x94: {  	_ =	strace s3  }
0x95: {  	s3 =	sld [smem:$0x3FFD];
	_ =	sdelay $0x3  }
0x96: {  	_ =	strace s3  }
0x97: {  	_ =	strace $0x8FFFFFFF  }
0x98: {  	s19 =	sld [smem:$0x3FDB];
	_ =	sdelay $0x1  }
0x99: {  	s4 =	simm.s32 $_scs_section_size  }
0x9a: {  	s5 =	simm.s32 $_size__tile_overlayer_lowered;
	s6 =	simm.s32 $_tile_overlayer_lowered  }
0x9b: {  	s22 =	simm.s32 $0x1BFF;
	s21 =	sshll.u32 s6, $0x1;
	s3 =	sadd.s32 s4, s19  }
0x9c: {  	s7 =	simm.s32 $0x0;
	s20 =	sshll.u32 s5, $0x1;
	s5 =	sadd.s32 s21, s3  }
0x9d: {  	[timem:s7], [sflag:s22] =	dma.local [hbm:s5], s20  }
0x9e: {  	_ =	swait.ge [sflag:s22], s20  }
0x9f: {  	s4 =	ssub.s32 $0x0, s20;
	[sflag:s22] =	ssyncset.done $0x0  }
0xa0: {  	[sflag:s22] =	ssyncadd.s32 s4;
	_ =	sdelay $0x1  }
0xa1: {  	s23 =	simm.s32 $0x1B8B  }
0xa2: {  	_ =	swait.ge [sflag:s23], $0x1  }
0xa3: {  	[sflag:s23] =	ssyncset.done $0x0  }
0xa4: {  	s25 =	simm.s32 $0x1B8E;
	s24 =	sld [smem:$0x3FFE];
	[sflag:s23] =	ssyncadd.s32 $0xFFFFFFFF  }
0xa5: {  	s26 =	simm.s32 $execute0_lowered;
	[smem:$0x3FD2] =	sst s25  }
0xa6: {  	s5 =	sshll.u32 s26, $0x1;
	_ =	strace $0x80000046;
	[dreg:$0x1] =	wrdreg $0xFFFFFFFF  }
0xa7: {  	s28 =	simm.s32 $_size_execute0_lowered;
	s3 =	sadd.s32 s3, s5;
	[dreg:$0x0] =	wrdreg $0x0  }
0xa8: {  	s5 =	sshll.u32 s28, $0x1;
	[dreg:$0x2] =	wrdreg s3  }
0xa9: {  	[dreg:$0x3] =	wrdreg s5  }
0xaa: {  	[dreg:$0x4] =	wrdreg $0xC0  }
0xab: {  	_ =	task [dreg:s7], $0x5FFFF  }
0xac: {  	[dreg:$0x1] =	wrdreg $0xFFFFFFFF  }
0xad: {  	[dreg:$0x0] =	wrdreg $0x60  }
0xae: {  	[dreg:$0x2] =	wrdreg s24  }
0xaf: {  	[dreg:$0x3] =	wrdreg s2  }
0xb0: {  	[dreg:$0x4] =	wrdreg $0x4800  }
0xb1: {  	[dreg:$0x5] =	wrdreg $0x9  }
0xb2: {  	_ =	task.clear_ibuf [dreg:s7], $0x6FFFF;
	_ =	strace $0x90000046  }
0xb3: {  	s29 =	simm.s32 $0x9;
	_ =	strace $0x80000048  }
0xb4: {  	_ =	swait.ge [sflag:s29], $0x1  }
0xb5: {  	[sflag:s29] =	ssyncadd.s32 $0xFFFFFFFF  }
0xb6: {  	_ =	strace $0x90000048  }
0xb7: {  	_ =	sfence  }
0xb8: {  	s30 =	sld [smem:$0x0];
	_ =	sdelay $0x2  }
0xb9: {  	s31 =	sshll.u32 s1, $0xD;
	s1 =	sshrl.u32 s1, $0x2  }
0xba: {  	s3 =	sand.u32 $0x4000, s31;
	s1 =	sadd.s32 s1, s30  }
0xbb: {  	s0 =	sor.u32 s3, s0;
	s1 =	sshll.u32 s1, $0x11  }
0xbc: {  	s0 =	sor.u32 s1, s0  }
0xbd: {  	s0 =	sadd.s32 $0x8F2B, s0  }
0xbe: {  	[sflag:s0] =	ssyncadd.remote.s32 $0x1  }
0xbf: {  	_ =	sfence.sel $0xFFFF  }
0xc0: {  	[dreg:$0x0] =	wrdreg $0xFFFFFFFF;
	(pc) =	sbr.abs _section_cstart, $3  }
0xc1: {  	[dreg:$0x1] =	wrdreg $0xFFFFFFFF  }
0xc2: {  	_ =	task.clear_ibuf [dreg:s7], $0x2FFFF;
	_ =	strace $0x9FFFFFFF  }
0xc3: {  	(tm) =	ssettm $0x7FFFFFFF  }
tec
execute0_lowered:
.L_overlay_start_1:
0x0: {  	(tag) =	ssettag $0x1  }
0x1: {  	s0 =	rddreg [dreg:$0x0]  }
0x2: {  	s3 =	rddreg [dreg:$0x1]  }
0x3: {  	s1 =	rddreg [dreg:$0x2];
	s2 =	simm.s32 $0x0  }
0x4: {  	s4 =	srdreg.scid;
	s8 =	stileid.u32;
	s29 =	simm.s32 $0x400  }
0x5: {  	s30 =	simm.s32 $0x80;
	s31 =	simm.s32 $0x100;
	s28 =	simm.s32 $0xC  }
0x6: {  	[smem:$0x7FF] =	sst s2;
	s4 =	sand.u32 $0x1, s4;
	s6 =	smul.u32 $0xA00, s8  }
0x7: {  	s9 =	sadd.s32 $0xB600, s0;
	s7 =	sadd.s32 $0x15400, s0;
	s25 =	smul.u32 $0x2710, s8  }
0x8: {  	s0 =	sadd.s32 $0x15600, s0;
	s22 =	sshll.u32 s8, $0x6;
	s13 =	smul.u32 $0x500, s8  }
0x9: {  	_ =	strace $0x80000047;
	s5 =	sshll.u32 s4, $0x4;
	[dreg:$0x4] =	wrdreg s7  }
0xa: {  	s20 =	ssub.s32 $0x2, s4;
	[dreg:$0x5] =	wrdreg s0;
	s23 =	smul.u32 $0x27100, s4  }
0xb: {  	s11 =	sor.u32 $0x1C11, s22;
	s4 =	sshll.u32 s4, $0x7;
	s7 =	simm.s32 $0x11  }
0xc: {  	s5 =	sor.u32 s8, s5;
	s21 =	sshrl.u32 s20, $0x1;
	s6 =	sshrl.u32 s6, $0x2  }
0xd: {  	s4 =	sor.u32 s4, s13;
	s13 =	simm.s32 $0x3;
	s8 =	simm.s32 $0xA  }
0xe: {  	s5 =	smul.u32 $0x2710, s5;
	s6 =	sadd.s32 s6, s1;
	s4 =	sshrl.u32 s4, $0x3  }
0xf: {  	s0 =	ssub.s32 s20, s21;
	[dreg:$0x6] =	wrdreg s6;
	s3 =	sadd.s32 s3, s4  }
0x10: {  	s0 =	smax.u32 s0, $0x1;
	s5 =	sshrl.u32 s5, $0x3;
	[dreg:$0xf] =	wrdreg s3  }
0x11: {  	[dreg:$0x10] =	wrdreg s0;
	s10 =	sadd.s32 s9, s5;
	s5 =	sadd.s32 s25, s23  }
0x12: {  	s24 =	sadd.s32 $0xA, s10;
	s26 =	sadd.s32 $0x14, s10;
	[dreg:$0x7] =	wrdreg s10  }
0x13: {  	s12 =	sadd.s32 $0x1E, s10;
	s14 =	sadd.s32 $0x28, s10;
	[dreg:$0x9] =	wrdreg s24  }
0x14: {  	s15 =	sadd.s32 $0x32, s10;
	s16 =	sadd.s32 $0x4B0, s5;
	[dreg:$0xa] =	wrdreg s26  }
0x15: {  	s17 =	sadd.s32 $0x3C, s10;
	s19 =	sadd.s32 $0x460, s5;
	[dreg:$0xb] =	wrdreg s12  }
0x16: {  	s20 =	sadd.s32 $0x410, s5;
	s21 =	sadd.s32 $0x3C0, s5;
	[dreg:$0xc] =	wrdreg s14  }
0x17: {  	s22 =	sadd.s32 $0x370, s5;
	s23 =	sadd.s32 $0x320, s5;
	[dreg:$0xd] =	wrdreg s15  }
0x18: {  	s25 =	sadd.s32 $0x280, s5;
	[dreg:$0xe] =	wrdreg s17;
	s6 =	sshrl.u32 s16, $0x3  }
0x19: {  	s0 =	sshrl.u32 s19, $0x3;
	s3 =	sshrl.u32 s20, $0x3;
	s4 =	sshrl.u32 s21, $0x3  }
0x1a: {  	s24 =	sadd.s32 $0x2D0, s5;
	[dreg:$0x12] =	wrdreg s25;
	s26 =	sadd.s32 $0x46, s10  }
0x1b: {  	s10 =	simm.s32 $0x1;
	s12 =	simm.s32 $0x2;
	s14 =	simm.s32 $0x4  }
0x1c: {  	s15 =	simm.s32 $0x5;
	s25 =	simm.s32 $0x9;
	s5 =	simm.s32 $0xD  }
0x1d: {  	s16 =	simm.s32 $0x0;
	s18 =	sadd.s32 s6, s9;
	s6 =	smov.u32 s11  }
0x1e: {  	s19 =	sadd.s32 s0, s9;
	s20 =	sadd.s32 s3, s9;
	s21 =	sadd.s32 s4, s9  }
.Ltmp0:
0x1f: {  	s0 =	sshrl.u32 s22, $0x3;
	s3 =	sshrl.u32 s23, $0x3;
	(pc) =	sbr.rel .LBB2_1-.Ltmp0, $4  }
0x20: {  	s4 =	sshrl.u32 s24, $0x3;
	[dreg:$0x13] =	wrdreg s26;
	s11 =	simm.s32 $0x50  }
0x21: {  	[dreg:$0x11] =	wrdreg s18;
	s22 =	sadd.s32 s0, s9;
	s23 =	sadd.s32 s3, s9  }
0x22: {  	s18 =	smov.u32 s9;
	s24 =	sadd.s32 s4, s9;
	s0 =	simm.s32 $0x180  }
0x23: {  	s3 =	simm.s32 $0x200;
	s9 =	simm.s32 $0xB;
	[dreg:$0x8] =	wrdreg s6  }
.LBB2_6:
0x24: {  	s4 =	simm.s32 $0xE  }
0x25: {  	_ =	swait.ge [sflag:s4], $0x50  }
0x26: {  	[sflag:s4] =	ssyncset.done $0x0  }
0x27: {  	s17 =	simm.s32 $0xF;
	[sflag:s4] =	ssyncadd.s32 $0xFFFFFFB0  }
0x28: {  	_ =	swait.ge [sflag:s17], $0x50  }
0x29: {  	[sflag:s17] =	ssyncset.done $0x0  }
0x2a: {  	s7 =	simm.s32 $0x10;
	[sflag:s17] =	ssyncadd.s32 $0xFFFFFFB0  }
0x2b: {  	_ =	swait.ge [sflag:s7], $0x50  }
0x2c: {  	[sflag:s7] =	ssyncset.done $0x0  }
0x2d: {  	[sflag:s7] =	ssyncadd.s32 $0xFFFFFFB0  }
0x2e: {  	_ =	swait.ge [sflag:s25], $0x50  }
0x2f: {  	[sflag:s25] =	ssyncset.done $0x0  }
0x30: {  	[sflag:s25] =	ssyncadd.s32 $0xFFFFFFB0  }
0x31: {  	_ =	swait.ge [sflag:s8], $0x50  }
0x32: {  	[sflag:s8] =	ssyncset.done $0x0  }
0x33: {  	[sflag:s8] =	ssyncadd.s32 $0xFFFFFFB0  }
0x34: {  	_ =	swait.ge [sflag:s9], $0x50  }
0x35: {  	[sflag:s9] =	ssyncset.done $0x0  }
0x36: {  	[sflag:s9] =	ssyncadd.s32 $0xFFFFFFB0  }
0x37: {  	_ =	swait.ge [sflag:s28], $0x50  }
0x38: {  	[sflag:s28] =	ssyncset.done $0x0  }
0x39: {  	[sflag:s28] =	ssyncadd.s32 $0xFFFFFFB0  }
0x3a: {  	_ =	swait.ge [sflag:s5], $0x50  }
0x3b: {  	[sflag:s5] =	ssyncset.done $0x0  }
0x3c: {  	[sflag:s5] =	ssyncadd.s32 $0xFFFFFFB0  }
0x3d: {  	[bflag:$0x0] =	sbarrier.arrive $0xFFFF  }
0x3e: {  	s6 =	rddreg [dreg:$0x8]  }
0x3f: {  	s26 =	rddreg [dreg:$0xf]  }
0x40: {  	s16 =	simm.s32 $0x20;
	s17 =	rddreg [dreg:$0x15]  }
0x41: {  	[hbm:s26@s16], [sflag:s6] =	dma.strided [spmem:s17@s7], $0x50, s10, $0x10   }
0x42: {  	s7 =	simm.s32 $0x11  }
0x43: {  	_ =	swait.ge [sflag:s7], $0x50  }
0x44: {  	s17 =	rddreg [dreg:$0x14]  }
0x45: {  	s26 =	rddreg [dreg:$0x10];
	s16 =	sadd.s32 $0x1, s17  }
0x46: {  	p0 =	sne.s32 s16, s26  }
.Ltmp1:
0x47: {  	_ = 	snop;
	(pc) =	sbr.rel @!p0 .LBB2_7-.Ltmp1, $3  }
0x48: {  	_ =	sdelay $0x1  }
0x49: {  	[sflag:s7] =	ssyncset.done $0x0  }
0x4a: {  	[sflag:s7] =	ssyncadd.s32 $0xFFFFFFB0  }
.LBB2_1:
0x4b: {  	[dreg:$0x14] =	wrdreg s16  }
0x4c: {  	s4 =	rddreg [dreg:$0x6]  }
0x4d: {  	s26 =	rddreg [dreg:$0x5];
	s17 =	sshrl.u32 s4, $0x3  }
0x4e: {  	[dreg:$0x15] =	wrdreg s17  }
0x4f: {  	[spmem:s17], [sflag:s6] =	dma.local [hbm:s26], $0x50  }
0x50: {  	_ =	swait.ge [sflag:s7], $0x50  }
0x51: {  	[sflag:s7] =	ssyncset.done $0x0  }
0x52: {  	s16 =	rddreg [dreg:$0x4];
	[sflag:s7] =	ssyncadd.s32 $0xFFFFFFB0  }
0x53: {  	[tilespmem:s29], [sflag:$0x11] =	stream.linear.gather [hbm4b:s16+s2], $0x80, $0x38;
	[tilespmem:$0x700] =	vst v63  }
0x54: {  	_ =	swait.ge [sflag:s7], $0x80  }
0x55: {  	[sflag:s7] =	ssyncset.done $0x0  }
0x56: {  	[sflag:s7] =	ssyncadd.s32 $0xFFFFFF80  }
0x57: {  	[bflag:$0x0] =	sbarrier.arrive $0xFFFF  }
0x58: {  	s17 =	rddreg [dreg:$0x7]  }
0x59: {  	[tilespmem:s2], [sflag:$0x1] =	stream.linear.gather [hbm4b:s17+s2], $0x50, $0x38;
	[tilespmem:$0x700] =	vst v63  }
0x5a: {  	s26 =	rddreg [dreg:$0x9]  }
0x5b: {  	[tilespmem:s30], [sflag:$0x2] =	stream.linear.gather [hbm4b:s26+s2], $0x50, $0x38;
	[tilespmem:$0x700] =	vst v63  }
0x5c: {  	s6 =	rddreg [dreg:$0xa]  }
0x5d: {  	[tilespmem:s31], [sflag:$0x3] =	stream.linear.gather [hbm4b:s6+s2], $0x50, $0x38;
	[tilespmem:$0x700] =	vst v63  }
0x5e: {  	s7 =	rddreg [dreg:$0xb]  }
0x5f: {  	[tilespmem:s0], [sflag:$0x4] =	stream.linear.gather [hbm4b:s7+s2], $0x50, $0x38;
	[tilespmem:$0x700] =	vst v63  }
0x60: {  	s16 =	rddreg [dreg:$0xc]  }
0x61: {  	[tilespmem:s3], [sflag:$0x5] =	stream.linear.gather [hbm4b:s16+s2], $0x50, $0x38;
	[tilespmem:$0x700] =	vst v63  }
0x62: {  	s17 =	rddreg [dreg:$0xd];
	s26 =	simm.s32 $0x280  }
0x63: {  	[tilespmem:s26], [sflag:$0x6] =	stream.linear.gather [hbm4b:s17+s2], $0x50, $0x38;
	[tilespmem:$0x700] =	vst v63  }
.Ltmp2:
0x64: {  	s7 =	rddreg [dreg:$0xe];
	(pc) =	sbr.rel .LBB2_2-.Ltmp2, $4  }
0x65: {  	s4 =	simm.s32 $0x0;
	s16 =	simm.s32 $0x300;
	s17 =	rddreg [dreg:$0x13]  }
0x66: {  	[tilespmem:s16], [sflag:$0x7] =	stream.linear.gather [hbm4b:s7+s2], $0x50, $0x38;
	[tilespmem:$0x700] =	vst v63  }
0x67: {  	s6 =	simm.s32 $0x0;
	s26 =	simm.s32 $0x380;
	s7 =	rddreg [dreg:$0x12]  }
0x68: {  	[tilespmem:s26], [sflag:$0x8] =	stream.linear.gather [hbm4b:s17+s2], $0x50, $0x38;
	[tilespmem:$0x700] =	vst v63  }
.LBB2_3:
0x69: {  	s16 =	simm.s32 $0x6  }
0x6a: {  	_ =	swait.ge [sflag:s16], $0x50  }
0x6b: {  	[sflag:s16] =	ssyncset.done $0x0  }
0x6c: {  	s26 =	simm.s32 $0x280;
	s17 =	simm.s32 $0x7;
	[sflag:s16] =	ssyncadd.s32 $0xFFFFFFB0  }
0x6d: {  	[spmem:s1] =	stream.indirect.scatter.add.f32 [tilespmem:s29], [sflag:$0xE], $0x1, s26, s11, $0xb8;
	[tilespmem:$0x700] =	vst v63  }
0x6e: {  	_ =	swait.ge [sflag:s17], $0x50  }
0x6f: {  	[sflag:s17] =	ssyncset.done $0x0  }
0x70: {  	s26 =	simm.s32 $0x300;
	[sflag:s17] =	ssyncadd.s32 $0xFFFFFFB0;
	s17 =	simm.s32 $0x8  }
0x71: {  	[spmem:s1] =	stream.indirect.scatter.add.f32 [tilespmem:s29], [sflag:$0xF], $0x1, s26, s11, $0xb8;
	[tilespmem:$0x700] =	vst v63  }
0x72: {  	_ =	swait.ge [sflag:s17], $0x50  }
0x73: {  	[sflag:s17] =	ssyncset.done $0x0  }
0x74: {  	s26 =	simm.s32 $0x380;
	[sflag:s17] =	ssyncadd.s32 $0xFFFFFFB0  }
0x75: {  	[spmem:s1] =	stream.indirect.scatter.add.f32 [tilespmem:s29], [sflag:$0x10], $0x1, s26, s11, $0xb8;
	[tilespmem:$0x700] =	vst v63  }
.LBB2_5:
0x76: {  	_ =	swait.ge [sflag:s25], $0x50  }
0x77: {  	s16 =	sshrl.u32 s7, $0x3;
	[sflag:s25] =	ssyncset.done $0x0  }
0x78: {  	s16 =	sadd.s32 s18, s16;
	[sflag:s25] =	ssyncadd.s32 $0xFFFFFFB0  }
0x79: {  	[tilespmem:s2], [sflag:$0x1] =	stream.linear.gather [hbm4b:s16+s2], $0x50, $0x38;
	[tilespmem:$0x700] =	vst v63  }
0x7a: {  	_ =	swait.ge [sflag:s8], $0x50  }
0x7b: {  	[sflag:s8] =	ssyncset.done $0x0  }
0x7c: {  	s17 =	sadd.s32 s6, s24;
	[sflag:s8] =	ssyncadd.s32 $0xFFFFFFB0  }
0x7d: {  	[tilespmem:s30], [sflag:$0x2] =	stream.linear.gather [hbm4b:s17+s2], $0x50, $0x38;
	[tilespmem:$0x700] =	vst v63  }
0x7e: {  	_ =	swait.ge [sflag:s9], $0x50  }
0x7f: {  	[sflag:s9] =	ssyncset.done $0x0  }
0x80: {  	s26 =	sadd.s32 s6, s23;
	[sflag:s9] =	ssyncadd.s32 $0xFFFFFFB0  }
0x81: {  	[tilespmem:s31], [sflag:$0x3] =	stream.linear.gather [hbm4b:s26+s2], $0x50, $0x38;
	[tilespmem:$0x700] =	vst v63  }
0x82: {  	_ =	swait.ge [sflag:s28], $0x50  }
0x83: {  	[sflag:s28] =	ssyncset.done $0x0  }
0x84: {  	s17 =	sadd.s32 s6, s22;
	[sflag:s28] =	ssyncadd.s32 $0xFFFFFFB0  }
0x85: {  	[tilespmem:s0], [sflag:$0x4] =	stream.linear.gather [hbm4b:s17+s2], $0x50, $0x38;
	[tilespmem:$0x700] =	vst v63  }
0x86: {  	_ =	swait.ge [sflag:s5], $0x50  }
0x87: {  	p0 =	sgt.u32 s4, $0xD;
	[sflag:s5] =	ssyncset.done $0x0  }
0x88: {  	s16 =	simm.s32 @!p0 $0xE;
	s26 =	sadd.s32 s6, s21;
	[sflag:s5] =	ssyncadd.s32 $0xFFFFFFB0  }
0x89: {  	[tilespmem:s3], [sflag:$0x5] =	stream.linear.gather [hbm4b:s26+s2], $0x50, $0x38;
	[tilespmem:$0x700] =	vst v63  }
0x8a: {  	_ =	swait.ge @!p0 [sflag:s16], $0x50  }
0x8b: {  	s17 =	simm.s32 @!p0 $0x0;
	[sflag:s16] =	ssyncset.done @!p0 $0x0  }
0x8c: {  	s26 =	simm.s32 @!p0 $0x280;
	[sflag:s16] =	ssyncadd.s32 @!p0 $0xFFFFFFB0;
	s16 =	sadd.s32 @!p0 s6, s20  }
0x8d: {  	[tilespmem:s26], [sflag:$0x6] =	stream.linear.gather @!p0 [hbm4b:s16+s17], $0x50, $0x38;
	[tilespmem:$0x700] =	vst v63  }
0x8e: {  	s16 =	simm.s32 @!p0 $0xF  }
0x8f: {  	_ =	swait.ge @!p0 [sflag:s16], $0x50  }
0x90: {  	[sflag:s16] =	ssyncset.done @!p0 $0x0  }
0x91: {  	s26 =	simm.s32 @!p0 $0x300;
	[sflag:s16] =	ssyncadd.s32 @!p0 $0xFFFFFFB0;
	s16 =	sadd.s32 @!p0 s6, s19  }
0x92: {  	[tilespmem:s26], [sflag:$0x7] =	stream.linear.gather @!p0 [hbm4b:s16+s17], $0x50, $0x38;
	[tilespmem:$0x700] =	vst v63  }
0x93: {  	s16 =	simm.s32 @!p0 $0x10  }
0x94: {  	_ =	swait.ge @!p0 [sflag:s16], $0x50  }
0x95: {  	[sflag:s16] =	ssyncset.done @!p0 $0x0  }
0x96: {  	[sflag:s16] =	ssyncadd.s32 @!p0 $0xFFFFFFB0;
	s16 =	rddreg [dreg:$0x11]  }
0x97: {  	s26 =	simm.s32 @!p0 $0x380;
	s16 =	sadd.s32 @!p0 s6, s16;
	s6 =	sadd.s32 $0x50, s6  }
0x98: {  	[tilespmem:s26], [sflag:$0x8] =	stream.linear.gather @!p0 [hbm4b:s16+s17], $0x50, $0x38;
	[tilespmem:$0x700] =	vst v63  }
0x99: {  	p0 =	sne.s32 s6, $0x500  }
.Ltmp3:
0x9a: {  	_ = 	snop;
	(pc) =	sbr.rel @!p0 .LBB2_6-.Ltmp3, $2  }
0x9b: {  	_ =	sdelay $0x2  }
0x9c: {  	s4 =	sadd.s32 $0x1, s4;
	s7 =	sadd.s32 $0x280, s7  }
.LBB2_2:
0x9d: {  	_ =	swait.ge [sflag:s10], $0x50  }
0x9e: {  	[sflag:s10] =	ssyncset.done $0x0  }
0x9f: {  	[sflag:s10] =	ssyncadd.s32 $0xFFFFFFB0  }
0xa0: {  	[spmem:s1] =	stream.indirect.scatter.add.f32 [tilespmem:s29], [sflag:$0x9], $0x1, s2, s11, $0xb8;
	[tilespmem:$0x700] =	vst v63  }
0xa1: {  	_ =	swait.ge [sflag:s12], $0x50  }
0xa2: {  	[sflag:s12] =	ssyncset.done $0x0  }
0xa3: {  	[sflag:s12] =	ssyncadd.s32 $0xFFFFFFB0  }
0xa4: {  	[spmem:s1] =	stream.indirect.scatter.add.f32 [tilespmem:s29], [sflag:$0xA], $0x1, s30, s11, $0xb8;
	[tilespmem:$0x700] =	vst v63  }
0xa5: {  	_ =	swait.ge [sflag:s13], $0x50  }
0xa6: {  	[sflag:s13] =	ssyncset.done $0x0  }
0xa7: {  	[sflag:s13] =	ssyncadd.s32 $0xFFFFFFB0  }
0xa8: {  	[spmem:s1] =	stream.indirect.scatter.add.f32 [tilespmem:s29], [sflag:$0xB], $0x1, s31, s11, $0xb8;
	[tilespmem:$0x700] =	vst v63  }
0xa9: {  	_ =	swait.ge [sflag:s14], $0x50  }
0xaa: {  	[sflag:s14] =	ssyncset.done $0x0  }
0xab: {  	p0 =	sgt.u32 s4, $0xE;
	[sflag:s14] =	ssyncadd.s32 $0xFFFFFFB0  }
0xac: {  	[spmem:s1] =	stream.indirect.scatter.add.f32 [tilespmem:s29], [sflag:$0xC], $0x1, s0, s11, $0xb8;
	[tilespmem:$0x700] =	vst v63  }
.Ltmp4:
0xad: {  	_ = 	snop;
	(pc) =	sbr.rel @!p0 .LBB2_3-.Ltmp4, $4  }
0xae: {  	_ =	swait.ge [sflag:s15], $0x50  }
0xaf: {  	[sflag:s15] =	ssyncset.done $0x0  }
0xb0: {  	[sflag:s15] =	ssyncadd.s32 $0xFFFFFFB0  }
0xb1: {  	[spmem:s1] =	stream.indirect.scatter.add.f32 [tilespmem:s29], [sflag:$0xD], $0x1, s3, s11, $0xb8;
	[tilespmem:$0x700] =	vst v63  }
0xb2: {  	p0 =	seq.s32 s6, $0x4B0  }
.Ltmp5:
0xb3: {  	_ = 	snop;
	(pc) =	sbr.rel @!p0 .LBB2_5-.Ltmp5, $4  }
.Ltmp6:
0xb4: {  	_ = 	snop;
	(pc) =	sbr.rel @p0 .LBB2_6-.Ltmp6, $4  }
0xb5: {  	_ = 	snop  }
0xb6: {  	_ = 	snop  }
0xb7: {  	_ = 	snop  }
0xb8: {  	_ = 	snop  }
.LBB2_7:
0xb9: {  	_ =	sfence.sel $0x180000  }
0xba: {  	[bflag:$0x0] =	sbarrier.arrive $0xFFFF  }
0xbb: {  	_ =	strace $0x90000047  }
0xbc: {  	s0 =	stileid.u32;
	[bflag:$0x2] =	sbarrier.arrive $0xFFFF  }
0xbd: {  	p0 =	sne.s32 s0, $0x0;
	s0 =	rddreg [dreg:$0x3]  }
0xbe: {  	s0 =	sadd.s32 @!p0 $0x100000, s0  }
0xbf: {  	[sflag:s0] =	ssyncadd.tile.s32 @!p0 $0x1;
	_ =	shalt  }
.Lfunc_end2:
_tile_overlayer_lowered:
.L_overlay_start_2:
0xc0: {  	(tag) =	ssettag $0x2  }
0xc1: {  	s0 =	rddreg [dreg:$0x0];
	s2 =	stileid.u32  }
0xc2: {  	s1 =	rddreg [dreg:$0x1];
	p0 =	sne.s32 s2, $0x0  }
0xc3: {  	s3 =	rddreg [dreg:$0x2];
	[bflag:$0x3] =	sbarrier.arrive $0xFFFF;
	s2 =	simm.s32 @!p0 $0x1C11  }
0xc4: {  	[timem:s3], [sflag:s2] =	dma.local @!p0 [hbm:s0], s1  }
0xc5: {  	s0 =	simm.s32 @!p0 $0x11  }
0xc6: {  	_ =	swait.ge @!p0 [sflag:s0], s1  }
0xc7: {  	s1 =	ssub.s32 @!p0 $0x0, s1;
	[sflag:s0] =	ssyncset.done @!p0 $0x0  }
0xc8: {  	[sflag:s0] =	ssyncadd.s32 @!p0 s1  }
0xc9: {  	[bflag:$0x3] =	sbarrier.arrive $0xFFFF  }
0xca: {  	_ =	shalt  }

// kernel: kernel.9.cloned.1.call-start
scs
__scs_entry_jumppad:
0x0: {  	(pc) =	sbr.rel $0x88, $3  }
0x1: {  	(tag) =	ssettag $0x0;
	lr =	simm.s32 $0x1  }
0x2: {  	[smem:$0x3F9E] =	sst lr;
	_ =	strace $0xD0000000  }
0x3: {  	_ = 	snop  }
0x4: {  	_ = 	snop  }
0x5: {  	_ = 	snop  }
0x6: {  	_ = 	snop  }
0x7: {  	_ = 	snop  }
__scs_overlays_trampoline_lowered:
0x8: {  	[smem:$0x3FAD] =	sst s0  }
0x9: {  	[smem:$0x3FAE] =	sst s1  }
0xa: {  	[smem:$0x3FAF] =	sst s2  }
0xb: {  	[smem:$0x3FB0] =	sst s3  }
0xc: {  	[smem:$0x3FB1] =	sst s4  }
0xd: {  	[smem:$0x3FB2] =	sst s5  }
0xe: {  	[smem:$0x3FB3] =	sst s6  }
0xf: {  	[smem:$0x3FB4] =	sst s7  }
0x10: {  	[smem:$0x3FB5] =	sst s8  }
0x11: {  	[smem:$0x3FB6] =	sst s9;
	s0 =	simm.s32 @!p0 $0x0  }
0x12: {  	s1 =	sld [smem:$0x3F9C];
	s0 =	simm.s32 @p0 $0x1  }
0x13: {  	[smem:$0x3FB7] =	sst s0;
	s0 =	simm.s32 @!p1 $0x0  }
0x14: {  	s2 =	sld [smem:$0x3F9B];
	s0 =	simm.s32 @p1 $0x1  }
0x15: {  	[smem:$0x3FB8] =	sst s0;
	s0 =	simm.s32 @!p2 $0x0  }
0x16: {  	s3 =	sld [smem:$0x3FDB];
	s0 =	simm.s32 @p2 $0x1  }
0x17: {  	s4 =	simm.s32 $0x1BF5;
	[smem:$0x3FBA] =	sst s0  }
0x18: {  	s0 =	sld [smem:$0x3F9D];
	_ =	swait.ge [sflag:s4], $0x0  }
0x19: {  	s7 =	sld [smem:$0x3F9E]  }
0x1a: {  	s8 =	sadd.s32 $0xFFFFE003, lr  }
0x1b: {  	s9 =	sadd.s32 $0xFFFFFEF7, lr;
	s5 =	simm.s32 $0xFFFFFFFF;
	p2 =	slt.u32 s8, $0xFFFFF086  }
0x1c: {  	p1 =	slt.u32 s9, $0xF7A;
	s5 =	simm.s32 @!p2 $0x0  }
0x1d: {  	s5 =	simm.s32 @p1 $0x1;
	p0 =	seq.s32 s7, s2  }
0x1e: {  	s7 =	smul.u32 @!p0 $0xF7A, s2;
	p2 =	seq.s32 @!p0 s5, $0x0  }
0x1f: {  	s9 =	smul.u32 $0xF7A, s1;
	s8 =	simm.s32 @!p0 $0x1BF5;
	p2 =	por !p2, p0  }
0x20: {  	[sflag:s8] =	ssyncset.s32 @!p0 $0xFFFFF086;
	s6 =	sadd.s32 @!p0 s3, s7;
	s7 =	simm.s32 @!p0 $0x108  }
0x21: {  	s3 =	sadd.s32 s3, s9;
	s6 =	sadd.s32 @!p0 $0x88, s6;
	s7 =	simm.s32 @p2 $0x1082  }
0x22: {  	[simem:s7], [sflag:s8] =	dma.local @!p0 [hbm:s6], $0xF7A  }
0x23: {  	s9 =	sor.u32 $0xD0000000, s2;
	s6 =	simm.s32 $0x108;
	_ =	swait.ge @!p0 [sflag:s8], $0x0  }
0x24: {  	s3 =	sadd.s32 $0x88, s3;
	s6 =	simm.s32 @!p1 $0x1082;
	[sflag:s4] =	ssyncset.s32 $0xFFFFF086  }
0x25: {  	[simem:s6], [sflag:s4] =	dma.local [hbm:s3], $0xF7A  }
0x26: {  	[smem:$0x3F9E] =	sst s1;
	(tag) =	ssettag s2;
	_ =	strace s9  }
0x27: {  	s1 =	sld [smem:$0x3FAE]  }
0x28: {  	s2 =	sld [smem:$0x3FAF]  }
0x29: {  	s4 =	sld [smem:$0x3FB1]  }
0x2a: {  	p0 =	seq.s32 s5, $0x0;
	s5 =	sld [smem:$0x3FB2]  }
0x2b: {  	s6 =	sld [smem:$0x3FB3]  }
0x2c: {  	s7 =	sld [smem:$0x3FB4]  }
0x2d: {  	s3 =	simm.s32 $0x108;
	s8 =	sld [smem:$0x3FB5]  }
0x2e: {  	s3 =	simm.s32 @!p0 $0x1082;
	s9 =	sld [smem:$0x3FB6]  }
0x2f: {  	lr =	sadd.s32 s0, s3;
	s0 =	sld [smem:$0x3FAD]  }
0x30: {  	s3 =	sld [smem:$0x3FB0]  }
0x31: {  	[smem:$0x3FB9] =	sst s10  }
0x32: {  	s10 =	sld [smem:$0x3FB7];
	_ =	sdelay $0x3  }
0x33: {  	p0 =	seq.s32 s10, $0x1;
	s10 =	sld [smem:$0x3FB9];
	_ =	sdelay $0x3  }
0x34: {  	[smem:$0x3FB9] =	sst s10  }
0x35: {  	s10 =	sld [smem:$0x3FB8];
	_ =	sdelay $0x3  }
0x36: {  	p1 =	seq.s32 s10, $0x1;
	s10 =	sld [smem:$0x3FB9];
	_ =	sdelay $0x3  }
0x37: {  	[smem:$0x3FB9] =	sst s10  }
0x38: {  	s10 =	sld [smem:$0x3FBA]  }
0x39: {  	_ = 	snop;
	(pc) =	sbr.ind lr, $3  }
0x3a: {  	_ = 	snop  }
0x3b: {  	_ = 	snop  }
0x3c: {  	p2 =	seq.s32 s10, $0x1;
	s10 =	sld [smem:$0x3FB9]  }
0x3d: {  	_ =	shalt  }
0x3e: {  	_ =	shalt  }
0x3f: {  	_ =	shalt  }
0x40: {  	_ =	shalt  }
0x41: {  	_ =	shalt  }
0x42: {  	_ =	shalt  }
0x43: {  	_ =	shalt  }
0x44: {  	_ =	shalt  }
0x45: {  	_ =	shalt  }
0x46: {  	_ =	shalt  }
0x47: {  	_ =	shalt  }
0x48: {  	_ =	shalt  }
0x49: {  	_ =	shalt  }
0x4a: {  	_ =	shalt  }
0x4b: {  	_ =	shalt  }
0x4c: {  	_ =	shalt  }
0x4d: {  	_ =	shalt  }
0x4e: {  	_ =	shalt  }
0x4f: {  	_ =	shalt  }
0x50: {  	_ =	shalt  }
0x51: {  	_ =	shalt  }
0x52: {  	_ =	shalt  }
0x53: {  	_ =	shalt  }
0x54: {  	_ =	shalt  }
0x55: {  	_ =	shalt  }
0x56: {  	_ =	shalt  }
0x57: {  	_ =	shalt  }
0x58: {  	_ =	shalt  }
0x59: {  	_ =	shalt  }
0x5a: {  	_ =	shalt  }
0x5b: {  	_ =	shalt  }
0x5c: {  	_ =	shalt  }
0x5d: {  	_ =	shalt  }
0x5e: {  	_ =	shalt  }
0x5f: {  	_ =	shalt  }
0x60: {  	_ =	shalt  }
0x61: {  	_ =	shalt  }
0x62: {  	_ =	shalt  }
0x63: {  	_ =	shalt  }
0x64: {  	_ =	shalt  }
0x65: {  	_ =	shalt  }
0x66: {  	_ =	shalt  }
0x67: {  	_ =	shalt  }
0x68: {  	_ =	shalt  }
0x69: {  	_ =	shalt  }
0x6a: {  	_ =	shalt  }
0x6b: {  	_ =	shalt  }
0x6c: {  	_ =	shalt  }
0x6d: {  	_ =	shalt  }
0x6e: {  	_ =	shalt  }
0x6f: {  	_ =	shalt  }
0x70: {  	_ =	shalt  }
0x71: {  	_ =	shalt  }
0x72: {  	_ =	shalt  }
0x73: {  	_ =	shalt  }
0x74: {  	_ =	shalt  }
0x75: {  	_ =	shalt  }
0x76: {  	_ =	shalt  }
0x77: {  	_ =	shalt  }
0x78: {  	_ =	shalt  }
0x79: {  	_ =	shalt  }
0x7a: {  	_ =	shalt  }
0x7b: {  	_ =	shalt  }
0x7c: {  	_ =	shalt  }
0x7d: {  	_ =	shalt  }
0x7e: {  	_ =	shalt  }
0x7f: {  	_ =	shalt  }
0x80: {  	_ =	shalt  }
0x81: {  	_ =	shalt  }
0x82: {  	_ =	shalt  }
0x83: {  	_ =	shalt  }
0x84: {  	_ =	shalt  }
0x85: {  	_ =	shalt  }
0x86: {  	_ =	shalt  }
0x87: {  	_ =	shalt  }
.Lfunc_end0:
.L_simem_size_0:
called_computation.1_lowered:
.L_overlay_start_0:
0x88: {  	s2 =	sld [smem:$0x3FD9]  }
0x89: {  	s3 =	sld [smem:$0x3FFE];
	_ =	sdelay $0x1  }
0x8a: {  	s1 =	srdreg.scid  }
0x8b: {  	s0 =	sand.u32 $0x1, s1  }
0x8c: {  	s17 =	sshll.u32 s0, $0xA;
	s2 =	sadd.s32 s3, s2  }
0x8d: {  	s2 =	sadd.s32 s2, s17  }
0x8e: {  	[smem:$0x3FC5] =	sst s2  }
0x8f: {  	_ = 	snop  }
0x90: {  	s2 =	sld [smem:$0x3FD0];
	(tm) =	ssettm $0x1  }
0x91: {  	s18 =	sld [smem:$0x3FFB];
	_ =	sdelay $0x3  }
0x92: {  	_ =	strace s18  }
0x93: {  	s3 =	sld [smem:$0x3FFC];
	_ =	sdelay $0x3  }
0x94: {  	_ =	strace s3  }
0x95: {  	s3 =	sld [smem:$0x3FFD];
	_ =	sdelay $0x3  }
0x96: {  	_ =	strace s3  }
0x97: {  	_ =	strace $0x8FFFFFFF  }
0x98: {  	s19 =	sld [smem:$0x3FDB];
	_ =	sdelay $0x1  }
0x99: {  	s4 =	simm.s32 $_scs_section_size  }
0x9a: {  	s5 =	simm.s32 $_size__tile_overlayer_lowered;
	s6 =	simm.s32 $_tile_overlayer_lowered  }
0x9b: {  	s22 =	simm.s32 $0x1BFF;
	s21 =	sshll.u32 s6, $0x1;
	s3 =	sadd.s32 s4, s19  }
0x9c: {  	s7 =	simm.s32 $0x0;
	s20 =	sshll.u32 s5, $0x1;
	s5 =	sadd.s32 s21, s3  }
0x9d: {  	[timem:s7], [sflag:s22] =	dma.local [hbm:s5], s20  }
0x9e: {  	_ =	swait.ge [sflag:s22], s20  }
0x9f: {  	s4 =	ssub.s32 $0x0, s20;
	[sflag:s22] =	ssyncset.done $0x0  }
0xa0: {  	[sflag:s22] =	ssyncadd.s32 s4;
	_ =	sdelay $0x1  }
0xa1: {  	s23 =	simm.s32 $0x1B8B  }
0xa2: {  	_ =	swait.ge [sflag:s23], $0x1  }
0xa3: {  	[sflag:s23] =	ssyncset.done $0x0  }
0xa4: {  	s25 =	simm.s32 $0x1B8E;
	s24 =	sld [smem:$0x3FFE];
	[sflag:s23] =	ssyncadd.s32 $0xFFFFFFFF  }
0xa5: {  	s26 =	simm.s32 $execute0_lowered;
	[smem:$0x3FD2] =	sst s25  }
0xa6: {  	s5 =	sshll.u32 s26, $0x1;
	_ =	strace $0x80000049;
	[dreg:$0x1] =	wrdreg $0xFFFFFFFF  }
0xa7: {  	s28 =	simm.s32 $_size_execute0_lowered;
	s3 =	sadd.s32 s3, s5;
	[dreg:$0x0] =	wrdreg $0x0  }
0xa8: {  	s5 =	sshll.u32 s28, $0x1;
	[dreg:$0x2] =	wrdreg s3  }
0xa9: {  	[dreg:$0x3] =	wrdreg s5  }
0xaa: {  	[dreg:$0x4] =	wrdreg $0xC0  }
0xab: {  	_ =	task [dreg:s7], $0x5FFFF  }
0xac: {  	[dreg:$0x1] =	wrdreg $0xFFFFFFFF  }
0xad: {  	[dreg:$0x0] =	wrdreg $0x60  }
0xae: {  	[dreg:$0x2] =	wrdreg s2  }
0xaf: {  	[dreg:$0x3] =	wrdreg s24  }
0xb0: {  	[dreg:$0x4] =	wrdreg $0x0  }
0xb1: {  	[dreg:$0x5] =	wrdreg $0x9  }
0xb2: {  	_ =	task.clear_ibuf [dreg:s7], $0x6FFFF;
	_ =	strace $0x90000049  }
0xb3: {  	s29 =	simm.s32 $0x9;
	_ =	strace $0x8000004B  }
0xb4: {  	_ =	swait.ge [sflag:s29], $0x1  }
0xb5: {  	[sflag:s29] =	ssyncadd.s32 $0xFFFFFFFF  }
0xb6: {  	_ =	strace $0x9000004B  }
0xb7: {  	_ =	sfence  }
0xb8: {  	s30 =	sld [smem:$0x0];
	_ =	sdelay $0x2  }
0xb9: {  	s31 =	sshll.u32 s1, $0xD;
	s1 =	sshrl.u32 s1, $0x2  }
0xba: {  	s3 =	sand.u32 $0x4000, s31;
	s1 =	sadd.s32 s1, s30  }
0xbb: {  	s0 =	sor.u32 s3, s0;
	s1 =	sshll.u32 s1, $0x11  }
0xbc: {  	s0 =	sor.u32 s1, s0  }
0xbd: {  	s0 =	sadd.s32 $0x8F2B, s0  }
0xbe: {  	[sflag:s0] =	ssyncadd.remote.s32 $0x1  }
0xbf: {  	_ =	sfence.sel $0xFFFF  }
0xc0: {  	[dreg:$0x0] =	wrdreg $0xFFFFFFFF;
	(pc) =	sbr.abs _section_cstart, $3  }
0xc1: {  	[dreg:$0x1] =	wrdreg $0xFFFFFFFF  }
0xc2: {  	_ =	task.clear_ibuf [dreg:s7], $0x2FFFF;
	_ =	strace $0x9FFFFFFF  }
0xc3: {  	(tm) =	ssettm $0x7FFFFFFF  }
tec
execute0_lowered:
.L_overlay_start_1:
0x0: {  	(tag) =	ssettag $0x1  }
0x1: {  	s1 =	rddreg [dreg:$0x0]  }
0x2: {  	s0 =	rddreg [dreg:$0x1]  }
0x3: {  	s2 =	rddreg [dreg:$0x2];
	s4 =	simm.s32 $0x0;
	s3 =	srdreg.scid  }
0x4: {  	s10 =	stileid.u32;
	s28 =	simm.s32 $0x11;
	[smem:$0x7FF] =	sst s4  }
0x5: {  	s3 =	sand.u32 $0x1, s3;
	s11 =	sadd.s32 $0x1800, s0;
	s6 =	smul.u32 $0x14000, s10  }
0x6: {  	s12 =	sadd.s32 $0xB600, s0;
	s7 =	sadd.s32 $0x15400, s0;
	s13 =	smul.u32 $0x50000, s10  }
0x7: {  	s16 =	sshll.u32 s10, $0x6;
	s5 =	smul.u32 $0x140000, s3;
	s8 =	sshll.u32 s3, $0x4  }
0x8: {  	_ =	strace $0x8000004A;
	[dreg:$0x4] =	wrdreg s7;
	s9 =	sor.u32 s10, s8  }
0x9: {  	s8 =	ssub.s32 $0x2, s3;
	s7 =	sshrl.u32 s13, $0x2;
	s3 =	smul.u32 $0x27100, s3  }
0xa: {  	s13 =	sor.u32 $0x1C19, s16;
	s10 =	smul.u32 $0x2710, s10;
	s5 =	sadd.s32 s6, s5  }
0xb: {  	s6 =	smul.u32 $0x2710, s9;
	s7 =	sadd.s32 s7, s2;
	[dreg:$0x6] =	wrdreg s13  }
0xc: {  	s14 =	sshrl.u32 s8, $0x1;
	s5 =	sshrl.u32 s5, $0x3;
	[dreg:$0x5] =	wrdreg s7  }
0xd: {  	s3 =	sadd.s32 s10, s3;
	s0 =	sadd.s32 s5, s0;
	s5 =	ssub.s32 s8, s14  }
0xe: {  	s15 =	sadd.s32 $0x28, s6;
	s9 =	sshrl.u32 s6, $0x3;
	s20 =	sadd.s32 $0x78, s6  }
0xf: {  	s23 =	sadd.s32 $0xC8, s6;
	s6 =	sadd.s32 $0x118, s6;
	s17 =	sadd.s32 s11, s9  }
0x10: {  	s10 =	sadd.s32 $0x230, s3;
	s26 =	sadd.s32 s12, s9;
	[dreg:$0x7] =	wrdreg s17  }
0x11: {  	s7 =	sshrl.u32 s15, $0x3;
	s0 =	sadd.s32 $0x17C00, s0;
	[dreg:$0x12] =	wrdreg s26  }
0x12: {  	s19 =	sadd.s32 $0xA, s9;
	s5 =	smax.u32 s5, $0x1;
	[dreg:$0x17] =	wrdreg s0  }
0x13: {  	s21 =	sshrl.u32 s20, $0x3;
	s18 =	sadd.s32 s11, s7;
	[dreg:$0x18] =	wrdreg s5  }
0x14: {  	s22 =	sadd.s32 $0x14, s9;
	s7 =	sadd.s32 s12, s7;
	[dreg:$0x8] =	wrdreg s18  }
0x15: {  	s25 =	sshrl.u32 s23, $0x3;
	s14 =	sadd.s32 s11, s19;
	[dreg:$0x9] =	wrdreg s7  }
0x16: {  	s29 =	sadd.s32 $0x1E, s9;
	s8 =	sadd.s32 s11, s21;
	[dreg:$0xa] =	wrdreg s14  }
0x17: {  	s6 =	sshrl.u32 s6, $0x3;
	s24 =	sadd.s32 s11, s22;
	[dreg:$0xc] =	wrdreg s8  }
0x18: {  	s20 =	sadd.s32 $0x1B8, s3;
	s30 =	sadd.s32 s11, s29;
	[dreg:$0xe] =	wrdreg s24  }
0x19: {  	s31 =	sadd.s32 s11, s6;
	s6 =	sadd.s32 s12, s6;
	[dreg:$0x13] =	wrdreg s30  }
0x1a: {  	s17 =	sadd.s32 $0x208, s3;
	s26 =	sadd.s32 $0x168, s3;
	[dreg:$0x15] =	wrdreg s31  }
0x1b: {  	s7 =	sadd.s32 s12, s19;
	s8 =	sadd.s32 s11, s25;
	[dreg:$0x16] =	wrdreg s6  }
0x1c: {  	s14 =	sshrl.u32 s10, $0x3;
	s18 =	sadd.s32 $0x1E0, s3;
	s24 =	sadd.s32 $0x190, s3  }
0x1d: {  	s30 =	sshrl.u32 s26, $0x3;
	s31 =	sadd.s32 $0x140, s3;
	s26 =	simm.s32 $0x2  }
0x1e: {  	s6 =	simm.s32 $0x12;
	[dreg:$0xb] =	wrdreg s7;
	s7 =	sadd.s32 s12, s21  }
0x1f: {  	[dreg:$0x10] =	wrdreg s8;
	s8 =	sadd.s32 $0x258, s3;
	s16 =	sadd.s32 s14, s12  }
0x20: {  	s5 =	sadd.s32 s14, s11;
	s21 =	sshrl.u32 s20, $0x3;
	[smem:$0x7FD] =	sst s31  }
0x21: {  	s14 =	smov.u32 s11;
	s3 =	simm.s32 $0x19;
	[dreg:$0xd] =	wrdreg s7  }
0x22: {  	s20 =	simm.s32 $0x14400;
	s7 =	sadd.s32 s12, s22;
	[dreg:$0x1b] =	wrdreg s16  }
0x23: {  	s9 =	sshrl.u32 s8, $0x3;
	[dreg:$0x1c] =	wrdreg s5;
	s5 =	sshrl.u32 s18, $0x3  }
0x24: {  	s23 =	sadd.s32 s21, s12;
	s16 =	sadd.s32 s30, s11;
	[dreg:$0xf] =	wrdreg s7  }
0x25: {  	s18 =	simm.s32 $0x28;
	s7 =	sadd.s32 s12, s25;
	[smem:$0x7F8] =	sst s23  }
0x26: {  	s15 =	sadd.s32 s9, s12;
	s0 =	sadd.s32 s9, s11;
	[dreg:$0x11] =	wrdreg s7  }
0x27: {  	s22 =	sadd.s32 s5, s12;
	s5 =	sadd.s32 s5, s11;
	[dreg:$0x19] =	wrdreg s15  }
0x28: {  	s25 =	sshrl.u32 s24, $0x3;
	s9 =	simm.s32 $0x1;
	[dreg:$0x1a] =	wrdreg s0  }
0x29: {  	s24 =	simm.s32 $0x14800;
	s23 =	simm.s32 $0x15C00;
	[dreg:$0x1f] =	wrdreg s22  }
0x2a: {  	s7 =	sadd.s32 s12, s29;
	s0 =	sshrl.u32 s17, $0x3;
	[smem:$0x7F7] =	sst s5  }
0x2b: {  	s29 =	sadd.s32 s25, s12;
	s15 =	smov.u32 s12;
	[dreg:$0x14] =	wrdreg s7  }
0x2c: {  	s5 =	sadd.s32 s30, s12;
	s22 =	simm.s32 $0x14480;
	[smem:$0x7FA] =	sst s29  }
.Ltmp0:
0x2d: {  	s19 =	sadd.s32 s0, s12;
	[smem:$0x7FC] =	sst s5;
	(pc) =	sbr.rel .LBB2_1-.Ltmp0, $4  }
0x2e: {  	s17 =	simm.s32 $0x9;
	s0 =	sadd.s32 s0, s11;
	[dreg:$0x1d] =	wrdreg s19  }
0x2f: {  	s5 =	simm.s32 $0x0;
	[dreg:$0x1e] =	wrdreg s0;
	s0 =	sadd.s32 s21, s11  }
0x30: {  	s19 =	simm.s32 $0x14000;
	[smem:$0x7F9] =	sst s0;
	s0 =	sadd.s32 s25, s11  }
0x31: {  	s21 =	simm.s32 $0x14080;
	s25 =	simm.s32 $0xA;
	[smem:$0x7FB] =	sst s0  }
.LBB2_6:
0x32: {  	s0 =	simm.s32 $0x13  }
0x33: {  	_ =	swait.ge [sflag:s0], $0x1400  }
0x34: {  	[sflag:s0] =	ssyncset.done $0x0  }
0x35: {  	s10 =	simm.s32 $0x14;
	[sflag:s0] =	ssyncadd.s32 $0xFFFFEC00  }
0x36: {  	_ =	swait.ge [sflag:s10], $0x1400  }
0x37: {  	[sflag:s10] =	ssyncset.done $0x0  }
0x38: {  	s11 =	simm.s32 $0x15;
	[sflag:s10] =	ssyncadd.s32 $0xFFFFEC00  }
0x39: {  	_ =	swait.ge [sflag:s11], $0x1400  }
0x3a: {  	[sflag:s11] =	ssyncset.done $0x0  }
0x3b: {  	s12 =	simm.s32 $0x16;
	[sflag:s11] =	ssyncadd.s32 $0xFFFFEC00  }
0x3c: {  	_ =	swait.ge [sflag:s12], $0x1400  }
0x3d: {  	[sflag:s12] =	ssyncset.done $0x0  }
0x3e: {  	s13 =	simm.s32 $0x17;
	[sflag:s12] =	ssyncadd.s32 $0xFFFFEC00  }
0x3f: {  	_ =	swait.ge [sflag:s13], $0x1400  }
0x40: {  	[sflag:s13] =	ssyncset.done $0x0  }
0x41: {  	s29 =	simm.s32 $0x18;
	[sflag:s13] =	ssyncadd.s32 $0xFFFFEC00  }
0x42: {  	_ =	swait.ge [sflag:s29], $0x1400  }
0x43: {  	[sflag:s29] =	ssyncset.done $0x0  }
0x44: {  	[sflag:s29] =	ssyncadd.s32 $0xFFFFEC00  }
0x45: {  	_ =	swait.ge [sflag:s28], $0x1400  }
0x46: {  	[sflag:s28] =	ssyncset.done $0x0  }
0x47: {  	[sflag:s28] =	ssyncadd.s32 $0xFFFFEC00  }
0x48: {  	_ =	swait.ge [sflag:s6], $0x1400  }
0x49: {  	[sflag:s6] =	ssyncset.done $0x0  }
0x4a: {  	[sflag:s6] =	ssyncadd.s32 $0xFFFFEC00  }
0x4b: {  	[bflag:$0x0] =	sbarrier.arrive $0xFFFF  }
0x4c: {  	s3 =	sld [smem:$0x7F6]  }
0x4d: {  	s13 =	rddreg [dreg:$0x6]  }
0x4e: {  	s30 =	rddreg [dreg:$0x17]  }
0x4f: {  	[hbm:s30], [sflag:s13] =	dma.local [spmem:s3], $0x2800  }
0x50: {  	s3 =	simm.s32 $0x19  }
0x51: {  	_ =	swait.ge [sflag:s3], $0x2800  }
0x52: {  	s5 =	sld [smem:$0x7F5];
	_ =	sdelay $0x2  }
0x53: {  	s31 =	rddreg [dreg:$0x18];
	s5 =	sadd.s32 $0x1, s5  }
0x54: {  	p0 =	sne.s32 s5, s31  }
.Ltmp1:
0x55: {  	_ = 	snop;
	(pc) =	sbr.rel @!p0 .LBB2_7-.Ltmp1, $3  }
0x56: {  	_ =	sdelay $0x1  }
0x57: {  	[sflag:s3] =	ssyncset.done $0x0  }
0x58: {  	[sflag:s3] =	ssyncadd.s32 $0xFFFFD800  }
.LBB2_1:
0x59: {  	[smem:$0x7F5] =	sst s5  }
0x5a: {  	s0 =	rddreg [dreg:$0x5]  }
0x5b: {  	s8 =	rddreg [dreg:$0x4];
	s7 =	sshrl.u32 s0, $0x3  }
0x5c: {  	[smem:$0x7F6] =	sst s7  }
0x5d: {  	[spmem:s7], [sflag:s13] =	dma.local [hbm:s8], $0x2800  }
0x5e: {  	_ =	swait.ge [sflag:s3], $0x2800  }
0x5f: {  	[sflag:s3] =	ssyncset.done $0x0  }
0x60: {  	[sflag:s3] =	ssyncadd.s32 $0xFFFFD800  }
0x61: {  	[bflag:$0x0] =	sbarrier.arrive $0xFFFF  }
0x62: {  	s10 =	rddreg [dreg:$0x7]  }
0x63: {  	[tilespmem:s19], [sflag:$0x1] =	stream.linear.gather [hbm4b:s10+s4], $0x28, $0x38;
	[tilespmem:$0x1E800] =	vst v63  }
0x64: {  	s11 =	rddreg [dreg:$0x12]  }
0x65: {  	[tilespmem:s20], [sflag:$0x1] =	stream.linear.gather [hbm4b:s11+s4], $0x28, $0x38;
	[tilespmem:$0x1E800] =	vst v63  }
0x66: {  	s12 =	rddreg [dreg:$0x8]  }
0x67: {  	[tilespmem:s21], [sflag:$0x2] =	stream.linear.gather [hbm4b:s12+s4], $0x28, $0x38;
	[tilespmem:$0x1E800] =	vst v63  }
0x68: {  	s13 =	rddreg [dreg:$0x9]  }
0x69: {  	[tilespmem:s22], [sflag:$0x2] =	stream.linear.gather [hbm4b:s13+s4], $0x28, $0x38;
	[tilespmem:$0x1E800] =	vst v63  }
0x6a: {  	s3 =	simm.s32 $0x14100;
	s31 =	rddreg [dreg:$0xa]  }
0x6b: {  	[tilespmem:s3], [sflag:$0x3] =	stream.linear.gather [hbm4b:s31+s4], $0x28, $0x38;
	[tilespmem:$0x1E800] =	vst v63  }
0x6c: {  	s7 =	simm.s32 $0x14500;
	s5 =	rddreg [dreg:$0xb]  }
0x6d: {  	[tilespmem:s7], [sflag:$0x3] =	stream.linear.gather [hbm4b:s5+s4], $0x28, $0x38;
	[tilespmem:$0x1E800] =	vst v63  }
0x6e: {  	s8 =	rddreg [dreg:$0xc];
	s5 =	simm.s32 $0x14180  }
0x6f: {  	[tilespmem:s5], [sflag:$0x4] =	stream.linear.gather [hbm4b:s8+s4], $0x28, $0x38;
	[tilespmem:$0x1E800] =	vst v63  }
0x70: {  	s10 =	rddreg [dreg:$0xd];
	s7 =	simm.s32 $0x14580  }
0x71: {  	[tilespmem:s7], [sflag:$0x4] =	stream.linear.gather [hbm4b:s10+s4], $0x28, $0x38;
	[tilespmem:$0x1E800] =	vst v63  }
0x72: {  	s11 =	rddreg [dreg:$0xe];
	s7 =	simm.s32 $0x14200  }
0x73: {  	[tilespmem:s7], [sflag:$0x5] =	stream.linear.gather [hbm4b:s11+s4], $0x28, $0x38;
	[tilespmem:$0x1E800] =	vst v63  }
0x74: {  	s12 =	rddreg [dreg:$0xf];
	s8 =	simm.s32 $0x14600  }
0x75: {  	[tilespmem:s8], [sflag:$0x5] =	stream.linear.gather [hbm4b:s12+s4], $0x28, $0x38;
	[tilespmem:$0x1E800] =	vst v63  }
0x76: {  	s13 =	rddreg [dreg:$0x10];
	s8 =	simm.s32 $0x14280  }
0x77: {  	[tilespmem:s8], [sflag:$0x6] =	stream.linear.gather [hbm4b:s13+s4], $0x28, $0x38;
	[tilespmem:$0x1E800] =	vst v63  }
0x78: {  	s31 =	rddreg [dreg:$0x11];
	s10 =	simm.s32 $0x14680  }
0x79: {  	[tilespmem:s10], [sflag:$0x6] =	stream.linear.gather [hbm4b:s31+s4], $0x28, $0x38;
	[tilespmem:$0x1E800] =	vst v63  }
0x7a: {  	s11 =	rddreg [dreg:$0x13];
	s10 =	simm.s32 $0x14300  }
0x7b: {  	[tilespmem:s10], [sflag:$0x7] =	stream.linear.gather [hbm4b:s11+s4], $0x28, $0x38;
	[tilespmem:$0x1E800] =	vst v63  }
0x7c: {  	s12 =	rddreg [dreg:$0x14];
	s11 =	simm.s32 $0x14700  }
0x7d: {  	[tilespmem:s11], [sflag:$0x7] =	stream.linear.gather [hbm4b:s12+s4], $0x28, $0x38;
	[tilespmem:$0x1E800] =	vst v63  }
0x7e: {  	s13 =	rddreg [dreg:$0x15];
	s11 =	simm.s32 $0x14380  }
0x7f: {  	[tilespmem:s11], [sflag:$0x8] =	stream.linear.gather [hbm4b:s13+s4], $0x28, $0x38;
	[tilespmem:$0x1E800] =	vst v63  }
0x80: {  	s31 =	rddreg [dreg:$0x16];
	s12 =	simm.s32 $0x14780  }
0x81: {  	[tilespmem:s12], [sflag:$0x8] =	stream.linear.gather [hbm4b:s31+s4], $0x28, $0x38;
	[tilespmem:$0x1E800] =	vst v63  }
0x82: {  	_ =	swait.ge [sflag:s9], $0x28  }
0x83: {  	[sflag:s9] =	ssyncset.done $0x0  }
0x84: {  	[sflag:s9] =	ssyncadd.s32 $0xFFFFFFD8  }
0x85: {  	_ =	swait.ge [sflag:s9], $0x28  }
0x86: {  	[sflag:s9] =	ssyncset.done $0x0  }
0x87: {  	[sflag:s9] =	ssyncadd.s32 $0xFFFFFFD8  }
0x88: {  	[tilespmem:s24], [sflag:$0x9] =	stream.indirect.gather [hbm4b:s1+s18], $0x80, s19, s18, $0xb8;
	[tilespmem:$0x1E800] =	vst v63  }
0x89: {  	_ =	swait.ge [sflag:s26], $0x28  }
0x8a: {  	[sflag:s26] =	ssyncset.done $0x0  }
0x8b: {  	[sflag:s26] =	ssyncadd.s32 $0xFFFFFFD8  }
0x8c: {  	_ =	swait.ge [sflag:s26], $0x28  }
0x8d: {  	[sflag:s26] =	ssyncset.done $0x0  }
0x8e: {  	s13 =	simm.s32 $0x3;
	[sflag:s26] =	ssyncadd.s32 $0xFFFFFFD8  }
0x8f: {  	[tilespmem:s23], [sflag:$0xA] =	stream.indirect.gather [hbm4b:s1+s18], $0x80, s21, s18, $0xb8;
	[tilespmem:$0x1E800] =	vst v63  }
0x90: {  	_ =	swait.ge [sflag:s13], $0x28  }
0x91: {  	[sflag:s13] =	ssyncset.done $0x0  }
0x92: {  	[sflag:s13] =	ssyncadd.s32 $0xFFFFFFD8  }
0x93: {  	_ =	swait.ge [sflag:s13], $0x28  }
0x94: {  	[sflag:s13] =	ssyncset.done $0x0  }
0x95: {  	s31 =	simm.s32 $0x17000;
	s12 =	simm.s32 $0x4;
	[sflag:s13] =	ssyncadd.s32 $0xFFFFFFD8  }
0x96: {  	[tilespmem:s31], [sflag:$0xB] =	stream.indirect.gather [hbm4b:s1+s18], $0x80, s3, s18, $0xb8;
	[tilespmem:$0x1E800] =	vst v63  }
0x97: {  	_ =	swait.ge [sflag:s12], $0x28  }
0x98: {  	[sflag:s12] =	ssyncset.done $0x0  }
0x99: {  	[sflag:s12] =	ssyncadd.s32 $0xFFFFFFD8  }
0x9a: {  	_ =	swait.ge [sflag:s12], $0x28  }
0x9b: {  	[sflag:s12] =	ssyncset.done $0x0  }
0x9c: {  	s13 =	simm.s32 $0x18400;
	s31 =	simm.s32 $0x5;
	[sflag:s12] =	ssyncadd.s32 $0xFFFFFFD8  }
0x9d: {  	[tilespmem:s13], [sflag:$0xC] =	stream.indirect.gather [hbm4b:s1+s18], $0x80, s5, s18, $0xb8;
	[tilespmem:$0x1E800] =	vst v63  }
0x9e: {  	_ =	swait.ge [sflag:s31], $0x28  }
0x9f: {  	[sflag:s31] =	ssyncset.done $0x0  }
0xa0: {  	[sflag:s31] =	ssyncadd.s32 $0xFFFFFFD8  }
0xa1: {  	_ =	swait.ge [sflag:s31], $0x28  }
0xa2: {  	[sflag:s31] =	ssyncset.done $0x0  }
0xa3: {  	s3 =	simm.s32 $0x19800;
	s5 =	simm.s32 $0x6;
	[sflag:s31] =	ssyncadd.s32 $0xFFFFFFD8  }
0xa4: {  	[tilespmem:s3], [sflag:$0xD] =	stream.indirect.gather [hbm4b:s1+s18], $0x80, s7, s18, $0xb8;
	[tilespmem:$0x1E800] =	vst v63  }
0xa5: {  	_ =	swait.ge [sflag:s5], $0x28  }
0xa6: {  	[sflag:s5] =	ssyncset.done $0x0  }
0xa7: {  	[sflag:s5] =	ssyncadd.s32 $0xFFFFFFD8  }
0xa8: {  	_ =	swait.ge [sflag:s5], $0x28  }
0xa9: {  	[sflag:s5] =	ssyncset.done $0x0  }
0xaa: {  	s7 =	simm.s32 $0x1AC00;
	[sflag:s5] =	ssyncadd.s32 $0xFFFFFFD8  }
0xab: {  	[tilespmem:s7], [sflag:$0xE] =	stream.indirect.gather [hbm4b:s1+s18], $0x80, s8, s18, $0xb8;
	[tilespmem:$0x1E800] =	vst v63  }
0xac: {  	s8 =	simm.s32 $0x7  }
0xad: {  	_ =	swait.ge [sflag:s8], $0x28  }
0xae: {  	[sflag:s8] =	ssyncset.done $0x0  }
0xaf: {  	[sflag:s8] =	ssyncadd.s32 $0xFFFFFFD8  }
0xb0: {  	_ =	swait.ge [sflag:s8], $0x28  }
0xb1: {  	[sflag:s8] =	ssyncset.done $0x0  }
0xb2: {  	s12 =	simm.s32 $0x1C000;
	s13 =	simm.s32 $0x8;
	[sflag:s8] =	ssyncadd.s32 $0xFFFFFFD8  }
0xb3: {  	[tilespmem:s12], [sflag:$0xF] =	stream.indirect.gather [hbm4b:s1+s18], $0x80, s10, s18, $0xb8;
	[tilespmem:$0x1E800] =	vst v63  }
0xb4: {  	_ =	swait.ge [sflag:s13], $0x28  }
0xb5: {  	[sflag:s13] =	ssyncset.done $0x0  }
.Ltmp2:
0xb6: {  	[sflag:s13] =	ssyncadd.s32 $0xFFFFFFD8;
	(pc) =	sbr.rel .LBB2_2-.Ltmp2, $4  }
0xb7: {  	_ =	swait.ge [sflag:s13], $0x28  }
0xb8: {  	s29 =	simm.s32 $0x0;
	s30 =	simm.s32 $0x0;
	[sflag:s13] =	ssyncset.done $0x0  }
0xb9: {  	s31 =	simm.s32 $0x1D400;
	s5 =	sld [smem:$0x7FD];
	[sflag:s13] =	ssyncadd.s32 $0xFFFFFFD8  }
0xba: {  	[tilespmem:s31], [sflag:$0x10] =	stream.indirect.gather [hbm4b:s1+s18], $0x80, s11, s18, $0xb8;
	[tilespmem:$0x1E800] =	vst v63  }
.LBB2_3:
0xbb: {  	s0 =	simm.s32 $0xB  }
0xbc: {  	_ =	swait.ge [sflag:s0], $0x1400  }
0xbd: {  	s31 =	simm.s32 $0x14500;
	[sflag:s0] =	ssyncset.done $0x0  }
0xbe: {  	s3 =	simm.s32 $0x17000;
	s7 =	simm.s32 $0xC;
	[sflag:s0] =	ssyncadd.s32 $0xFFFFEC00  }
0xbf: {  	[spmem:s2] =	stream.indirect.scatter.add.f32 [tilespmem:s3], [sflag:$0x13], $0x80, s31, s18, $0xb8;
	[tilespmem:$0x1E800] =	vst v63  }
0xc0: {  	_ =	swait.ge [sflag:s7], $0x1400  }
0xc1: {  	s8 =	simm.s32 $0x14580;
	[sflag:s7] =	ssyncset.done $0x0  }
0xc2: {  	s10 =	simm.s32 $0x18400;
	s11 =	simm.s32 $0xD;
	[sflag:s7] =	ssyncadd.s32 $0xFFFFEC00  }
0xc3: {  	[spmem:s2] =	stream.indirect.scatter.add.f32 [tilespmem:s10], [sflag:$0x14], $0x80, s8, s18, $0xb8;
	[tilespmem:$0x1E800] =	vst v63  }
0xc4: {  	_ =	swait.ge [sflag:s11], $0x1400  }
0xc5: {  	s12 =	simm.s32 $0x14600;
	[sflag:s11] =	ssyncset.done $0x0  }
0xc6: {  	s13 =	simm.s32 $0x19800;
	s31 =	simm.s32 $0xE;
	[sflag:s11] =	ssyncadd.s32 $0xFFFFEC00  }
0xc7: {  	[spmem:s2] =	stream.indirect.scatter.add.f32 [tilespmem:s13], [sflag:$0x15], $0x80, s12, s18, $0xb8;
	[tilespmem:$0x1E800] =	vst v63  }
0xc8: {  	_ =	swait.ge [sflag:s31], $0x1400  }
0xc9: {  	s3 =	simm.s32 $0x14680;
	[sflag:s31] =	ssyncset.done $0x0  }
0xca: {  	s7 =	simm.s32 $0x1AC00;
	s8 =	simm.s32 $0xF;
	[sflag:s31] =	ssyncadd.s32 $0xFFFFEC00  }
0xcb: {  	[spmem:s2] =	stream.indirect.scatter.add.f32 [tilespmem:s7], [sflag:$0x16], $0x80, s3, s18, $0xb8;
	[tilespmem:$0x1E800] =	vst v63  }
0xcc: {  	_ =	swait.ge [sflag:s8], $0x1400  }
0xcd: {  	s10 =	simm.s32 $0x14700;
	[sflag:s8] =	ssyncset.done $0x0  }
0xce: {  	s11 =	simm.s32 $0x1C000;
	s12 =	simm.s32 $0x10;
	[sflag:s8] =	ssyncadd.s32 $0xFFFFEC00  }
0xcf: {  	[spmem:s2] =	stream.indirect.scatter.add.f32 [tilespmem:s11], [sflag:$0x17], $0x80, s10, s18, $0xb8;
	[tilespmem:$0x1E800] =	vst v63  }
0xd0: {  	_ =	swait.ge [sflag:s12], $0x1400  }
0xd1: {  	[sflag:s12] =	ssyncset.done $0x0  }
0xd2: {  	s13 =	simm.s32 $0x14780;
	s31 =	simm.s32 $0x1D400;
	[sflag:s12] =	ssyncadd.s32 $0xFFFFEC00  }
0xd3: {  	[spmem:s2] =	stream.indirect.scatter.add.f32 [tilespmem:s31], [sflag:$0x18], $0x80, s13, s18, $0xb8;
	[tilespmem:$0x1E800] =	vst v63  }
.LBB2_5:
0xd4: {  	_ =	swait.ge [sflag:s28], $0x1400  }
0xd5: {  	s0 =	sshrl.u32 s5, $0x3;
	[sflag:s28] =	ssyncset.done $0x0  }
0xd6: {  	s3 =	sadd.s32 s14, s0;
	[sflag:s28] =	ssyncadd.s32 $0xFFFFEC00  }
0xd7: {  	[tilespmem:s19], [sflag:$0x1] =	stream.linear.gather [hbm4b:s3+s4], $0x28, $0x38;
	[tilespmem:$0x1E800] =	vst v63  }
0xd8: {  	s0 =	sadd.s32 s15, s0  }
0xd9: {  	[tilespmem:s20], [sflag:$0x1] =	stream.linear.gather [hbm4b:s0+s4], $0x28, $0x38;
	[tilespmem:$0x1E800] =	vst v63  }
0xda: {  	_ =	swait.ge [sflag:s6], $0x1400  }
0xdb: {  	[sflag:s6] =	ssyncset.done $0x0;
	s31 =	sld [smem:$0x7FC]  }
0xdc: {  	s13 =	sadd.s32 s29, s16;
	[sflag:s6] =	ssyncadd.s32 $0xFFFFEC00  }
0xdd: {  	[tilespmem:s21], [sflag:$0x2] =	stream.linear.gather [hbm4b:s13+s4], $0x28, $0x38;
	[tilespmem:$0x1E800] =	vst v63  }
0xde: {  	p0 =	sgt.u32 s30, $0x1D;
	s0 =	sadd.s32 s29, s31  }
0xdf: {  	[tilespmem:s22], [sflag:$0x2] =	stream.linear.gather [hbm4b:s0+s4], $0x28, $0x38;
	[tilespmem:$0x1E800] =	vst v63  }
0xe0: {  	s0 =	simm.s32 @!p0 $0x13  }
0xe1: {  	_ =	swait.ge @!p0 [sflag:s0], $0x1400  }
0xe2: {  	[sflag:s0] =	ssyncset.done @!p0 $0x0  }
0xe3: {  	[sflag:s0] =	ssyncadd.s32 @!p0 $0xFFFFEC00;
	s0 =	sld [smem:$0x7FB];
	_ =	sdelay $0x2  }
0xe4: {  	s11 =	simm.s32 @!p0 $0x0;
	s31 =	simm.s32 @!p0 $0x14100;
	s0 =	sadd.s32 @!p0 s29, s0  }
0xe5: {  	[tilespmem:s31], [sflag:$0x3] =	stream.linear.gather @!p0 [hbm4b:s0+s11], $0x28, $0x38;
	[tilespmem:$0x1E800] =	vst v63  }
0xe6: {  	s0 =	sld [smem:$0x7FA];
	_ =	sdelay $0x2  }
0xe7: {  	s3 =	simm.s32 @!p0 $0x14500;
	s0 =	sadd.s32 @!p0 s29, s0  }
0xe8: {  	[tilespmem:s3], [sflag:$0x3] =	stream.linear.gather @!p0 [hbm4b:s0+s11], $0x28, $0x38;
	[tilespmem:$0x1E800] =	vst v63  }
0xe9: {  	s0 =	simm.s32 @!p0 $0x14  }
0xea: {  	_ =	swait.ge @!p0 [sflag:s0], $0x1400  }
0xeb: {  	[sflag:s0] =	ssyncset.done @!p0 $0x0  }
0xec: {  	[sflag:s0] =	ssyncadd.s32 @!p0 $0xFFFFEC00;
	s0 =	sld [smem:$0x7F9];
	_ =	sdelay $0x2  }
0xed: {  	s3 =	sadd.s32 @!p0 s29, s0;
	s0 =	simm.s32 @!p0 $0x14180  }
0xee: {  	[tilespmem:s0], [sflag:$0x4] =	stream.linear.gather @!p0 [hbm4b:s3+s11], $0x28, $0x38;
	[tilespmem:$0x1E800] =	vst v63  }
0xef: {  	s3 =	sld [smem:$0x7F8];
	_ =	sdelay $0x2  }
0xf0: {  	s7 =	simm.s32 @!p0 $0x14580;
	s3 =	sadd.s32 @!p0 s29, s3  }
0xf1: {  	[tilespmem:s7], [sflag:$0x4] =	stream.linear.gather @!p0 [hbm4b:s3+s11], $0x28, $0x38;
	[tilespmem:$0x1E800] =	vst v63  }
0xf2: {  	s3 =	simm.s32 @!p0 $0x15  }
0xf3: {  	_ =	swait.ge @!p0 [sflag:s3], $0x1400  }
0xf4: {  	[sflag:s3] =	ssyncset.done @!p0 $0x0  }
0xf5: {  	[sflag:s3] =	ssyncadd.s32 @!p0 $0xFFFFEC00;
	s3 =	sld [smem:$0x7F7];
	_ =	sdelay $0x2  }
0xf6: {  	s7 =	sadd.s32 @!p0 s29, s3;
	s3 =	simm.s32 @!p0 $0x14200  }
0xf7: {  	[tilespmem:s3], [sflag:$0x5] =	stream.linear.gather @!p0 [hbm4b:s7+s11], $0x28, $0x38;
	[tilespmem:$0x1E800] =	vst v63  }
0xf8: {  	s7 =	rddreg [dreg:$0x1f]  }
0xf9: {  	s8 =	simm.s32 @!p0 $0x14600;
	s7 =	sadd.s32 @!p0 s29, s7  }
0xfa: {  	[tilespmem:s8], [sflag:$0x5] =	stream.linear.gather @!p0 [hbm4b:s7+s11], $0x28, $0x38;
	[tilespmem:$0x1E800] =	vst v63  }
0xfb: {  	s7 =	simm.s32 @!p0 $0x16  }
0xfc: {  	_ =	swait.ge @!p0 [sflag:s7], $0x1400  }
0xfd: {  	[sflag:s7] =	ssyncset.done @!p0 $0x0  }
0xfe: {  	[sflag:s7] =	ssyncadd.s32 @!p0 $0xFFFFEC00;
	s7 =	rddreg [dreg:$0x1e]  }
0xff: {  	s8 =	sadd.s32 @!p0 s29, s7;
	s7 =	simm.s32 @!p0 $0x14280  }
0x100: {  	[tilespmem:s7], [sflag:$0x6] =	stream.linear.gather @!p0 [hbm4b:s8+s11], $0x28, $0x38;
	[tilespmem:$0x1E800] =	vst v63  }
0x101: {  	s8 =	rddreg [dreg:$0x1d]  }
0x102: {  	s10 =	simm.s32 @!p0 $0x14680;
	s8 =	sadd.s32 @!p0 s29, s8  }
0x103: {  	[tilespmem:s10], [sflag:$0x6] =	stream.linear.gather @!p0 [hbm4b:s8+s11], $0x28, $0x38;
	[tilespmem:$0x1E800] =	vst v63  }
0x104: {  	s8 =	simm.s32 @!p0 $0x17  }
0x105: {  	_ =	swait.ge @!p0 [sflag:s8], $0x1400  }
0x106: {  	[sflag:s8] =	ssyncset.done @!p0 $0x0  }
0x107: {  	[sflag:s8] =	ssyncadd.s32 @!p0 $0xFFFFEC00;
	s8 =	rddreg [dreg:$0x1c]  }
0x108: {  	s10 =	sadd.s32 @!p0 s29, s8;
	s8 =	simm.s32 @!p0 $0x14300  }
0x109: {  	[tilespmem:s8], [sflag:$0x7] =	stream.linear.gather @!p0 [hbm4b:s10+s11], $0x28, $0x38;
	[tilespmem:$0x1E800] =	vst v63  }
0x10a: {  	s10 =	rddreg [dreg:$0x1b]  }
0x10b: {  	s12 =	simm.s32 @!p0 $0x14700;
	s10 =	sadd.s32 @!p0 s29, s10  }
0x10c: {  	[tilespmem:s12], [sflag:$0x7] =	stream.linear.gather @!p0 [hbm4b:s10+s11], $0x28, $0x38;
	[tilespmem:$0x1E800] =	vst v63  }
0x10d: {  	s10 =	simm.s32 @!p0 $0x18  }
0x10e: {  	_ =	swait.ge @!p0 [sflag:s10], $0x1400  }
0x10f: {  	[sflag:s10] =	ssyncset.done @!p0 $0x0  }
0x110: {  	[sflag:s10] =	ssyncadd.s32 @!p0 $0xFFFFEC00;
	s10 =	rddreg [dreg:$0x1a]  }
0x111: {  	s12 =	sadd.s32 @!p0 s29, s10;
	s10 =	simm.s32 @!p0 $0x14380  }
0x112: {  	[tilespmem:s10], [sflag:$0x8] =	stream.linear.gather @!p0 [hbm4b:s12+s11], $0x28, $0x38;
	[tilespmem:$0x1E800] =	vst v63  }
0x113: {  	s12 =	rddreg [dreg:$0x19]  }
0x114: {  	s13 =	simm.s32 @!p0 $0x14780;
	s12 =	sadd.s32 @!p0 s29, s12  }
0x115: {  	[tilespmem:s13], [sflag:$0x8] =	stream.linear.gather @!p0 [hbm4b:s12+s11], $0x28, $0x38;
	[tilespmem:$0x1E800] =	vst v63  }
0x116: {  	_ =	swait.ge [sflag:s9], $0x28  }
0x117: {  	[sflag:s9] =	ssyncset.done $0x0  }
0x118: {  	[sflag:s9] =	ssyncadd.s32 $0xFFFFFFD8  }
0x119: {  	_ =	swait.ge [sflag:s9], $0x28  }
0x11a: {  	[sflag:s9] =	ssyncset.done $0x0  }
0x11b: {  	[sflag:s9] =	ssyncadd.s32 $0xFFFFFFD8  }
0x11c: {  	[tilespmem:s24], [sflag:$0x9] =	stream.indirect.gather [hbm4b:s1+s18], $0x80, s19, s18, $0xb8;
	[tilespmem:$0x1E800] =	vst v63  }
0x11d: {  	_ =	swait.ge [sflag:s26], $0x28  }
0x11e: {  	[sflag:s26] =	ssyncset.done $0x0  }
0x11f: {  	[sflag:s26] =	ssyncadd.s32 $0xFFFFFFD8  }
0x120: {  	_ =	swait.ge [sflag:s26], $0x28  }
0x121: {  	[sflag:s26] =	ssyncset.done $0x0  }
0x122: {  	s11 =	simm.s32 @!p0 $0x3;
	[sflag:s26] =	ssyncadd.s32 $0xFFFFFFD8  }
0x123: {  	[tilespmem:s23], [sflag:$0xA] =	stream.indirect.gather [hbm4b:s1+s18], $0x80, s21, s18, $0xb8;
	[tilespmem:$0x1E800] =	vst v63  }
0x124: {  	_ =	swait.ge @!p0 [sflag:s11], $0x28  }
0x125: {  	[sflag:s11] =	ssyncset.done @!p0 $0x0  }
0x126: {  	[sflag:s11] =	ssyncadd.s32 @!p0 $0xFFFFFFD8  }
0x127: {  	_ =	swait.ge @!p0 [sflag:s11], $0x28  }
0x128: {  	[sflag:s11] =	ssyncset.done @!p0 $0x0  }
0x129: {  	s12 =	simm.s32 @!p0 $0x17000;
	[sflag:s11] =	ssyncadd.s32 @!p0 $0xFFFFFFD8;
	s11 =	simm.s32 @!p0 $0x28  }
0x12a: {  	[tilespmem:s12], [sflag:$0xB] =	stream.indirect.gather @!p0 [hbm4b:s1+s11], $0x80, s31, s11, $0xb8;
	[tilespmem:$0x1E800] =	vst v63  }
0x12b: {  	s12 =	simm.s32 @!p0 $0x4  }
0x12c: {  	_ =	swait.ge @!p0 [sflag:s12], $0x28  }
0x12d: {  	[sflag:s12] =	ssyncset.done @!p0 $0x0  }
0x12e: {  	[sflag:s12] =	ssyncadd.s32 @!p0 $0xFFFFFFD8  }
0x12f: {  	_ =	swait.ge @!p0 [sflag:s12], $0x28  }
0x130: {  	[sflag:s12] =	ssyncset.done @!p0 $0x0  }
0x131: {  	[sflag:s12] =	ssyncadd.s32 @!p0 $0xFFFFFFD8;
	s12 =	simm.s32 @!p0 $0x18400  }
0x132: {  	[tilespmem:s12], [sflag:$0xC] =	stream.indirect.gather @!p0 [hbm4b:s1+s11], $0x80, s0, s11, $0xb8;
	[tilespmem:$0x1E800] =	vst v63  }
0x133: {  	s0 =	simm.s32 @!p0 $0x5  }
0x134: {  	_ =	swait.ge @!p0 [sflag:s0], $0x28  }
0x135: {  	[sflag:s0] =	ssyncset.done @!p0 $0x0  }
0x136: {  	[sflag:s0] =	ssyncadd.s32 @!p0 $0xFFFFFFD8  }
0x137: {  	_ =	swait.ge @!p0 [sflag:s0], $0x28  }
0x138: {  	[sflag:s0] =	ssyncset.done @!p0 $0x0  }
0x139: {  	[sflag:s0] =	ssyncadd.s32 @!p0 $0xFFFFFFD8;
	s0 =	simm.s32 @!p0 $0x19800  }
0x13a: {  	[tilespmem:s0], [sflag:$0xD] =	stream.indirect.gather @!p0 [hbm4b:s1+s11], $0x80, s3, s11, $0xb8;
	[tilespmem:$0x1E800] =	vst v63  }
0x13b: {  	s0 =	simm.s32 @!p0 $0x6  }
0x13c: {  	_ =	swait.ge @!p0 [sflag:s0], $0x28  }
0x13d: {  	[sflag:s0] =	ssyncset.done @!p0 $0x0  }
0x13e: {  	[sflag:s0] =	ssyncadd.s32 @!p0 $0xFFFFFFD8  }
0x13f: {  	_ =	swait.ge @!p0 [sflag:s0], $0x28  }
0x140: {  	[sflag:s0] =	ssyncset.done @!p0 $0x0  }
0x141: {  	[sflag:s0] =	ssyncadd.s32 @!p0 $0xFFFFFFD8;
	s0 =	simm.s32 @!p0 $0x1AC00  }
0x142: {  	[tilespmem:s0], [sflag:$0xE] =	stream.indirect.gather @!p0 [hbm4b:s1+s11], $0x80, s7, s11, $0xb8;
	[tilespmem:$0x1E800] =	vst v63  }
0x143: {  	s0 =	simm.s32 @!p0 $0x7  }
0x144: {  	_ =	swait.ge @!p0 [sflag:s0], $0x28  }
0x145: {  	[sflag:s0] =	ssyncset.done @!p0 $0x0  }
0x146: {  	[sflag:s0] =	ssyncadd.s32 @!p0 $0xFFFFFFD8  }
0x147: {  	_ =	swait.ge @!p0 [sflag:s0], $0x28  }
0x148: {  	[sflag:s0] =	ssyncset.done @!p0 $0x0  }
0x149: {  	[sflag:s0] =	ssyncadd.s32 @!p0 $0xFFFFFFD8;
	s0 =	simm.s32 @!p0 $0x1C000  }
0x14a: {  	[tilespmem:s0], [sflag:$0xF] =	stream.indirect.gather @!p0 [hbm4b:s1+s11], $0x80, s8, s11, $0xb8;
	[tilespmem:$0x1E800] =	vst v63  }
0x14b: {  	s0 =	simm.s32 @!p0 $0x8  }
0x14c: {  	_ =	swait.ge @!p0 [sflag:s0], $0x28  }
0x14d: {  	[sflag:s0] =	ssyncset.done @!p0 $0x0  }
0x14e: {  	[sflag:s0] =	ssyncadd.s32 @!p0 $0xFFFFFFD8  }
0x14f: {  	_ =	swait.ge @!p0 [sflag:s0], $0x28  }
0x150: {  	[sflag:s0] =	ssyncset.done @!p0 $0x0  }
0x151: {  	s29 =	sadd.s32 $0x28, s29;
	[sflag:s0] =	ssyncadd.s32 @!p0 $0xFFFFFFD8;
	s0 =	simm.s32 @!p0 $0x1D400  }
0x152: {  	[tilespmem:s0], [sflag:$0x10] =	stream.indirect.gather @!p0 [hbm4b:s1+s11], $0x80, s10, s11, $0xb8;
	[tilespmem:$0x1E800] =	vst v63  }
0x153: {  	p0 =	sne.s32 s29, $0x500  }
.Ltmp3:
0x154: {  	_ = 	snop;
	(pc) =	sbr.rel @!p0 .LBB2_6-.Ltmp3, $2  }
0x155: {  	_ =	sdelay $0x2  }
0x156: {  	s30 =	sadd.s32 $0x1, s30;
	s5 =	sadd.s32 $0x140, s5  }
.LBB2_2:
0x157: {  	_ =	swait.ge [sflag:s17], $0x1400  }
0x158: {  	[sflag:s17] =	ssyncset.done $0x0  }
0x159: {  	p0 =	sgt.u32 s30, $0x1E;
	[sflag:s17] =	ssyncadd.s32 $0xFFFFEC00  }
0x15a: {  	[spmem:s2] =	stream.indirect.scatter.add.f32 [tilespmem:s24], [sflag:$0x11], $0x80, s20, s18, $0xb8;
	[tilespmem:$0x1E800] =	vst v63  }
.Ltmp4:
0x15b: {  	_ = 	snop;
	(pc) =	sbr.rel @!p0 .LBB2_3-.Ltmp4, $4  }
0x15c: {  	_ =	swait.ge [sflag:s25], $0x1400  }
0x15d: {  	[sflag:s25] =	ssyncset.done $0x0  }
0x15e: {  	[sflag:s25] =	ssyncadd.s32 $0xFFFFEC00  }
0x15f: {  	[spmem:s2] =	stream.indirect.scatter.add.f32 [tilespmem:s23], [sflag:$0x12], $0x80, s22, s18, $0xb8;
	[tilespmem:$0x1E800] =	vst v63  }
0x160: {  	p0 =	seq.s32 s29, $0x4D8  }
.Ltmp5:
0x161: {  	_ = 	snop;
	(pc) =	sbr.rel @!p0 .LBB2_5-.Ltmp5, $4  }
.Ltmp6:
0x162: {  	_ = 	snop;
	(pc) =	sbr.rel @p0 .LBB2_6-.Ltmp6, $4  }
0x163: {  	_ = 	snop  }
0x164: {  	_ = 	snop  }
0x165: {  	_ = 	snop  }
0x166: {  	_ = 	snop  }
.LBB2_7:
0x167: {  	_ =	sfence.sel $0x180000  }
0x168: {  	[bflag:$0x0] =	sbarrier.arrive $0xFFFF  }
0x169: {  	_ =	strace $0x9000004A  }
0x16a: {  	s0 =	stileid.u32;
	[bflag:$0x2] =	sbarrier.arrive $0xFFFF  }
0x16b: {  	p0 =	sne.s32 s0, $0x0;
	s0 =	rddreg [dreg:$0x3]  }
0x16c: {  	s0 =	sadd.s32 @!p0 $0x100000, s0  }
0x16d: {  	[sflag:s0] =	ssyncadd.tile.s32 @!p0 $0x1;
	_ =	shalt  }
.Lfunc_end2:
_tile_overlayer_lowered:
.L_overlay_start_2:
0x16e: {  	(tag) =	ssettag $0x2  }
0x16f: {  	s0 =	rddreg [dreg:$0x0];
	s2 =	stileid.u32  }
0x170: {  	s1 =	rddreg [dreg:$0x1];
	p0 =	sne.s32 s2, $0x0  }
0x171: {  	s3 =	rddreg [dreg:$0x2];
	[bflag:$0x3] =	sbarrier.arrive $0xFFFF;
	s2 =	simm.s32 @!p0 $0x1C19  }
0x172: {  	[timem:s3], [sflag:s2] =	dma.local @!p0 [hbm:s0], s1  }
0x173: {  	s0 =	simm.s32 @!p0 $0x19  }
0x174: {  	_ =	swait.ge @!p0 [sflag:s0], s1  }
0x175: {  	s1 =	ssub.s32 @!p0 $0x0, s1;
	[sflag:s0] =	ssyncset.done @!p0 $0x0  }
0x176: {  	[sflag:s0] =	ssyncadd.s32 @!p0 s1  }
0x177: {  	[bflag:$0x3] =	sbarrier.arrive $0xFFFF  }
0x178: {  	_ =	shalt  }

</sc_bundles>
